<compile_context>
chip_gen: v7x
topology: tpu7x:2x2x1
jax: 0.10.2.dev20260603
libtpu: 0.0.44.dev20260713+nightly
codegen_flags: <defaults>
</compile_context>

<pallas_src>
import functools

import jax
import jax.numpy as jnp
from jax import lax
from jax.experimental import pallas as pl
from jax.experimental.pallas import tpu as pltpu
from jax.experimental.pallas import tpu_sc as plsc

G = 316
NN = G * G
HID = 64
C = 16384
T = 7
NPAD = 101120
RS = T * C
LEN_S = 32 * RS
Q = NPAD // 4
Q8 = NPAD // 8
K = 6320
H = 320
WNODES = K + 2 * H
MAIN = WNODES - H
ROWS = K // G


def _sc_dots(b0, x_ref, s_ref, w0_v, w1_v, s0_v, s1_v, s2_v, s3_v):
    wid = lax.axis_index("s") * 2 + lax.axis_index("c")
    bl = wid // 8
    b = b0 + bl
    q = wid % 8
    iota = lax.iota(jnp.int32, 16)
    sbufs = (s0_v, s1_v, s2_v, s3_v)
    wins = (w0_v, w1_v)

    for j in range(2):
        nb = q * Q8 + j * K
        for c in range(2):
            cb = (2 * b + c) * NN
            if j == 0:
                d0 = jnp.where(q == 0, NN - H, nb - H)
            else:
                d0 = nb - H
            pltpu.sync_copy(x_ref.at[pl.ds(cb + d0, H)],
                            wins[c].at[pl.ds(0, H)])
            if j == 1:
                m0 = jnp.where(q == 7, NN - MAIN, nb)
            else:
                m0 = nb
            pltpu.sync_copy(x_ref.at[pl.ds(cb + m0, MAIN)],
                            wins[c].at[pl.ds(H, MAIN)])
        if j == 1:
            @pl.when(q == 7)
            def _():
                nb3 = 7 * Q8 + K
                for c in range(2):
                    cb = (2 * b + c) * NN
                    pltpu.sync_copy(x_ref.at[pl.ds(cb + nb3, NN - nb3)],
                                    wins[c].at[pl.ds(H, NN - nb3)])
                    pltpu.sync_copy(x_ref.at[pl.ds(cb, H)],
                                    wins[c].at[pl.ds(H + NN - nb3, H)])

        def dots(i, _):
            m = H + 16 * i
            c0 = w0_v[pl.ds(m, 16)]
            c1 = w1_v[pl.ds(m, 16)]
            s0_v[pl.ds(16 * i, 16)] = (c0 * w0_v[pl.ds(m + 316, 16)] +
                                       c1 * w1_v[pl.ds(m + 316, 16)])
            s1_v[pl.ds(16 * i, 16)] = (c0 * w0_v[pl.ds(m - 316, 16)] +
                                       c1 * w1_v[pl.ds(m - 316, 16)])
            s2_v[pl.ds(16 * i, 16)] = (c0 * w0_v[pl.ds(m - 1, 16)] +
                                       c1 * w1_v[pl.ds(m - 1, 16)])
            s3_v[pl.ds(16 * i, 16)] = (c0 * w0_v[pl.ds(m + 1, 16)] +
                                       c1 * w1_v[pl.ds(m + 1, 16)])
            return 0
        lax.fori_loop(0, K // 16, dots, 0)

        for f in range(2):
            rr = 16 * f + iota
            msk = rr < ROWS
            rr = jnp.minimum(rr, ROWS - 1)
            mrow = H + rr * G
            cl0 = plsc.load_gather(w0_v, [mrow], mask=msk)
            cl1 = plsc.load_gather(w1_v, [mrow], mask=msk)
            nl0 = plsc.load_gather(w0_v, [mrow + 315], mask=msk)
            nl1 = plsc.load_gather(w1_v, [mrow + 315], mask=msk)
            plsc.store_scatter(s2_v, [rr * G], cl0 * nl0 + cl1 * nl1, mask=msk)
            plsc.store_scatter(s3_v, [rr * G + 315],
                               nl0 * cl0 + nl1 * cl1, mask=msk)

        for d in range(4):
            pltpu.sync_copy(sbufs[d],
                            s_ref.at[pl.ds((bl * 4 + d) * RS + nb, K)])


def _make_sc_stage(b0):
    @functools.partial(
        pl.kernel,
        mesh=plsc.VectorSubcoreMesh(core_axis_name="c", subcore_axis_name="s"),
        out_type=jax.ShapeDtypeStruct((16 * RS,), jnp.float32),
        compiler_params=pltpu.CompilerParams(needs_layout_passes=False),
        scratch_types=[
            pltpu.VMEM((WNODES,), jnp.float32),
            pltpu.VMEM((WNODES,), jnp.float32),
            pltpu.VMEM((K,), jnp.float32),
            pltpu.VMEM((K,), jnp.float32),
            pltpu.VMEM((K,), jnp.float32),
            pltpu.VMEM((K,), jnp.float32),
        ],
    )
    def _sc_stage(x_ref, s_ref, w0_v, w1_v, s0_v, s1_v, s2_v, s3_v):
        _sc_dots(b0, x_ref, s_ref, w0_v, w1_v, s0_v, s1_v, s2_v, s3_v)
    return _sc_stage


_sc_stage_lo = _make_sc_stage(0)
_sc_stage_hi = _make_sc_stage(4)


def _mlp_kernel(s0_ref, s1_ref, s2_ref, s3_ref, wembT_ref, bembT_ref,
                whidT_ref, bhidT_ref, wpost_ref, bpost_ref, out_ref, acc_ref):
    t = pl.program_id(1)

    @pl.when(t == 0)
    def _():
        acc_ref[...] = jnp.zeros_like(acc_ref)

    S = jnp.concatenate(
        [s0_ref[...].reshape(1, C), s1_ref[...].reshape(1, C),
         s2_ref[...].reshape(1, C), s3_ref[...].reshape(1, C)], axis=0)
    h1 = jnp.dot(wembT_ref[...], S, preferred_element_type=jnp.float32,
                 precision=jax.lax.Precision.HIGHEST)
    h1 = jnp.maximum(h1 + bembT_ref[...], 0.0)
    h2 = jnp.dot(whidT_ref[...], h1, preferred_element_type=jnp.float32,
                 precision=jax.lax.Precision.HIGHEST)
    h2 = jnp.maximum(h2 + bhidT_ref[...], 0.0)

    @pl.when(t < T - 1)
    def _():
        acc_ref[:, :1] += jnp.sum(h2, axis=1, keepdims=True)

    @pl.when(t == T - 1)
    def _():
        gidx = t * C + jax.lax.broadcasted_iota(jnp.int32, (1, C), 1)
        h2m = jnp.where(gidx < NN, h2, 0.0)
        acc = acc_ref[:, :1] + jnp.sum(h2m, axis=1, keepdims=True)
        res = jnp.sum(acc * wpost_ref[...]) + NN * bpost_ref[0, 0]
        out_ref[...] = jnp.full((1, 8, 128), res, dtype=jnp.float32)


@jax.jit
def kernel(x, W_emb, b_emb, W_hid, b_hid, W_post, b_post):
    B = x.shape[0]
    xpl = jnp.transpose(x, (0, 2, 1)).reshape(B * 2 * NN)
    s_lo = _sc_stage_lo(xpl)
    s_hi = _sc_stage_hi(xpl)

    mlp = lambda s_flat: pl.pallas_call(
        _mlp_kernel,
        grid=(4, T),
        in_specs=[
            pl.BlockSpec((C,), lambda b, t, d=d: ((4 * b + d) * T + t,))
            for d in range(4)
        ] + [
            pl.BlockSpec((HID, 4), lambda b, t: (0, 0)),
            pl.BlockSpec((HID, 1), lambda b, t: (0, 0)),
            pl.BlockSpec((HID, HID), lambda b, t: (0, 0)),
            pl.BlockSpec((HID, 1), lambda b, t: (0, 0)),
            pl.BlockSpec((HID, 1), lambda b, t: (0, 0)),
            pl.BlockSpec((1, 1), lambda b, t: (0, 0)),
        ],
        out_specs=pl.BlockSpec((1, 8, 128), lambda b, t: (b, 0, 0)),
        out_shape=jax.ShapeDtypeStruct((4, 8, 128), jnp.float32),
        scratch_shapes=[pltpu.VMEM((HID, 128), jnp.float32)],
    )(s_flat, s_flat, s_flat, s_flat, W_emb.T, b_emb[:, None],
      W_hid.T, b_hid[:, None], W_post, b_post.reshape(1, 1))
    out = jnp.concatenate([mlp(s_lo), mlp(s_hi)], axis=0)
    return out[:, 0, :1]

# --- scband reference (transcript-rebuilt; emitter-appended) ---
"""Pipeline reference for scband-gauge-net-52020643889789 (READ-ONLY COPY).

The authoritative reference and input builder live on the scoring server;
editing this copy changes nothing except your own understanding.
"""

import jax, jax.numpy as jnp
import numpy as np

GRID = 316
N = GRID * GRID
BATCH = 8
HID = 64
OUT = 1


def _neighbor_indices(g):
    v = np.arange(g * g)
    xx = v % g
    yy = v // g
    up = xx + ((yy + 1) % g) * g
    down = xx + ((yy - 1) % g) * g
    left = (xx - 1) % g + yy * g
    right = (xx + 1) % g + yy * g
    return (jnp.asarray(up, dtype=jnp.int32), jnp.asarray(down, dtype=jnp.int32),
            jnp.asarray(left, dtype=jnp.int32), jnp.asarray(right, dtype=jnp.int32))


def setup_inputs(seed: int = 0) -> dict:
    key = jax.random.key(seed)
    k = jax.random.split(key, 7)
    x = jax.random.normal(k[0], (BATCH, N, 2), dtype=jnp.float32)
    W_emb = jax.random.normal(k[1], (4, HID), dtype=jnp.float32) * 0.1
    b_emb = jax.random.normal(k[2], (HID,), dtype=jnp.float32) * 0.01
    W_hid = jax.random.normal(k[3], (HID, HID), dtype=jnp.float32) * 0.1
    b_hid = jax.random.normal(k[4], (HID,), dtype=jnp.float32) * 0.01
    W_post = jax.random.normal(k[5], (HID, OUT), dtype=jnp.float32) * 0.1
    b_post = jax.random.normal(k[6], (OUT,), dtype=jnp.float32) * 0.01
    return {"x": x, "W_emb": W_emb, "b_emb": b_emb, "W_hid": W_hid,
            "b_hid": b_hid, "W_post": W_post, "b_post": b_post}


def reference(x, W_emb, b_emb, W_hid, b_hid, W_post, b_post):
    up_idx, down_idx, left_idx, right_idx = _neighbor_indices(GRID)
    H = jnp.eye(2, dtype=x.dtype)
    # sparse.mm with one-hot adjacency rows == gather of the neighbor node features
    Ax_up = jnp.take(x, up_idx, axis=1)
    Ax_down = jnp.take(x, down_idx, axis=1)
    Ax_left = jnp.take(x, left_idx, axis=1)
    Ax_right = jnp.take(x, right_idx, axis=1)
    s_up = jnp.einsum('bim,bin,mn->bi', x, Ax_up, H)
    s_down = jnp.einsum('bim,bin,mn->bi', x, Ax_down, H)
    s_left = jnp.einsum('bim,bin,mn->bi', x, Ax_left, H)
    s_right = jnp.einsum('bim,bin,mn->bi', x, Ax_right, H)
    h = jnp.stack([s_up, s_down, s_left, s_right], axis=2)
    h = jax.nn.relu(h @ W_emb + b_emb)
    h = jax.nn.relu(h @ W_hid + b_hid)
    h = h @ W_post + b_post
    return h.sum(axis=1)

if __name__ == "__main__":
    import jax
    _d = setup_inputs()
    print(jax.jit(kernel)(*tuple(_d.values())))

</pallas_src>

<mosaic_0001>
#map = affine_map<(d0, d1) -> (0)>
module attributes {stable_mosaic.version = 14 : i64} {
  func.func @_sc_stage(%arg0: i32, %arg1: i32, %arg2: memref<1597696xf32, #tpu.memory_space<hbm>>, %arg3: memref<1835008xf32, #tpu.memory_space<hbm>>, %arg4: memref<6960xf32, #tpu.memory_space<vmem>>, %arg5: memref<6960xf32, #tpu.memory_space<vmem>>, %arg6: memref<6320xf32, #tpu.memory_space<vmem>>, %arg7: memref<6320xf32, #tpu.memory_space<vmem>>, %arg8: memref<6320xf32, #tpu.memory_space<vmem>>, %arg9: memref<6320xf32, #tpu.memory_space<vmem>>) attributes {dimension_semantics = [#tpu.dimension_semantics<core_parallel>, #tpu.dimension_semantics<subcore_parallel>], iteration_bounds = array<i64: 2, 16>, scalar_prefetch = 0 : i64, scratch_operands = 6 : i64, tpu.core_type = #tpu.core_type<sc_vector_subcore>, window_params = [{transform_indices = #map}, {transform_indices = #map}]} {
    %mul3A = arith.constant 2 : i32
    %mul3A_0 = arith.muli %arg1, %mul3A : i32
    %add3A = arith.addi %mul3A_0, %arg0 : i32
    %jit3A = arith.constant 8 : i32
    %div3A = arith.divsi %add3A, %jit3A : i32
    %sign3A = arith.constant 0 : i32
    %sign3A_1 = arith.cmpi sgt, %add3A, %sign3A : i32
    %sign3A_2 = arith.extui %sign3A_1 : i1 to i32
    %sign3A_3 = arith.constant 0 : i32
    %sign3A_4 = arith.cmpi slt, %add3A, %sign3A_3 : i32
    %sign3A_5 = arith.extui %sign3A_4 : i1 to i32
    %sign3A_6 = arith.subi %sign3A_2, %sign3A_5 : i32
    %sign3A_7 = arith.constant 0 : i32
    %sign3A_8 = arith.cmpi sgt, %jit3A, %sign3A_7 : i32
    %sign3A_9 = arith.extui %sign3A_8 : i1 to i32
    %sign3A_10 = arith.constant 0 : i32
    %sign3A_11 = arith.cmpi slt, %jit3A, %sign3A_10 : i32
    %sign3A_12 = arith.extui %sign3A_11 : i1 to i32
    %sign3A_13 = arith.subi %sign3A_9, %sign3A_12 : i32
    %ne3A = arith.cmpi ne, %sign3A_6, %sign3A_13 : i32
    %rem3A = arith.remsi %add3A, %jit3A : i32
    %ne3A_14 = arith.constant 0 : i32
    %ne3A_15 = arith.cmpi ne, %rem3A, %ne3A_14 : i32
    %and3A = arith.andi %ne3A, %ne3A_15 : i1
    %sub3A = arith.constant 1 : i32
    %sub3A_16 = arith.subi %div3A, %sub3A : i32
    %select_n3A = arith.select %and3A, %sub3A_16, %div3A : i32
    %add3A_17 = arith.constant 4 : i32
    %add3A_18 = arith.addi %add3A_17, %select_n3A : i32
    %jit3A_19 = arith.constant 8 : i32
    %eq3A = arith.constant 0 : i32
    %eq3A_20 = arith.cmpi eq, %jit3A_19, %eq3A : i32
    %jit3A_21 = arith.constant 1 : i32
    %select_n3A_22 = arith.select %eq3A_20, %jit3A_21, %jit3A_19 : i32
    %rem3A_23 = arith.remsi %add3A, %select_n3A_22 : i32
    %ne3A_24 = arith.constant 0 : i32
    %ne3A_25 = arith.cmpi ne, %rem3A_23, %ne3A_24 : i32
    %lt3A = arith.constant 0 : i32
    %lt3A_26 = arith.cmpi slt, %rem3A_23, %lt3A : i32
    %lt3A_27 = arith.constant 0 : i32
    %lt3A_28 = arith.cmpi slt, %select_n3A_22, %lt3A_27 : i32
    %ne3A_29 = arith.xori %lt3A_26, %lt3A_28 : i1
    %and3A_30 = arith.andi %ne3A_29, %ne3A_25 : i1
    %add3A_31 = arith.addi %rem3A_23, %select_n3A_22 : i32
    %select_n3A_32 = arith.select %and3A_30, %add3A_31, %rem3A_23 : i32
    %iota3A = tpu.iota {dimensions = array<i32: 0>} : vector<16xi32>
    %mul3A_33 = arith.constant 12640 : i32
    %mul3A_34 = arith.muli %select_n3A_32, %mul3A_33 : i32
    %add3A_35 = arith.constant 0 : i32
    %add3A_36 = arith.addi %mul3A_34, %add3A_35 : i32
    %mul3A_37 = arith.constant 2 : i32
    %mul3A_38 = arith.muli %mul3A_37, %add3A_18 : i32
    %add3A_39 = arith.constant 0 : i32
    %add3A_40 = arith.addi %mul3A_38, %add3A_39 : i32
    %mul3A_41 = arith.constant 99856 : i32
    %mul3A_42 = arith.muli %add3A_40, %mul3A_41 : i32
    %eq3A_43 = arith.constant 0 : i32
    %eq3A_44 = arith.cmpi eq, %select_n3A_32, %eq3A_43 : i32
    %sub3A_45 = arith.constant 320 : i32
    %sub3A_46 = arith.subi %add3A_36, %sub3A_45 : i32
    %jit3A_47 = arith.constant 99536 : i32
    %select_n3A_48 = arith.select %eq3A_44, %jit3A_47, %sub3A_46 : i32
    %add3A_49 = arith.addi %mul3A_42, %select_n3A_48 : i32
    "tpu.region"() ({
      %run_scoped3A = tpu.sem_alloc : memref<!tpu.dma_semaphore, #tpu.memory_space<semaphore_mem>>
      %dma_start3A = arith.constant 0 : i32
      %dma_start3A_327 = tpu.memref_slice %arg4[%dma_start3A] : memref<6960xf32, #tpu.memory_space<vmem>> -> memref<320xf32, #tpu.memory_space<vmem>>
      %dma_start3A_328 = tpu.memref_slice %arg2[%add3A_49] : memref<1597696xf32, #tpu.memory_space<hbm>> -> memref<320xf32, #tpu.memory_space<hbm>>
      %dma_start3A_329 = arith.constant 0 : i32
      %dma_start3A_330 = tpu.memref_slice %arg4[%dma_start3A_329] : memref<6960xf32, #tpu.memory_space<vmem>> -> memref<320xf32, #tpu.memory_space<vmem>>
      %dma_start3A_331 = tpu.memref_slice %arg2[%add3A_49] : memref<1597696xf32, #tpu.memory_space<hbm>> -> memref<320xf32, #tpu.memory_space<hbm>>
      tpu.enqueue_dma source(%dma_start3A_331 : memref<320xf32, #tpu.memory_space<hbm>>) target(%dma_start3A_330 : memref<320xf32, #tpu.memory_space<vmem>>) target_semaphore(%run_scoped3A : memref<!tpu.dma_semaphore, #tpu.memory_space<semaphore_mem>>)
      %dma_wait3A = arith.constant 0 : i32
      %dma_wait3A_332 = tpu.memref_slice %arg4[%dma_wait3A] : memref<6960xf32, #tpu.memory_space<vmem>> -> memref<320xf32, #tpu.memory_space<vmem>>
      %dma_wait3A_333 = tpu.memref_slice %arg2[%add3A_49] : memref<1597696xf32, #tpu.memory_space<hbm>> -> memref<320xf32, #tpu.memory_space<hbm>>
      %dma_wait3A_334 = arith.constant 0 : i32
      %dma_wait3A_335 = tpu.memref_slice %arg4[%dma_wait3A_334] : memref<6960xf32, #tpu.memory_space<vmem>> -> memref<320xf32, #tpu.memory_space<vmem>>
      %dma_wait3A_336 = tpu.memref_slice %arg2[%add3A_49] : memref<1597696xf32, #tpu.memory_space<hbm>> -> memref<320xf32, #tpu.memory_space<hbm>>
      tpu.wait_dma2 semaphore(%run_scoped3A : memref<!tpu.dma_semaphore, #tpu.memory_space<semaphore_mem>>) src(%dma_wait3A_336 : memref<320xf32, #tpu.memory_space<hbm>>) dst(%dma_wait3A_335 : memref<320xf32, #tpu.memory_space<vmem>>)
      tpu.yield
    }) : () -> ()
    %add3A_50 = arith.addi %mul3A_42, %add3A_36 : i32
    "tpu.region"() ({
      %run_scoped3A = tpu.sem_alloc : memref<!tpu.dma_semaphore, #tpu.memory_space<semaphore_mem>>
      %dma_start3A = arith.constant 320 : i32
      %dma_start3A_327 = tpu.memref_slice %arg4[%dma_start3A] : memref<6960xf32, #tpu.memory_space<vmem>> -> memref<6640xf32, #tpu.memory_space<vmem>>
      %dma_start3A_328 = tpu.memref_slice %arg2[%add3A_50] : memref<1597696xf32, #tpu.memory_space<hbm>> -> memref<6640xf32, #tpu.memory_space<hbm>>
      %dma_start3A_329 = arith.constant 320 : i32
      %dma_start3A_330 = tpu.memref_slice %arg4[%dma_start3A_329] : memref<6960xf32, #tpu.memory_space<vmem>> -> memref<6640xf32, #tpu.memory_space<vmem>>
      %dma_start3A_331 = tpu.memref_slice %arg2[%add3A_50] : memref<1597696xf32, #tpu.memory_space<hbm>> -> memref<6640xf32, #tpu.memory_space<hbm>>
      tpu.enqueue_dma source(%dma_start3A_331 : memref<6640xf32, #tpu.memory_space<hbm>>) target(%dma_start3A_330 : memref<6640xf32, #tpu.memory_space<vmem>>) target_semaphore(%run_scoped3A : memref<!tpu.dma_semaphore, #tpu.memory_space<semaphore_mem>>)
      %dma_wait3A = arith.constant 320 : i32
      %dma_wait3A_332 = tpu.memref_slice %arg4[%dma_wait3A] : memref<6960xf32, #tpu.memory_space<vmem>> -> memref<6640xf32, #tpu.memory_space<vmem>>
      %dma_wait3A_333 = tpu.memref_slice %arg2[%add3A_50] : memref<1597696xf32, #tpu.memory_space<hbm>> -> memref<6640xf32, #tpu.memory_space<hbm>>
      %dma_wait3A_334 = arith.constant 320 : i32
      %dma_wait3A_335 = tpu.memref_slice %arg4[%dma_wait3A_334] : memref<6960xf32, #tpu.memory_space<vmem>> -> memref<6640xf32, #tpu.memory_space<vmem>>
      %dma_wait3A_336 = tpu.memref_slice %arg2[%add3A_50] : memref<1597696xf32, #tpu.memory_space<hbm>> -> memref<6640xf32, #tpu.memory_space<hbm>>
      tpu.wait_dma2 semaphore(%run_scoped3A : memref<!tpu.dma_semaphore, #tpu.memory_space<semaphore_mem>>) src(%dma_wait3A_336 : memref<6640xf32, #tpu.memory_space<hbm>>) dst(%dma_wait3A_335 : memref<6640xf32, #tpu.memory_space<vmem>>)
      tpu.yield
    }) : () -> ()
    %mul3A_51 = arith.constant 2 : i32
    %mul3A_52 = arith.muli %mul3A_51, %add3A_18 : i32
    %add3A_53 = arith.constant 1 : i32
    %add3A_54 = arith.addi %mul3A_52, %add3A_53 : i32
    %mul3A_55 = arith.constant 99856 : i32
    %mul3A_56 = arith.muli %add3A_54, %mul3A_55 : i32
    %eq3A_57 = arith.constant 0 : i32
    %eq3A_58 = arith.cmpi eq, %select_n3A_32, %eq3A_57 : i32
    %sub3A_59 = arith.constant 320 : i32
    %sub3A_60 = arith.subi %add3A_36, %sub3A_59 : i32
    %jit3A_61 = arith.constant 99536 : i32
    %select_n3A_62 = arith.select %eq3A_58, %jit3A_61, %sub3A_60 : i32
    %add3A_63 = arith.addi %mul3A_56, %select_n3A_62 : i32
    "tpu.region"() ({
      %run_scoped3A = tpu.sem_alloc : memref<!tpu.dma_semaphore, #tpu.memory_space<semaphore_mem>>
      %dma_start3A = arith.constant 0 : i32
      %dma_start3A_327 = tpu.memref_slice %arg5[%dma_start3A] : memref<6960xf32, #tpu.memory_space<vmem>> -> memref<320xf32, #tpu.memory_space<vmem>>
      %dma_start3A_328 = tpu.memref_slice %arg2[%add3A_63] : memref<1597696xf32, #tpu.memory_space<hbm>> -> memref<320xf32, #tpu.memory_space<hbm>>
      %dma_start3A_329 = arith.constant 0 : i32
      %dma_start3A_330 = tpu.memref_slice %arg5[%dma_start3A_329] : memref<6960xf32, #tpu.memory_space<vmem>> -> memref<320xf32, #tpu.memory_space<vmem>>
      %dma_start3A_331 = tpu.memref_slice %arg2[%add3A_63] : memref<1597696xf32, #tpu.memory_space<hbm>> -> memref<320xf32, #tpu.memory_space<hbm>>
      tpu.enqueue_dma source(%dma_start3A_331 : memref<320xf32, #tpu.memory_space<hbm>>) target(%dma_start3A_330 : memref<320xf32, #tpu.memory_space<vmem>>) target_semaphore(%run_scoped3A : memref<!tpu.dma_semaphore, #tpu.memory_space<semaphore_mem>>)
      %dma_wait3A = arith.constant 0 : i32
      %dma_wait3A_332 = tpu.memref_slice %arg5[%dma_wait3A] : memref<6960xf32, #tpu.memory_space<vmem>> -> memref<320xf32, #tpu.memory_space<vmem>>
      %dma_wait3A_333 = tpu.memref_slice %arg2[%add3A_63] : memref<1597696xf32, #tpu.memory_space<hbm>> -> memref<320xf32, #tpu.memory_space<hbm>>
      %dma_wait3A_334 = arith.constant 0 : i32
      %dma_wait3A_335 = tpu.memref_slice %arg5[%dma_wait3A_334] : memref<6960xf32, #tpu.memory_space<vmem>> -> memref<320xf32, #tpu.memory_space<vmem>>
      %dma_wait3A_336 = tpu.memref_slice %arg2[%add3A_63] : memref<1597696xf32, #tpu.memory_space<hbm>> -> memref<320xf32, #tpu.memory_space<hbm>>
      tpu.wait_dma2 semaphore(%run_scoped3A : memref<!tpu.dma_semaphore, #tpu.memory_space<semaphore_mem>>) src(%dma_wait3A_336 : memref<320xf32, #tpu.memory_space<hbm>>) dst(%dma_wait3A_335 : memref<320xf32, #tpu.memory_space<vmem>>)
      tpu.yield
    }) : () -> ()
    %add3A_64 = arith.addi %mul3A_56, %add3A_36 : i32
    "tpu.region"() ({
      %run_scoped3A = tpu.sem_alloc : memref<!tpu.dma_semaphore, #tpu.memory_space<semaphore_mem>>
      %dma_start3A = arith.constant 320 : i32
      %dma_start3A_327 = tpu.memref_slice %arg5[%dma_start3A] : memref<6960xf32, #tpu.memory_space<vmem>> -> memref<6640xf32, #tpu.memory_space<vmem>>
      %dma_start3A_328 = tpu.memref_slice %arg2[%add3A_64] : memref<1597696xf32, #tpu.memory_space<hbm>> -> memref<6640xf32, #tpu.memory_space<hbm>>
      %dma_start3A_329 = arith.constant 320 : i32
      %dma_start3A_330 = tpu.memref_slice %arg5[%dma_start3A_329] : memref<6960xf32, #tpu.memory_space<vmem>> -> memref<6640xf32, #tpu.memory_space<vmem>>
      %dma_start3A_331 = tpu.memref_slice %arg2[%add3A_64] : memref<1597696xf32, #tpu.memory_space<hbm>> -> memref<6640xf32, #tpu.memory_space<hbm>>
      tpu.enqueue_dma source(%dma_start3A_331 : memref<6640xf32, #tpu.memory_space<hbm>>) target(%dma_start3A_330 : memref<6640xf32, #tpu.memory_space<vmem>>) target_semaphore(%run_scoped3A : memref<!tpu.dma_semaphore, #tpu.memory_space<semaphore_mem>>)
      %dma_wait3A = arith.constant 320 : i32
      %dma_wait3A_332 = tpu.memref_slice %arg5[%dma_wait3A] : memref<6960xf32, #tpu.memory_space<vmem>> -> memref<6640xf32, #tpu.memory_space<vmem>>
      %dma_wait3A_333 = tpu.memref_slice %arg2[%add3A_64] : memref<1597696xf32, #tpu.memory_space<hbm>> -> memref<6640xf32, #tpu.memory_space<hbm>>
      %dma_wait3A_334 = arith.constant 320 : i32
      %dma_wait3A_335 = tpu.memref_slice %arg5[%dma_wait3A_334] : memref<6960xf32, #tpu.memory_space<vmem>> -> memref<6640xf32, #tpu.memory_space<vmem>>
      %dma_wait3A_336 = tpu.memref_slice %arg2[%add3A_64] : memref<1597696xf32, #tpu.memory_space<hbm>> -> memref<6640xf32, #tpu.memory_space<hbm>>
      tpu.wait_dma2 semaphore(%run_scoped3A : memref<!tpu.dma_semaphore, #tpu.memory_space<semaphore_mem>>) src(%dma_wait3A_336 : memref<6640xf32, #tpu.memory_space<hbm>>) dst(%dma_wait3A_335 : memref<6640xf32, #tpu.memory_space<vmem>>)
      tpu.yield
    }) : () -> ()
    %scan3A = arith.constant 0 : i32
    %scan3A_65 = arith.constant 0 : i32
    %scan3A_66 = arith.constant 395 : i32
    %scan3A_67 = arith.addi %scan3A_65, %scan3A_66 : i32
    %scan3A_68 = arith.constant 1 : i32
    %scan3A_69 = scf.for %scan3A_327 = %scan3A_65 to %scan3A_67 step %scan3A_68 iter_args(%scan3A_328 = %scan3A) -> (i32)  : i32 {
      %mul3A_329 = arith.constant 16 : i32
      %mul3A_330 = arith.muli %mul3A_329, %scan3A_327 : i32
      %add3A_331 = arith.constant 320 : i32
      %add3A_332 = arith.addi %add3A_331, %mul3A_330 : i32
      %get3A = arith.index_cast %add3A_332 : i32 to index
      %get3A_333 = tpu.vector_load %arg4[%get3A] {strides = array<i32>} : memref<6960xf32, #tpu.memory_space<vmem>>, vector<16xf32>,
      %get3A_334 = arith.index_cast %add3A_332 : i32 to index
      %get3A_335 = tpu.vector_load %arg5[%get3A_334] {strides = array<i32>} : memref<6960xf32, #tpu.memory_space<vmem>>, vector<16xf32>,
      %add3A_336 = arith.constant 316 : i32
      %add3A_337 = arith.addi %add3A_332, %add3A_336 : i32
      %get3A_338 = arith.index_cast %add3A_337 : i32 to index
      %get3A_339 = tpu.vector_load %arg4[%get3A_338] {strides = array<i32>} : memref<6960xf32, #tpu.memory_space<vmem>>, vector<16xf32>,
      %mul3A_340 = arith.mulf %get3A_333, %get3A_339 : vector<16xf32>
      %add3A_341 = arith.constant 316 : i32
      %add3A_342 = arith.addi %add3A_332, %add3A_341 : i32
      %get3A_343 = arith.index_cast %add3A_342 : i32 to index
      %get3A_344 = tpu.vector_load %arg5[%get3A_343] {strides = array<i32>} : memref<6960xf32, #tpu.memory_space<vmem>>, vector<16xf32>,
      %mul3A_345 = arith.mulf %get3A_335, %get3A_344 : vector<16xf32>
      %add3A_346 = arith.addf %mul3A_340, %mul3A_345 : vector<16xf32>
      %mul3A_347 = arith.constant 16 : i32
      %mul3A_348 = arith.muli %mul3A_347, %scan3A_327 : i32
      %swap3A = arith.index_cast %mul3A_348 : i32 to index
      %swap3A_349 = tpu.vector_load %arg6[%swap3A] {strides = array<i32>} : memref<6320xf32, #tpu.memory_space<vmem>>, vector<16xf32>,
      tpu.vector_store %arg6[%swap3A], %add3A_346 {strides = array<i32>} : memref<6320xf32, #tpu.memory_space<vmem>>, vector<16xf32>,
      %sub3A_350 = arith.constant 316 : i32
      %sub3A_351 = arith.subi %add3A_332, %sub3A_350 : i32
      %get3A_352 = arith.index_cast %sub3A_351 : i32 to index
      %get3A_353 = tpu.vector_load %arg4[%get3A_352] {strides = array<i32>} : memref<6960xf32, #tpu.memory_space<vmem>>, vector<16xf32>,
      %mul3A_354 = arith.mulf %get3A_333, %get3A_353 : vector<16xf32>
      %sub3A_355 = arith.constant 316 : i32
      %sub3A_356 = arith.subi %add3A_332, %sub3A_355 : i32
      %get3A_357 = arith.index_cast %sub3A_356 : i32 to index
      %get3A_358 = tpu.vector_load %arg5[%get3A_357] {strides = array<i32>} : memref<6960xf32, #tpu.memory_space<vmem>>, vector<16xf32>,
      %mul3A_359 = arith.mulf %get3A_335, %get3A_358 : vector<16xf32>
      %add3A_360 = arith.addf %mul3A_354, %mul3A_359 : vector<16xf32>
      %mul3A_361 = arith.constant 16 : i32
      %mul3A_362 = arith.muli %mul3A_361, %scan3A_327 : i32
      %swap3A_363 = arith.index_cast %mul3A_362 : i32 to index
      %swap3A_364 = tpu.vector_load %arg7[%swap3A_363] {strides = array<i32>} : memref<6320xf32, #tpu.memory_space<vmem>>, vector<16xf32>,
      tpu.vector_store %arg7[%swap3A_363], %add3A_360 {strides = array<i32>} : memref<6320xf32, #tpu.memory_space<vmem>>, vector<16xf32>,
      %sub3A_365 = arith.constant 1 : i32
      %sub3A_366 = arith.subi %add3A_332, %sub3A_365 : i32
      %get3A_367 = arith.index_cast %sub3A_366 : i32 to index
      %get3A_368 = tpu.vector_load %arg4[%get3A_367] {strides = array<i32>} : memref<6960xf32, #tpu.memory_space<vmem>>, vector<16xf32>,
      %mul3A_369 = arith.mulf %get3A_333, %get3A_368 : vector<16xf32>
      %sub3A_370 = arith.constant 1 : i32
      %sub3A_371 = arith.subi %add3A_332, %sub3A_370 : i32
      %get3A_372 = arith.index_cast %sub3A_371 : i32 to index
      %get3A_373 = tpu.vector_load %arg5[%get3A_372] {strides = array<i32>} : memref<6960xf32, #tpu.memory_space<vmem>>, vector<16xf32>,
      %mul3A_374 = arith.mulf %get3A_335, %get3A_373 : vector<16xf32>
      %add3A_375 = arith.addf %mul3A_369, %mul3A_374 : vector<16xf32>
      %mul3A_376 = arith.constant 16 : i32
      %mul3A_377 = arith.muli %mul3A_376, %scan3A_327 : i32
      %swap3A_378 = arith.index_cast %mul3A_377 : i32 to index
      %swap3A_379 = tpu.vector_load %arg8[%swap3A_378] {strides = array<i32>} : memref<6320xf32, #tpu.memory_space<vmem>>, vector<16xf32>,
      tpu.vector_store %arg8[%swap3A_378], %add3A_375 {strides = array<i32>} : memref<6320xf32, #tpu.memory_space<vmem>>, vector<16xf32>,
      %add3A_380 = arith.constant 1 : i32
      %add3A_381 = arith.addi %add3A_332, %add3A_380 : i32
      %get3A_382 = arith.index_cast %add3A_381 : i32 to index
      %get3A_383 = tpu.vector_load %arg4[%get3A_382] {strides = array<i32>} : memref<6960xf32, #tpu.memory_space<vmem>>, vector<16xf32>,
      %mul3A_384 = arith.mulf %get3A_333, %get3A_383 : vector<16xf32>
      %add3A_385 = arith.constant 1 : i32
      %add3A_386 = arith.addi %add3A_332, %add3A_385 : i32
      %get3A_387 = arith.index_cast %add3A_386 : i32 to index
      %get3A_388 = tpu.vector_load %arg5[%get3A_387] {strides = array<i32>} : memref<6960xf32, #tpu.memory_space<vmem>>, vector<16xf32>,
      %mul3A_389 = arith.mulf %get3A_335, %get3A_388 : vector<16xf32>
      %add3A_390 = arith.addf %mul3A_384, %mul3A_389 : vector<16xf32>
      %mul3A_391 = arith.constant 16 : i32
      %mul3A_392 = arith.muli %mul3A_391, %scan3A_327 : i32
      %swap3A_393 = arith.index_cast %mul3A_392 : i32 to index
      %swap3A_394 = tpu.vector_load %arg9[%swap3A_393] {strides = array<i32>} : memref<6320xf32, #tpu.memory_space<vmem>>, vector<16xf32>,
      tpu.vector_store %arg9[%swap3A_393], %add3A_390 {strides = array<i32>} : memref<6320xf32, #tpu.memory_space<vmem>>, vector<16xf32>,
      %scan3A_395 = arith.constant 0 : i32
      scf.yield %scan3A_395 : i32
    }
    %scan3A_70 = arith.constant 395 : i32
    %add3A_71 = arith.constant 0 : i32
    %add3A_72 = vector.broadcast %add3A_71 : i32 to vector<16xi32>
    %add3A_73 = arith.addi %add3A_72, %iota3A : vector<16xi32>
    %lt3A_74 = arith.constant 20 : i32
    %lt3A_75 = vector.broadcast %lt3A_74 : i32 to vector<16xi32>
    %lt3A_76 = arith.cmpi slt, %add3A_73, %lt3A_75 : vector<16xi32>
    %min3A = arith.constant 19 : i32
    %min3A_77 = vector.broadcast %min3A : i32 to vector<16xi32>
    %min3A_78 = arith.minsi %add3A_73, %min3A_77 : vector<16xi32>
    %mul3A_79 = arith.constant 316 : i32
    %mul3A_80 = vector.broadcast %mul3A_79 : i32 to vector<16xi32>
    %mul3A_81 = arith.muli %min3A_78, %mul3A_80 : vector<16xi32>
    %add3A_82 = arith.constant 320 : i32
    %add3A_83 = vector.broadcast %add3A_82 : i32 to vector<16xi32>
    %add3A_84 = arith.addi %add3A_83, %mul3A_81 : vector<16xi32>
    %gather3A = tpu.vector_load_idx %arg4[%add3A_84] masked %lt3A_76 : memref<6960xf32, #tpu.memory_space<vmem>>[vector<16xi32>], vector<16xf32>, vector<16xi1>
    %gather3A_85 = tpu.vector_load_idx %arg5[%add3A_84] masked %lt3A_76 : memref<6960xf32, #tpu.memory_space<vmem>>[vector<16xi32>], vector<16xf32>, vector<16xi1>
    %add3A_86 = arith.constant 315 : i32
    %add3A_87 = vector.broadcast %add3A_86 : i32 to vector<16xi32>
    %add3A_88 = arith.addi %add3A_84, %add3A_87 : vector<16xi32>
    %gather3A_89 = tpu.vector_load_idx %arg4[%add3A_88] masked %lt3A_76 : memref<6960xf32, #tpu.memory_space<vmem>>[vector<16xi32>], vector<16xf32>, vector<16xi1>
    %add3A_90 = arith.constant 315 : i32
    %add3A_91 = vector.broadcast %add3A_90 : i32 to vector<16xi32>
    %add3A_92 = arith.addi %add3A_84, %add3A_91 : vector<16xi32>
    %gather3A_93 = tpu.vector_load_idx %arg5[%add3A_92] masked %lt3A_76 : memref<6960xf32, #tpu.memory_space<vmem>>[vector<16xi32>], vector<16xf32>, vector<16xi1>
    %mul3A_94 = arith.constant 316 : i32
    %mul3A_95 = vector.broadcast %mul3A_94 : i32 to vector<16xi32>
    %mul3A_96 = arith.muli %min3A_78, %mul3A_95 : vector<16xi32>
    %mul3A_97 = arith.mulf %gather3A, %gather3A_89 : vector<16xf32>
    %mul3A_98 = arith.mulf %gather3A_85, %gather3A_93 : vector<16xf32>
    %add3A_99 = arith.addf %mul3A_97, %mul3A_98 : vector<16xf32>
    tpu.vector_store_idx %arg8[%mul3A_96], %add3A_99 masked %lt3A_76 : memref<6320xf32, #tpu.memory_space<vmem>>[vector<16xi32>], vector<16xf32>, vector<16xi1>
    %mul3A_100 = arith.constant 316 : i32
    %mul3A_101 = vector.broadcast %mul3A_100 : i32 to vector<16xi32>
    %mul3A_102 = arith.muli %min3A_78, %mul3A_101 : vector<16xi32>
    %add3A_103 = arith.constant 315 : i32
    %add3A_104 = vector.broadcast %add3A_103 : i32 to vector<16xi32>
    %add3A_105 = arith.addi %mul3A_102, %add3A_104 : vector<16xi32>
    %mul3A_106 = arith.mulf %gather3A_89, %gather3A : vector<16xf32>
    %mul3A_107 = arith.mulf %gather3A_93, %gather3A_85 : vector<16xf32>
    %add3A_108 = arith.addf %mul3A_106, %mul3A_107 : vector<16xf32>
    tpu.vector_store_idx %arg9[%add3A_105], %add3A_108 masked %lt3A_76 : memref<6320xf32, #tpu.memory_space<vmem>>[vector<16xi32>], vector<16xf32>, vector<16xi1>
    %add3A_109 = arith.constant 16 : i32
    %add3A_110 = vector.broadcast %add3A_109 : i32 to vector<16xi32>
    %add3A_111 = arith.addi %add3A_110, %iota3A : vector<16xi32>
    %lt3A_112 = arith.constant 20 : i32
    %lt3A_113 = vector.broadcast %lt3A_112 : i32 to vector<16xi32>
    %lt3A_114 = arith.cmpi slt, %add3A_111, %lt3A_113 : vector<16xi32>
    %min3A_115 = arith.constant 19 : i32
    %min3A_116 = vector.broadcast %min3A_115 : i32 to vector<16xi32>
    %min3A_117 = arith.minsi %add3A_111, %min3A_116 : vector<16xi32>
    %mul3A_118 = arith.constant 316 : i32
    %mul3A_119 = vector.broadcast %mul3A_118 : i32 to vector<16xi32>
    %mul3A_120 = arith.muli %min3A_117, %mul3A_119 : vector<16xi32>
    %add3A_121 = arith.constant 320 : i32
    %add3A_122 = vector.broadcast %add3A_121 : i32 to vector<16xi32>
    %add3A_123 = arith.addi %add3A_122, %mul3A_120 : vector<16xi32>
    %gather3A_124 = tpu.vector_load_idx %arg4[%add3A_123] masked %lt3A_114 : memref<6960xf32, #tpu.memory_space<vmem>>[vector<16xi32>], vector<16xf32>, vector<16xi1>
    %gather3A_125 = tpu.vector_load_idx %arg5[%add3A_123] masked %lt3A_114 : memref<6960xf32, #tpu.memory_space<vmem>>[vector<16xi32>], vector<16xf32>, vector<16xi1>
    %add3A_126 = arith.constant 315 : i32
    %add3A_127 = vector.broadcast %add3A_126 : i32 to vector<16xi32>
    %add3A_128 = arith.addi %add3A_123, %add3A_127 : vector<16xi32>
    %gather3A_129 = tpu.vector_load_idx %arg4[%add3A_128] masked %lt3A_114 : memref<6960xf32, #tpu.memory_space<vmem>>[vector<16xi32>], vector<16xf32>, vector<16xi1>
    %add3A_130 = arith.constant 315 : i32
    %add3A_131 = vector.broadcast %add3A_130 : i32 to vector<16xi32>
    %add3A_132 = arith.addi %add3A_123, %add3A_131 : vector<16xi32>
    %gather3A_133 = tpu.vector_load_idx %arg5[%add3A_132] masked %lt3A_114 : memref<6960xf32, #tpu.memory_space<vmem>>[vector<16xi32>], vector<16xf32>, vector<16xi1>
    %mul3A_134 = arith.constant 316 : i32
    %mul3A_135 = vector.broadcast %mul3A_134 : i32 to vector<16xi32>
    %mul3A_136 = arith.muli %min3A_117, %mul3A_135 : vector<16xi32>
    %mul3A_137 = arith.mulf %gather3A_124, %gather3A_129 : vector<16xf32>
    %mul3A_138 = arith.mulf %gather3A_125, %gather3A_133 : vector<16xf32>
    %add3A_139 = arith.addf %mul3A_137, %mul3A_138 : vector<16xf32>
    tpu.vector_store_idx %arg8[%mul3A_136], %add3A_139 masked %lt3A_114 : memref<6320xf32, #tpu.memory_space<vmem>>[vector<16xi32>], vector<16xf32>, vector<16xi1>
    %mul3A_140 = arith.constant 316 : i32
    %mul3A_141 = vector.broadcast %mul3A_140 : i32 to vector<16xi32>
    %mul3A_142 = arith.muli %min3A_117, %mul3A_141 : vector<16xi32>
    %add3A_143 = arith.constant 315 : i32
    %add3A_144 = vector.broadcast %add3A_143 : i32 to vector<16xi32>
    %add3A_145 = arith.addi %mul3A_142, %add3A_144 : vector<16xi32>
    %mul3A_146 = arith.mulf %gather3A_129, %gather3A_124 : vector<16xf32>
    %mul3A_147 = arith.mulf %gather3A_133, %gather3A_125 : vector<16xf32>
    %add3A_148 = arith.addf %mul3A_146, %mul3A_147 : vector<16xf32>
    tpu.vector_store_idx %arg9[%add3A_145], %add3A_148 masked %lt3A_114 : memref<6320xf32, #tpu.memory_space<vmem>>[vector<16xi32>], vector<16xf32>, vector<16xi1>
    %mul3A_149 = arith.constant 4 : i32
    %mul3A_150 = arith.muli %select_n3A, %mul3A_149 : i32
    %add3A_151 = arith.constant 0 : i32
    %add3A_152 = arith.addi %mul3A_150, %add3A_151 : i32
    %mul3A_153 = arith.constant 114688 : i32
    %mul3A_154 = arith.muli %add3A_152, %mul3A_153 : i32
    %add3A_155 = arith.addi %mul3A_154, %add3A_36 : i32
    "tpu.region"() ({
      %run_scoped3A = tpu.sem_alloc : memref<!tpu.dma_semaphore, #tpu.memory_space<semaphore_mem>>
      %dma_start3A = tpu.memref_slice %arg3[%add3A_155] : memref<1835008xf32, #tpu.memory_space<hbm>> -> memref<6320xf32, #tpu.memory_space<hbm>>
      %dma_start3A_327 = tpu.memref_slice %arg3[%add3A_155] : memref<1835008xf32, #tpu.memory_space<hbm>> -> memref<6320xf32, #tpu.memory_space<hbm>>
      tpu.enqueue_dma source(%arg6 : memref<6320xf32, #tpu.memory_space<vmem>>) target(%dma_start3A_327 : memref<6320xf32, #tpu.memory_space<hbm>>) target_semaphore(%run_scoped3A : memref<!tpu.dma_semaphore, #tpu.memory_space<semaphore_mem>>)
      %dma_wait3A = tpu.memref_slice %arg3[%add3A_155] : memref<1835008xf32, #tpu.memory_space<hbm>> -> memref<6320xf32, #tpu.memory_space<hbm>>
      %dma_wait3A_328 = tpu.memref_slice %arg3[%add3A_155] : memref<1835008xf32, #tpu.memory_space<hbm>> -> memref<6320xf32, #tpu.memory_space<hbm>>
      tpu.wait_dma2 semaphore(%run_scoped3A : memref<!tpu.dma_semaphore, #tpu.memory_space<semaphore_mem>>) src(%arg6 : memref<6320xf32, #tpu.memory_space<vmem>>) dst(%dma_wait3A_328 : memref<6320xf32, #tpu.memory_space<hbm>>)
      tpu.yield
    }) : () -> ()
    %mul3A_156 = arith.constant 4 : i32
    %mul3A_157 = arith.muli %select_n3A, %mul3A_156 : i32
    %add3A_158 = arith.constant 1 : i32
    %add3A_159 = arith.addi %mul3A_157, %add3A_158 : i32
    %mul3A_160 = arith.constant 114688 : i32
    %mul3A_161 = arith.muli %add3A_159, %mul3A_160 : i32
    %add3A_162 = arith.addi %mul3A_161, %add3A_36 : i32
    "tpu.region"() ({
      %run_scoped3A = tpu.sem_alloc : memref<!tpu.dma_semaphore, #tpu.memory_space<semaphore_mem>>
      %dma_start3A = tpu.memref_slice %arg3[%add3A_162] : memref<1835008xf32, #tpu.memory_space<hbm>> -> memref<6320xf32, #tpu.memory_space<hbm>>
      %dma_start3A_327 = tpu.memref_slice %arg3[%add3A_162] : memref<1835008xf32, #tpu.memory_space<hbm>> -> memref<6320xf32, #tpu.memory_space<hbm>>
      tpu.enqueue_dma source(%arg7 : memref<6320xf32, #tpu.memory_space<vmem>>) target(%dma_start3A_327 : memref<6320xf32, #tpu.memory_space<hbm>>) target_semaphore(%run_scoped3A : memref<!tpu.dma_semaphore, #tpu.memory_space<semaphore_mem>>)
      %dma_wait3A = tpu.memref_slice %arg3[%add3A_162] : memref<1835008xf32, #tpu.memory_space<hbm>> -> memref<6320xf32, #tpu.memory_space<hbm>>
      %dma_wait3A_328 = tpu.memref_slice %arg3[%add3A_162] : memref<1835008xf32, #tpu.memory_space<hbm>> -> memref<6320xf32, #tpu.memory_space<hbm>>
      tpu.wait_dma2 semaphore(%run_scoped3A : memref<!tpu.dma_semaphore, #tpu.memory_space<semaphore_mem>>) src(%arg7 : memref<6320xf32, #tpu.memory_space<vmem>>) dst(%dma_wait3A_328 : memref<6320xf32, #tpu.memory_space<hbm>>)
      tpu.yield
    }) : () -> ()
    %mul3A_163 = arith.constant 4 : i32
    %mul3A_164 = arith.muli %select_n3A, %mul3A_163 : i32
    %add3A_165 = arith.constant 2 : i32
    %add3A_166 = arith.addi %mul3A_164, %add3A_165 : i32
    %mul3A_167 = arith.constant 114688 : i32
    %mul3A_168 = arith.muli %add3A_166, %mul3A_167 : i32
    %add3A_169 = arith.addi %mul3A_168, %add3A_36 : i32
    "tpu.region"() ({
      %run_scoped3A = tpu.sem_alloc : memref<!tpu.dma_semaphore, #tpu.memory_space<semaphore_mem>>
      %dma_start3A = tpu.memref_slice %arg3[%add3A_169] : memref<1835008xf32, #tpu.memory_space<hbm>> -> memref<6320xf32, #tpu.memory_space<hbm>>
      %dma_start3A_327 = tpu.memref_slice %arg3[%add3A_169] : memref<1835008xf32, #tpu.memory_space<hbm>> -> memref<6320xf32, #tpu.memory_space<hbm>>
      tpu.enqueue_dma source(%arg8 : memref<6320xf32, #tpu.memory_space<vmem>>) target(%dma_start3A_327 : memref<6320xf32, #tpu.memory_space<hbm>>) target_semaphore(%run_scoped3A : memref<!tpu.dma_semaphore, #tpu.memory_space<semaphore_mem>>)
      %dma_wait3A = tpu.memref_slice %arg3[%add3A_169] : memref<1835008xf32, #tpu.memory_space<hbm>> -> memref<6320xf32, #tpu.memory_space<hbm>>
      %dma_wait3A_328 = tpu.memref_slice %arg3[%add3A_169] : memref<1835008xf32, #tpu.memory_space<hbm>> -> memref<6320xf32, #tpu.memory_space<hbm>>
      tpu.wait_dma2 semaphore(%run_scoped3A : memref<!tpu.dma_semaphore, #tpu.memory_space<semaphore_mem>>) src(%arg8 : memref<6320xf32, #tpu.memory_space<vmem>>) dst(%dma_wait3A_328 : memref<6320xf32, #tpu.memory_space<hbm>>)
      tpu.yield
    }) : () -> ()
    %mul3A_170 = arith.constant 4 : i32
    %mul3A_171 = arith.muli %select_n3A, %mul3A_170 : i32
    %add3A_172 = arith.constant 3 : i32
    %add3A_173 = arith.addi %mul3A_171, %add3A_172 : i32
    %mul3A_174 = arith.constant 114688 : i32
    %mul3A_175 = arith.muli %add3A_173, %mul3A_174 : i32
    %add3A_176 = arith.addi %mul3A_175, %add3A_36 : i32
    "tpu.region"() ({
      %run_scoped3A = tpu.sem_alloc : memref<!tpu.dma_semaphore, #tpu.memory_space<semaphore_mem>>
      %dma_start3A = tpu.memref_slice %arg3[%add3A_176] : memref<1835008xf32, #tpu.memory_space<hbm>> -> memref<6320xf32, #tpu.memory_space<hbm>>
      %dma_start3A_327 = tpu.memref_slice %arg3[%add3A_176] : memref<1835008xf32, #tpu.memory_space<hbm>> -> memref<6320xf32, #tpu.memory_space<hbm>>
      tpu.enqueue_dma source(%arg9 : memref<6320xf32, #tpu.memory_space<vmem>>) target(%dma_start3A_327 : memref<6320xf32, #tpu.memory_space<hbm>>) target_semaphore(%run_scoped3A : memref<!tpu.dma_semaphore, #tpu.memory_space<semaphore_mem>>)
      %dma_wait3A = tpu.memref_slice %arg3[%add3A_176] : memref<1835008xf32, #tpu.memory_space<hbm>> -> memref<6320xf32, #tpu.memory_space<hbm>>
      %dma_wait3A_328 = tpu.memref_slice %arg3[%add3A_176] : memref<1835008xf32, #tpu.memory_space<hbm>> -> memref<6320xf32, #tpu.memory_space<hbm>>
      tpu.wait_dma2 semaphore(%run_scoped3A : memref<!tpu.dma_semaphore, #tpu.memory_space<semaphore_mem>>) src(%arg9 : memref<6320xf32, #tpu.memory_space<vmem>>) dst(%dma_wait3A_328 : memref<6320xf32, #tpu.memory_space<hbm>>)
      tpu.yield
    }) : () -> ()
    %mul3A_177 = arith.constant 12640 : i32
    %mul3A_178 = arith.muli %select_n3A_32, %mul3A_177 : i32
    %add3A_179 = arith.constant 6320 : i32
    %add3A_180 = arith.addi %mul3A_178, %add3A_179 : i32
    %mul3A_181 = arith.constant 2 : i32
    %mul3A_182 = arith.muli %mul3A_181, %add3A_18 : i32
    %add3A_183 = arith.constant 0 : i32
    %add3A_184 = arith.addi %mul3A_182, %add3A_183 : i32
    %mul3A_185 = arith.constant 99856 : i32
    %mul3A_186 = arith.muli %add3A_184, %mul3A_185 : i32
    %sub3A_187 = arith.constant 320 : i32
    %sub3A_188 = arith.subi %add3A_180, %sub3A_187 : i32
    %add3A_189 = arith.addi %mul3A_186, %sub3A_188 : i32
    "tpu.region"() ({
      %run_scoped3A = tpu.sem_alloc : memref<!tpu.dma_semaphore, #tpu.memory_space<semaphore_mem>>
      %dma_start3A = arith.constant 0 : i32
      %dma_start3A_327 = tpu.memref_slice %arg4[%dma_start3A] : memref<6960xf32, #tpu.memory_space<vmem>> -> memref<320xf32, #tpu.memory_space<vmem>>
      %dma_start3A_328 = tpu.memref_slice %arg2[%add3A_189] : memref<1597696xf32, #tpu.memory_space<hbm>> -> memref<320xf32, #tpu.memory_space<hbm>>
      %dma_start3A_329 = arith.constant 0 : i32
      %dma_start3A_330 = tpu.memref_slice %arg4[%dma_start3A_329] : memref<6960xf32, #tpu.memory_space<vmem>> -> memref<320xf32, #tpu.memory_space<vmem>>
      %dma_start3A_331 = tpu.memref_slice %arg2[%add3A_189] : memref<1597696xf32, #tpu.memory_space<hbm>> -> memref<320xf32, #tpu.memory_space<hbm>>
      tpu.enqueue_dma source(%dma_start3A_331 : memref<320xf32, #tpu.memory_space<hbm>>) target(%dma_start3A_330 : memref<320xf32, #tpu.memory_space<vmem>>) target_semaphore(%run_scoped3A : memref<!tpu.dma_semaphore, #tpu.memory_space<semaphore_mem>>)
      %dma_wait3A = arith.constant 0 : i32
      %dma_wait3A_332 = tpu.memref_slice %arg4[%dma_wait3A] : memref<6960xf32, #tpu.memory_space<vmem>> -> memref<320xf32, #tpu.memory_space<vmem>>
      %dma_wait3A_333 = tpu.memref_slice %arg2[%add3A_189] : memref<1597696xf32, #tpu.memory_space<hbm>> -> memref<320xf32, #tpu.memory_space<hbm>>
      %dma_wait3A_334 = arith.constant 0 : i32
      %dma_wait3A_335 = tpu.memref_slice %arg4[%dma_wait3A_334] : memref<6960xf32, #tpu.memory_space<vmem>> -> memref<320xf32, #tpu.memory_space<vmem>>
      %dma_wait3A_336 = tpu.memref_slice %arg2[%add3A_189] : memref<1597696xf32, #tpu.memory_space<hbm>> -> memref<320xf32, #tpu.memory_space<hbm>>
      tpu.wait_dma2 semaphore(%run_scoped3A : memref<!tpu.dma_semaphore, #tpu.memory_space<semaphore_mem>>) src(%dma_wait3A_336 : memref<320xf32, #tpu.memory_space<hbm>>) dst(%dma_wait3A_335 : memref<320xf32, #tpu.memory_space<vmem>>)
      tpu.yield
    }) : () -> ()
    %eq3A_190 = arith.constant 7 : i32
    %eq3A_191 = arith.cmpi eq, %select_n3A_32, %eq3A_190 : i32
    %jit3A_192 = arith.constant 93216 : i32
    %select_n3A_193 = arith.select %eq3A_191, %jit3A_192, %add3A_180 : i32
    %add3A_194 = arith.addi %mul3A_186, %select_n3A_193 : i32
    "tpu.region"() ({
      %run_scoped3A = tpu.sem_alloc : memref<!tpu.dma_semaphore, #tpu.memory_space<semaphore_mem>>
      %dma_start3A = arith.constant 320 : i32
      %dma_start3A_327 = tpu.memref_slice %arg4[%dma_start3A] : memref<6960xf32, #tpu.memory_space<vmem>> -> memref<6640xf32, #tpu.memory_space<vmem>>
      %dma_start3A_328 = tpu.memref_slice %arg2[%add3A_194] : memref<1597696xf32, #tpu.memory_space<hbm>> -> memref<6640xf32, #tpu.memory_space<hbm>>
      %dma_start3A_329 = arith.constant 320 : i32
      %dma_start3A_330 = tpu.memref_slice %arg4[%dma_start3A_329] : memref<6960xf32, #tpu.memory_space<vmem>> -> memref<6640xf32, #tpu.memory_space<vmem>>
      %dma_start3A_331 = tpu.memref_slice %arg2[%add3A_194] : memref<1597696xf32, #tpu.memory_space<hbm>> -> memref<6640xf32, #tpu.memory_space<hbm>>
      tpu.enqueue_dma source(%dma_start3A_331 : memref<6640xf32, #tpu.memory_space<hbm>>) target(%dma_start3A_330 : memref<6640xf32, #tpu.memory_space<vmem>>) target_semaphore(%run_scoped3A : memref<!tpu.dma_semaphore, #tpu.memory_space<semaphore_mem>>)
      %dma_wait3A = arith.constant 320 : i32
      %dma_wait3A_332 = tpu.memref_slice %arg4[%dma_wait3A] : memref<6960xf32, #tpu.memory_space<vmem>> -> memref<6640xf32, #tpu.memory_space<vmem>>
      %dma_wait3A_333 = tpu.memref_slice %arg2[%add3A_194] : memref<1597696xf32, #tpu.memory_space<hbm>> -> memref<6640xf32, #tpu.memory_space<hbm>>
      %dma_wait3A_334 = arith.constant 320 : i32
      %dma_wait3A_335 = tpu.memref_slice %arg4[%dma_wait3A_334] : memref<6960xf32, #tpu.memory_space<vmem>> -> memref<6640xf32, #tpu.memory_space<vmem>>
      %dma_wait3A_336 = tpu.memref_slice %arg2[%add3A_194] : memref<1597696xf32, #tpu.memory_space<hbm>> -> memref<6640xf32, #tpu.memory_space<hbm>>
      tpu.wait_dma2 semaphore(%run_scoped3A : memref<!tpu.dma_semaphore, #tpu.memory_space<semaphore_mem>>) src(%dma_wait3A_336 : memref<6640xf32, #tpu.memory_space<hbm>>) dst(%dma_wait3A_335 : memref<6640xf32, #tpu.memory_space<vmem>>)
      tpu.yield
    }) : () -> ()
    %mul3A_195 = arith.constant 2 : i32
    %mul3A_196 = arith.muli %mul3A_195, %add3A_18 : i32
    %add3A_197 = arith.constant 1 : i32
    %add3A_198 = arith.addi %mul3A_196, %add3A_197 : i32
    %mul3A_199 = arith.constant 99856 : i32
    %mul3A_200 = arith.muli %add3A_198, %mul3A_199 : i32
    %sub3A_201 = arith.constant 320 : i32
    %sub3A_202 = arith.subi %add3A_180, %sub3A_201 : i32
    %add3A_203 = arith.addi %mul3A_200, %sub3A_202 : i32
    "tpu.region"() ({
      %run_scoped3A = tpu.sem_alloc : memref<!tpu.dma_semaphore, #tpu.memory_space<semaphore_mem>>
      %dma_start3A = arith.constant 0 : i32
      %dma_start3A_327 = tpu.memref_slice %arg5[%dma_start3A] : memref<6960xf32, #tpu.memory_space<vmem>> -> memref<320xf32, #tpu.memory_space<vmem>>
      %dma_start3A_328 = tpu.memref_slice %arg2[%add3A_203] : memref<1597696xf32, #tpu.memory_space<hbm>> -> memref<320xf32, #tpu.memory_space<hbm>>
      %dma_start3A_329 = arith.constant 0 : i32
      %dma_start3A_330 = tpu.memref_slice %arg5[%dma_start3A_329] : memref<6960xf32, #tpu.memory_space<vmem>> -> memref<320xf32, #tpu.memory_space<vmem>>
      %dma_start3A_331 = tpu.memref_slice %arg2[%add3A_203] : memref<1597696xf32, #tpu.memory_space<hbm>> -> memref<320xf32, #tpu.memory_space<hbm>>
      tpu.enqueue_dma source(%dma_start3A_331 : memref<320xf32, #tpu.memory_space<hbm>>) target(%dma_start3A_330 : memref<320xf32, #tpu.memory_space<vmem>>) target_semaphore(%run_scoped3A : memref<!tpu.dma_semaphore, #tpu.memory_space<semaphore_mem>>)
      %dma_wait3A = arith.constant 0 : i32
      %dma_wait3A_332 = tpu.memref_slice %arg5[%dma_wait3A] : memref<6960xf32, #tpu.memory_space<vmem>> -> memref<320xf32, #tpu.memory_space<vmem>>
      %dma_wait3A_333 = tpu.memref_slice %arg2[%add3A_203] : memref<1597696xf32, #tpu.memory_space<hbm>> -> memref<320xf32, #tpu.memory_space<hbm>>
      %dma_wait3A_334 = arith.constant 0 : i32
      %dma_wait3A_335 = tpu.memref_slice %arg5[%dma_wait3A_334] : memref<6960xf32, #tpu.memory_space<vmem>> -> memref<320xf32, #tpu.memory_space<vmem>>
      %dma_wait3A_336 = tpu.memref_slice %arg2[%add3A_203] : memref<1597696xf32, #tpu.memory_space<hbm>> -> memref<320xf32, #tpu.memory_space<hbm>>
      tpu.wait_dma2 semaphore(%run_scoped3A : memref<!tpu.dma_semaphore, #tpu.memory_space<semaphore_mem>>) src(%dma_wait3A_336 : memref<320xf32, #tpu.memory_space<hbm>>) dst(%dma_wait3A_335 : memref<320xf32, #tpu.memory_space<vmem>>)
      tpu.yield
    }) : () -> ()
    %eq3A_204 = arith.constant 7 : i32
    %eq3A_205 = arith.cmpi eq, %select_n3A_32, %eq3A_204 : i32
    %jit3A_206 = arith.constant 93216 : i32
    %select_n3A_207 = arith.select %eq3A_205, %jit3A_206, %add3A_180 : i32
    %add3A_208 = arith.addi %mul3A_200, %select_n3A_207 : i32
    "tpu.region"() ({
      %run_scoped3A = tpu.sem_alloc : memref<!tpu.dma_semaphore, #tpu.memory_space<semaphore_mem>>
      %dma_start3A = arith.constant 320 : i32
      %dma_start3A_327 = tpu.memref_slice %arg5[%dma_start3A] : memref<6960xf32, #tpu.memory_space<vmem>> -> memref<6640xf32, #tpu.memory_space<vmem>>
      %dma_start3A_328 = tpu.memref_slice %arg2[%add3A_208] : memref<1597696xf32, #tpu.memory_space<hbm>> -> memref<6640xf32, #tpu.memory_space<hbm>>
      %dma_start3A_329 = arith.constant 320 : i32
      %dma_start3A_330 = tpu.memref_slice %arg5[%dma_start3A_329] : memref<6960xf32, #tpu.memory_space<vmem>> -> memref<6640xf32, #tpu.memory_space<vmem>>
      %dma_start3A_331 = tpu.memref_slice %arg2[%add3A_208] : memref<1597696xf32, #tpu.memory_space<hbm>> -> memref<6640xf32, #tpu.memory_space<hbm>>
      tpu.enqueue_dma source(%dma_start3A_331 : memref<6640xf32, #tpu.memory_space<hbm>>) target(%dma_start3A_330 : memref<6640xf32, #tpu.memory_space<vmem>>) target_semaphore(%run_scoped3A : memref<!tpu.dma_semaphore, #tpu.memory_space<semaphore_mem>>)
      %dma_wait3A = arith.constant 320 : i32
      %dma_wait3A_332 = tpu.memref_slice %arg5[%dma_wait3A] : memref<6960xf32, #tpu.memory_space<vmem>> -> memref<6640xf32, #tpu.memory_space<vmem>>
      %dma_wait3A_333 = tpu.memref_slice %arg2[%add3A_208] : memref<1597696xf32, #tpu.memory_space<hbm>> -> memref<6640xf32, #tpu.memory_space<hbm>>
      %dma_wait3A_334 = arith.constant 320 : i32
      %dma_wait3A_335 = tpu.memref_slice %arg5[%dma_wait3A_334] : memref<6960xf32, #tpu.memory_space<vmem>> -> memref<6640xf32, #tpu.memory_space<vmem>>
      %dma_wait3A_336 = tpu.memref_slice %arg2[%add3A_208] : memref<1597696xf32, #tpu.memory_space<hbm>> -> memref<6640xf32, #tpu.memory_space<hbm>>
      tpu.wait_dma2 semaphore(%run_scoped3A : memref<!tpu.dma_semaphore, #tpu.memory_space<semaphore_mem>>) src(%dma_wait3A_336 : memref<6640xf32, #tpu.memory_space<hbm>>) dst(%dma_wait3A_335 : memref<6640xf32, #tpu.memory_space<vmem>>)
      tpu.yield
    }) : () -> ()
    %eq3A_209 = arith.constant 7 : i32
    %eq3A_210 = arith.cmpi eq, %select_n3A_32, %eq3A_209 : i32
    %convert_element_type3A = arith.extui %eq3A_210 : i1 to i32
    %cond3A = arith.constant 0 : i32
    %cond3A_211 = arith.cmpi ne, %convert_element_type3A, %cond3A : i32
    scf.if %cond3A_211 {
      %mul3A_327 = arith.constant 2 : i32
      %mul3A_328 = arith.muli %mul3A_327, %add3A_18 : i32
      %add3A_329 = arith.constant 0 : i32
      %add3A_330 = arith.addi %mul3A_328, %add3A_329 : i32
      %mul3A_331 = arith.constant 99856 : i32
      %mul3A_332 = arith.muli %add3A_330, %mul3A_331 : i32
      %add3A_333 = arith.constant 94800 : i32
      %add3A_334 = arith.addi %mul3A_332, %add3A_333 : i32
      "tpu.region"() ({
        %run_scoped3A = tpu.sem_alloc : memref<!tpu.dma_semaphore, #tpu.memory_space<semaphore_mem>>
        %dma_start3A = arith.constant 320 : i32
        %dma_start3A_343 = tpu.memref_slice %arg4[%dma_start3A] : memref<6960xf32, #tpu.memory_space<vmem>> -> memref<5056xf32, #tpu.memory_space<vmem>>
        %dma_start3A_344 = tpu.memref_slice %arg2[%add3A_334] : memref<1597696xf32, #tpu.memory_space<hbm>> -> memref<5056xf32, #tpu.memory_space<hbm>>
        %dma_start3A_345 = arith.constant 320 : i32
        %dma_start3A_346 = tpu.memref_slice %arg4[%dma_start3A_345] : memref<6960xf32, #tpu.memory_space<vmem>> -> memref<5056xf32, #tpu.memory_space<vmem>>
        %dma_start3A_347 = tpu.memref_slice %arg2[%add3A_334] : memref<1597696xf32, #tpu.memory_space<hbm>> -> memref<5056xf32, #tpu.memory_space<hbm>>
        tpu.enqueue_dma source(%dma_start3A_347 : memref<5056xf32, #tpu.memory_space<hbm>>) target(%dma_start3A_346 : memref<5056xf32, #tpu.memory_space<vmem>>) target_semaphore(%run_scoped3A : memref<!tpu.dma_semaphore, #tpu.memory_space<semaphore_mem>>)
        %dma_wait3A = arith.constant 320 : i32
        %dma_wait3A_348 = tpu.memref_slice %arg4[%dma_wait3A] : memref<6960xf32, #tpu.memory_space<vmem>> -> memref<5056xf32, #tpu.memory_space<vmem>>
        %dma_wait3A_349 = tpu.memref_slice %arg2[%add3A_334] : memref<1597696xf32, #tpu.memory_space<hbm>> -> memref<5056xf32, #tpu.memory_space<hbm>>
        %dma_wait3A_350 = arith.constant 320 : i32
        %dma_wait3A_351 = tpu.memref_slice %arg4[%dma_wait3A_350] : memref<6960xf32, #tpu.memory_space<vmem>> -> memref<5056xf32, #tpu.memory_space<vmem>>
        %dma_wait3A_352 = tpu.memref_slice %arg2[%add3A_334] : memref<1597696xf32, #tpu.memory_space<hbm>> -> memref<5056xf32, #tpu.memory_space<hbm>>
        tpu.wait_dma2 semaphore(%run_scoped3A : memref<!tpu.dma_semaphore, #tpu.memory_space<semaphore_mem>>) src(%dma_wait3A_352 : memref<5056xf32, #tpu.memory_space<hbm>>) dst(%dma_wait3A_351 : memref<5056xf32, #tpu.memory_space<vmem>>)
        tpu.yield
      }) : () -> ()
      "tpu.region"() ({
        %run_scoped3A = tpu.sem_alloc : memref<!tpu.dma_semaphore, #tpu.memory_space<semaphore_mem>>
        %dma_start3A = arith.constant 5376 : i32
        %dma_start3A_343 = tpu.memref_slice %arg4[%dma_start3A] : memref<6960xf32, #tpu.memory_space<vmem>> -> memref<320xf32, #tpu.memory_space<vmem>>
        %dma_start3A_344 = tpu.memref_slice %arg2[%mul3A_332] : memref<1597696xf32, #tpu.memory_space<hbm>> -> memref<320xf32, #tpu.memory_space<hbm>>
        %dma_start3A_345 = arith.constant 5376 : i32
        %dma_start3A_346 = tpu.memref_slice %arg4[%dma_start3A_345] : memref<6960xf32, #tpu.memory_space<vmem>> -> memref<320xf32, #tpu.memory_space<vmem>>
        %dma_start3A_347 = tpu.memref_slice %arg2[%mul3A_332] : memref<1597696xf32, #tpu.memory_space<hbm>> -> memref<320xf32, #tpu.memory_space<hbm>>
        tpu.enqueue_dma source(%dma_start3A_347 : memref<320xf32, #tpu.memory_space<hbm>>) target(%dma_start3A_346 : memref<320xf32, #tpu.memory_space<vmem>>) target_semaphore(%run_scoped3A : memref<!tpu.dma_semaphore, #tpu.memory_space<semaphore_mem>>)
        %dma_wait3A = arith.constant 5376 : i32
        %dma_wait3A_348 = tpu.memref_slice %arg4[%dma_wait3A] : memref<6960xf32, #tpu.memory_space<vmem>> -> memref<320xf32, #tpu.memory_space<vmem>>
        %dma_wait3A_349 = tpu.memref_slice %arg2[%mul3A_332] : memref<1597696xf32, #tpu.memory_space<hbm>> -> memref<320xf32, #tpu.memory_space<hbm>>
        %dma_wait3A_350 = arith.constant 5376 : i32
        %dma_wait3A_351 = tpu.memref_slice %arg4[%dma_wait3A_350] : memref<6960xf32, #tpu.memory_space<vmem>> -> memref<320xf32, #tpu.memory_space<vmem>>
        %dma_wait3A_352 = tpu.memref_slice %arg2[%mul3A_332] : memref<1597696xf32, #tpu.memory_space<hbm>> -> memref<320xf32, #tpu.memory_space<hbm>>
        tpu.wait_dma2 semaphore(%run_scoped3A : memref<!tpu.dma_semaphore, #tpu.memory_space<semaphore_mem>>) src(%dma_wait3A_352 : memref<320xf32, #tpu.memory_space<hbm>>) dst(%dma_wait3A_351 : memref<320xf32, #tpu.memory_space<vmem>>)
        tpu.yield
      }) : () -> ()
      %mul3A_335 = arith.constant 2 : i32
      %mul3A_336 = arith.muli %mul3A_335, %add3A_18 : i32
      %add3A_337 = arith.constant 1 : i32
      %add3A_338 = arith.addi %mul3A_336, %add3A_337 : i32
      %mul3A_339 = arith.constant 99856 : i32
      %mul3A_340 = arith.muli %add3A_338, %mul3A_339 : i32
      %add3A_341 = arith.constant 94800 : i32
      %add3A_342 = arith.addi %mul3A_340, %add3A_341 : i32
      "tpu.region"() ({
        %run_scoped3A = tpu.sem_alloc : memref<!tpu.dma_semaphore, #tpu.memory_space<semaphore_mem>>
        %dma_start3A = arith.constant 320 : i32
        %dma_start3A_343 = tpu.memref_slice %arg5[%dma_start3A] : memref<6960xf32, #tpu.memory_space<vmem>> -> memref<5056xf32, #tpu.memory_space<vmem>>
        %dma_start3A_344 = tpu.memref_slice %arg2[%add3A_342] : memref<1597696xf32, #tpu.memory_space<hbm>> -> memref<5056xf32, #tpu.memory_space<hbm>>
        %dma_start3A_345 = arith.constant 320 : i32
        %dma_start3A_346 = tpu.memref_slice %arg5[%dma_start3A_345] : memref<6960xf32, #tpu.memory_space<vmem>> -> memref<5056xf32, #tpu.memory_space<vmem>>
        %dma_start3A_347 = tpu.memref_slice %arg2[%add3A_342] : memref<1597696xf32, #tpu.memory_space<hbm>> -> memref<5056xf32, #tpu.memory_space<hbm>>
        tpu.enqueue_dma source(%dma_start3A_347 : memref<5056xf32, #tpu.memory_space<hbm>>) target(%dma_start3A_346 : memref<5056xf32, #tpu.memory_space<vmem>>) target_semaphore(%run_scoped3A : memref<!tpu.dma_semaphore, #tpu.memory_space<semaphore_mem>>)
        %dma_wait3A = arith.constant 320 : i32
        %dma_wait3A_348 = tpu.memref_slice %arg5[%dma_wait3A] : memref<6960xf32, #tpu.memory_space<vmem>> -> memref<5056xf32, #tpu.memory_space<vmem>>
        %dma_wait3A_349 = tpu.memref_slice %arg2[%add3A_342] : memref<1597696xf32, #tpu.memory_space<hbm>> -> memref<5056xf32, #tpu.memory_space<hbm>>
        %dma_wait3A_350 = arith.constant 320 : i32
        %dma_wait3A_351 = tpu.memref_slice %arg5[%dma_wait3A_350] : memref<6960xf32, #tpu.memory_space<vmem>> -> memref<5056xf32, #tpu.memory_space<vmem>>
        %dma_wait3A_352 = tpu.memref_slice %arg2[%add3A_342] : memref<1597696xf32, #tpu.memory_space<hbm>> -> memref<5056xf32, #tpu.memory_space<hbm>>
        tpu.wait_dma2 semaphore(%run_scoped3A : memref<!tpu.dma_semaphore, #tpu.memory_space<semaphore_mem>>) src(%dma_wait3A_352 : memref<5056xf32, #tpu.memory_space<hbm>>) dst(%dma_wait3A_351 : memref<5056xf32, #tpu.memory_space<vmem>>)
        tpu.yield
      }) : () -> ()
      "tpu.region"() ({
        %run_scoped3A = tpu.sem_alloc : memref<!tpu.dma_semaphore, #tpu.memory_space<semaphore_mem>>
        %dma_start3A = arith.constant 5376 : i32
        %dma_start3A_343 = tpu.memref_slice %arg5[%dma_start3A] : memref<6960xf32, #tpu.memory_space<vmem>> -> memref<320xf32, #tpu.memory_space<vmem>>
        %dma_start3A_344 = tpu.memref_slice %arg2[%mul3A_340] : memref<1597696xf32, #tpu.memory_space<hbm>> -> memref<320xf32, #tpu.memory_space<hbm>>
        %dma_start3A_345 = arith.constant 5376 : i32
        %dma_start3A_346 = tpu.memref_slice %arg5[%dma_start3A_345] : memref<6960xf32, #tpu.memory_space<vmem>> -> memref<320xf32, #tpu.memory_space<vmem>>
        %dma_start3A_347 = tpu.memref_slice %arg2[%mul3A_340] : memref<1597696xf32, #tpu.memory_space<hbm>> -> memref<320xf32, #tpu.memory_space<hbm>>
        tpu.enqueue_dma source(%dma_start3A_347 : memref<320xf32, #tpu.memory_space<hbm>>) target(%dma_start3A_346 : memref<320xf32, #tpu.memory_space<vmem>>) target_semaphore(%run_scoped3A : memref<!tpu.dma_semaphore, #tpu.memory_space<semaphore_mem>>)
        %dma_wait3A = arith.constant 5376 : i32
        %dma_wait3A_348 = tpu.memref_slice %arg5[%dma_wait3A] : memref<6960xf32, #tpu.memory_space<vmem>> -> memref<320xf32, #tpu.memory_space<vmem>>
        %dma_wait3A_349 = tpu.memref_slice %arg2[%mul3A_340] : memref<1597696xf32, #tpu.memory_space<hbm>> -> memref<320xf32, #tpu.memory_space<hbm>>
        %dma_wait3A_350 = arith.constant 5376 : i32
        %dma_wait3A_351 = tpu.memref_slice %arg5[%dma_wait3A_350] : memref<6960xf32, #tpu.memory_space<vmem>> -> memref<320xf32, #tpu.memory_space<vmem>>
        %dma_wait3A_352 = tpu.memref_slice %arg2[%mul3A_340] : memref<1597696xf32, #tpu.memory_space<hbm>> -> memref<320xf32, #tpu.memory_space<hbm>>
        tpu.wait_dma2 semaphore(%run_scoped3A : memref<!tpu.dma_semaphore, #tpu.memory_space<semaphore_mem>>) src(%dma_wait3A_352 : memref<320xf32, #tpu.memory_space<hbm>>) dst(%dma_wait3A_351 : memref<320xf32, #tpu.memory_space<vmem>>)
        tpu.yield
      }) : () -> ()
    } else {
    }
    %scan3A_212 = arith.constant 0 : i32
    %scan3A_213 = arith.constant 0 : i32
    %scan3A_214 = arith.constant 395 : i32
    %scan3A_215 = arith.addi %scan3A_213, %scan3A_214 : i32
    %scan3A_216 = arith.constant 1 : i32
    %scan3A_217 = scf.for %scan3A_327 = %scan3A_213 to %scan3A_215 step %scan3A_216 iter_args(%scan3A_328 = %scan3A_212) -> (i32)  : i32 {
      %mul3A_329 = arith.constant 16 : i32
      %mul3A_330 = arith.muli %mul3A_329, %scan3A_327 : i32
      %add3A_331 = arith.constant 320 : i32
      %add3A_332 = arith.addi %add3A_331, %mul3A_330 : i32
      %get3A = arith.index_cast %add3A_332 : i32 to index
      %get3A_333 = tpu.vector_load %arg4[%get3A] {strides = array<i32>} : memref<6960xf32, #tpu.memory_space<vmem>>, vector<16xf32>,
      %get3A_334 = arith.index_cast %add3A_332 : i32 to index
      %get3A_335 = tpu.vector_load %arg5[%get3A_334] {strides = array<i32>} : memref<6960xf32, #tpu.memory_space<vmem>>, vector<16xf32>,
      %add3A_336 = arith.constant 316 : i32
      %add3A_337 = arith.addi %add3A_332, %add3A_336 : i32
      %get3A_338 = arith.index_cast %add3A_337 : i32 to index
      %get3A_339 = tpu.vector_load %arg4[%get3A_338] {strides = array<i32>} : memref<6960xf32, #tpu.memory_space<vmem>>, vector<16xf32>,
      %mul3A_340 = arith.mulf %get3A_333, %get3A_339 : vector<16xf32>
      %add3A_341 = arith.constant 316 : i32
      %add3A_342 = arith.addi %add3A_332, %add3A_341 : i32
      %get3A_343 = arith.index_cast %add3A_342 : i32 to index
      %get3A_344 = tpu.vector_load %arg5[%get3A_343] {strides = array<i32>} : memref<6960xf32, #tpu.memory_space<vmem>>, vector<16xf32>,
      %mul3A_345 = arith.mulf %get3A_335, %get3A_344 : vector<16xf32>
      %add3A_346 = arith.addf %mul3A_340, %mul3A_345 : vector<16xf32>
      %mul3A_347 = arith.constant 16 : i32
      %mul3A_348 = arith.muli %mul3A_347, %scan3A_327 : i32
      %swap3A = arith.index_cast %mul3A_348 : i32 to index
      %swap3A_349 = tpu.vector_load %arg6[%swap3A] {strides = array<i32>} : memref<6320xf32, #tpu.memory_space<vmem>>, vector<16xf32>,
      tpu.vector_store %arg6[%swap3A], %add3A_346 {strides = array<i32>} : memref<6320xf32, #tpu.memory_space<vmem>>, vector<16xf32>,
      %sub3A_350 = arith.constant 316 : i32
      %sub3A_351 = arith.subi %add3A_332, %sub3A_350 : i32
      %get3A_352 = arith.index_cast %sub3A_351 : i32 to index
      %get3A_353 = tpu.vector_load %arg4[%get3A_352] {strides = array<i32>} : memref<6960xf32, #tpu.memory_space<vmem>>, vector<16xf32>,
      %mul3A_354 = arith.mulf %get3A_333, %get3A_353 : vector<16xf32>
      %sub3A_355 = arith.constant 316 : i32
      %sub3A_356 = arith.subi %add3A_332, %sub3A_355 : i32
      %get3A_357 = arith.index_cast %sub3A_356 : i32 to index
      %get3A_358 = tpu.vector_load %arg5[%get3A_357] {strides = array<i32>} : memref<6960xf32, #tpu.memory_space<vmem>>, vector<16xf32>,
      %mul3A_359 = arith.mulf %get3A_335, %get3A_358 : vector<16xf32>
      %add3A_360 = arith.addf %mul3A_354, %mul3A_359 : vector<16xf32>
      %mul3A_361 = arith.constant 16 : i32
      %mul3A_362 = arith.muli %mul3A_361, %scan3A_327 : i32
      %swap3A_363 = arith.index_cast %mul3A_362 : i32 to index
      %swap3A_364 = tpu.vector_load %arg7[%swap3A_363] {strides = array<i32>} : memref<6320xf32, #tpu.memory_space<vmem>>, vector<16xf32>,
      tpu.vector_store %arg7[%swap3A_363], %add3A_360 {strides = array<i32>} : memref<6320xf32, #tpu.memory_space<vmem>>, vector<16xf32>,
      %sub3A_365 = arith.constant 1 : i32
      %sub3A_366 = arith.subi %add3A_332, %sub3A_365 : i32
      %get3A_367 = arith.index_cast %sub3A_366 : i32 to index
      %get3A_368 = tpu.vector_load %arg4[%get3A_367] {strides = array<i32>} : memref<6960xf32, #tpu.memory_space<vmem>>, vector<16xf32>,
      %mul3A_369 = arith.mulf %get3A_333, %get3A_368 : vector<16xf32>
      %sub3A_370 = arith.constant 1 : i32
      %sub3A_371 = arith.subi %add3A_332, %sub3A_370 : i32
      %get3A_372 = arith.index_cast %sub3A_371 : i32 to index
      %get3A_373 = tpu.vector_load %arg5[%get3A_372] {strides = array<i32>} : memref<6960xf32, #tpu.memory_space<vmem>>, vector<16xf32>,
      %mul3A_374 = arith.mulf %get3A_335, %get3A_373 : vector<16xf32>
      %add3A_375 = arith.addf %mul3A_369, %mul3A_374 : vector<16xf32>
      %mul3A_376 = arith.constant 16 : i32
      %mul3A_377 = arith.muli %mul3A_376, %scan3A_327 : i32
      %swap3A_378 = arith.index_cast %mul3A_377 : i32 to index
      %swap3A_379 = tpu.vector_load %arg8[%swap3A_378] {strides = array<i32>} : memref<6320xf32, #tpu.memory_space<vmem>>, vector<16xf32>,
      tpu.vector_store %arg8[%swap3A_378], %add3A_375 {strides = array<i32>} : memref<6320xf32, #tpu.memory_space<vmem>>, vector<16xf32>,
      %add3A_380 = arith.constant 1 : i32
      %add3A_381 = arith.addi %add3A_332, %add3A_380 : i32
      %get3A_382 = arith.index_cast %add3A_381 : i32 to index
      %get3A_383 = tpu.vector_load %arg4[%get3A_382] {strides = array<i32>} : memref<6960xf32, #tpu.memory_space<vmem>>, vector<16xf32>,
      %mul3A_384 = arith.mulf %get3A_333, %get3A_383 : vector<16xf32>
      %add3A_385 = arith.constant 1 : i32
      %add3A_386 = arith.addi %add3A_332, %add3A_385 : i32
      %get3A_387 = arith.index_cast %add3A_386 : i32 to index
      %get3A_388 = tpu.vector_load %arg5[%get3A_387] {strides = array<i32>} : memref<6960xf32, #tpu.memory_space<vmem>>, vector<16xf32>,
      %mul3A_389 = arith.mulf %get3A_335, %get3A_388 : vector<16xf32>
      %add3A_390 = arith.addf %mul3A_384, %mul3A_389 : vector<16xf32>
      %mul3A_391 = arith.constant 16 : i32
      %mul3A_392 = arith.muli %mul3A_391, %scan3A_327 : i32
      %swap3A_393 = arith.index_cast %mul3A_392 : i32 to index
      %swap3A_394 = tpu.vector_load %arg9[%swap3A_393] {strides = array<i32>} : memref<6320xf32, #tpu.memory_space<vmem>>, vector<16xf32>,
      tpu.vector_store %arg9[%swap3A_393], %add3A_390 {strides = array<i32>} : memref<6320xf32, #tpu.memory_space<vmem>>, vector<16xf32>,
      %scan3A_395 = arith.constant 0 : i32
      scf.yield %scan3A_395 : i32
    }
    %scan3A_218 = arith.constant 395 : i32
    %add3A_219 = arith.constant 0 : i32
    %add3A_220 = vector.broadcast %add3A_219 : i32 to vector<16xi32>
    %add3A_221 = arith.addi %add3A_220, %iota3A : vector<16xi32>
    %lt3A_222 = arith.constant 20 : i32
    %lt3A_223 = vector.broadcast %lt3A_222 : i32 to vector<16xi32>
    %lt3A_224 = arith.cmpi slt, %add3A_221, %lt3A_223 : vector<16xi32>
    %min3A_225 = arith.constant 19 : i32
    %min3A_226 = vector.broadcast %min3A_225 : i32 to vector<16xi32>
    %min3A_227 = arith.minsi %add3A_221, %min3A_226 : vector<16xi32>
    %mul3A_228 = arith.constant 316 : i32
    %mul3A_229 = vector.broadcast %mul3A_228 : i32 to vector<16xi32>
    %mul3A_230 = arith.muli %min3A_227, %mul3A_229 : vector<16xi32>
    %add3A_231 = arith.constant 320 : i32
    %add3A_232 = vector.broadcast %add3A_231 : i32 to vector<16xi32>
    %add3A_233 = arith.addi %add3A_232, %mul3A_230 : vector<16xi32>
    %gather3A_234 = tpu.vector_load_idx %arg4[%add3A_233] masked %lt3A_224 : memref<6960xf32, #tpu.memory_space<vmem>>[vector<16xi32>], vector<16xf32>, vector<16xi1>
    %gather3A_235 = tpu.vector_load_idx %arg5[%add3A_233] masked %lt3A_224 : memref<6960xf32, #tpu.memory_space<vmem>>[vector<16xi32>], vector<16xf32>, vector<16xi1>
    %add3A_236 = arith.constant 315 : i32
    %add3A_237 = vector.broadcast %add3A_236 : i32 to vector<16xi32>
    %add3A_238 = arith.addi %add3A_233, %add3A_237 : vector<16xi32>
    %gather3A_239 = tpu.vector_load_idx %arg4[%add3A_238] masked %lt3A_224 : memref<6960xf32, #tpu.memory_space<vmem>>[vector<16xi32>], vector<16xf32>, vector<16xi1>
    %add3A_240 = arith.constant 315 : i32
    %add3A_241 = vector.broadcast %add3A_240 : i32 to vector<16xi32>
    %add3A_242 = arith.addi %add3A_233, %add3A_241 : vector<16xi32>
    %gather3A_243 = tpu.vector_load_idx %arg5[%add3A_242] masked %lt3A_224 : memref<6960xf32, #tpu.memory_space<vmem>>[vector<16xi32>], vector<16xf32>, vector<16xi1>
    %mul3A_244 = arith.constant 316 : i32
    %mul3A_245 = vector.broadcast %mul3A_244 : i32 to vector<16xi32>
    %mul3A_246 = arith.muli %min3A_227, %mul3A_245 : vector<16xi32>
    %mul3A_247 = arith.mulf %gather3A_234, %gather3A_239 : vector<16xf32>
    %mul3A_248 = arith.mulf %gather3A_235, %gather3A_243 : vector<16xf32>
    %add3A_249 = arith.addf %mul3A_247, %mul3A_248 : vector<16xf32>
    tpu.vector_store_idx %arg8[%mul3A_246], %add3A_249 masked %lt3A_224 : memref<6320xf32, #tpu.memory_space<vmem>>[vector<16xi32>], vector<16xf32>, vector<16xi1>
    %mul3A_250 = arith.constant 316 : i32
    %mul3A_251 = vector.broadcast %mul3A_250 : i32 to vector<16xi32>
    %mul3A_252 = arith.muli %min3A_227, %mul3A_251 : vector<16xi32>
    %add3A_253 = arith.constant 315 : i32
    %add3A_254 = vector.broadcast %add3A_253 : i32 to vector<16xi32>
    %add3A_255 = arith.addi %mul3A_252, %add3A_254 : vector<16xi32>
    %mul3A_256 = arith.mulf %gather3A_239, %gather3A_234 : vector<16xf32>
    %mul3A_257 = arith.mulf %gather3A_243, %gather3A_235 : vector<16xf32>
    %add3A_258 = arith.addf %mul3A_256, %mul3A_257 : vector<16xf32>
    tpu.vector_store_idx %arg9[%add3A_255], %add3A_258 masked %lt3A_224 : memref<6320xf32, #tpu.memory_space<vmem>>[vector<16xi32>], vector<16xf32>, vector<16xi1>
    %add3A_259 = arith.constant 16 : i32
    %add3A_260 = vector.broadcast %add3A_259 : i32 to vector<16xi32>
    %add3A_261 = arith.addi %add3A_260, %iota3A : vector<16xi32>
    %lt3A_262 = arith.constant 20 : i32
    %lt3A_263 = vector.broadcast %lt3A_262 : i32 to vector<16xi32>
    %lt3A_264 = arith.cmpi slt, %add3A_261, %lt3A_263 : vector<16xi32>
    %min3A_265 = arith.constant 19 : i32
    %min3A_266 = vector.broadcast %min3A_265 : i32 to vector<16xi32>
    %min3A_267 = arith.minsi %add3A_261, %min3A_266 : vector<16xi32>
    %mul3A_268 = arith.constant 316 : i32
    %mul3A_269 = vector.broadcast %mul3A_268 : i32 to vector<16xi32>
    %mul3A_270 = arith.muli %min3A_267, %mul3A_269 : vector<16xi32>
    %add3A_271 = arith.constant 320 : i32
    %add3A_272 = vector.broadcast %add3A_271 : i32 to vector<16xi32>
    %add3A_273 = arith.addi %add3A_272, %mul3A_270 : vector<16xi32>
    %gather3A_274 = tpu.vector_load_idx %arg4[%add3A_273] masked %lt3A_264 : memref<6960xf32, #tpu.memory_space<vmem>>[vector<16xi32>], vector<16xf32>, vector<16xi1>
    %gather3A_275 = tpu.vector_load_idx %arg5[%add3A_273] masked %lt3A_264 : memref<6960xf32, #tpu.memory_space<vmem>>[vector<16xi32>], vector<16xf32>, vector<16xi1>
    %add3A_276 = arith.constant 315 : i32
    %add3A_277 = vector.broadcast %add3A_276 : i32 to vector<16xi32>
    %add3A_278 = arith.addi %add3A_273, %add3A_277 : vector<16xi32>
    %gather3A_279 = tpu.vector_load_idx %arg4[%add3A_278] masked %lt3A_264 : memref<6960xf32, #tpu.memory_space<vmem>>[vector<16xi32>], vector<16xf32>, vector<16xi1>
    %add3A_280 = arith.constant 315 : i32
    %add3A_281 = vector.broadcast %add3A_280 : i32 to vector<16xi32>
    %add3A_282 = arith.addi %add3A_273, %add3A_281 : vector<16xi32>
    %gather3A_283 = tpu.vector_load_idx %arg5[%add3A_282] masked %lt3A_264 : memref<6960xf32, #tpu.memory_space<vmem>>[vector<16xi32>], vector<16xf32>, vector<16xi1>
    %mul3A_284 = arith.constant 316 : i32
    %mul3A_285 = vector.broadcast %mul3A_284 : i32 to vector<16xi32>
    %mul3A_286 = arith.muli %min3A_267, %mul3A_285 : vector<16xi32>
    %mul3A_287 = arith.mulf %gather3A_274, %gather3A_279 : vector<16xf32>
    %mul3A_288 = arith.mulf %gather3A_275, %gather3A_283 : vector<16xf32>
    %add3A_289 = arith.addf %mul3A_287, %mul3A_288 : vector<16xf32>
    tpu.vector_store_idx %arg8[%mul3A_286], %add3A_289 masked %lt3A_264 : memref<6320xf32, #tpu.memory_space<vmem>>[vector<16xi32>], vector<16xf32>, vector<16xi1>
    %mul3A_290 = arith.constant 316 : i32
    %mul3A_291 = vector.broadcast %mul3A_290 : i32 to vector<16xi32>
    %mul3A_292 = arith.muli %min3A_267, %mul3A_291 : vector<16xi32>
    %add3A_293 = arith.constant 315 : i32
    %add3A_294 = vector.broadcast %add3A_293 : i32 to vector<16xi32>
    %add3A_295 = arith.addi %mul3A_292, %add3A_294 : vector<16xi32>
    %mul3A_296 = arith.mulf %gather3A_279, %gather3A_274 : vector<16xf32>
    %mul3A_297 = arith.mulf %gather3A_283, %gather3A_275 : vector<16xf32>
    %add3A_298 = arith.addf %mul3A_296, %mul3A_297 : vector<16xf32>
    tpu.vector_store_idx %arg9[%add3A_295], %add3A_298 masked %lt3A_264 : memref<6320xf32, #tpu.memory_space<vmem>>[vector<16xi32>], vector<16xf32>, vector<16xi1>
    %mul3A_299 = arith.constant 4 : i32
    %mul3A_300 = arith.muli %select_n3A, %mul3A_299 : i32
    %add3A_301 = arith.constant 0 : i32
    %add3A_302 = arith.addi %mul3A_300, %add3A_301 : i32
    %mul3A_303 = arith.constant 114688 : i32
    %mul3A_304 = arith.muli %add3A_302, %mul3A_303 : i32
    %add3A_305 = arith.addi %mul3A_304, %add3A_180 : i32
    "tpu.region"() ({
      %run_scoped3A = tpu.sem_alloc : memref<!tpu.dma_semaphore, #tpu.memory_space<semaphore_mem>>
      %dma_start3A = tpu.memref_slice %arg3[%add3A_305] : memref<1835008xf32, #tpu.memory_space<hbm>> -> memref<6320xf32, #tpu.memory_space<hbm>>
      %dma_start3A_327 = tpu.memref_slice %arg3[%add3A_305] : memref<1835008xf32, #tpu.memory_space<hbm>> -> memref<6320xf32, #tpu.memory_space<hbm>>
      tpu.enqueue_dma source(%arg6 : memref<6320xf32, #tpu.memory_space<vmem>>) target(%dma_start3A_327 : memref<6320xf32, #tpu.memory_space<hbm>>) target_semaphore(%run_scoped3A : memref<!tpu.dma_semaphore, #tpu.memory_space<semaphore_mem>>)
      %dma_wait3A = tpu.memref_slice %arg3[%add3A_305] : memref<1835008xf32, #tpu.memory_space<hbm>> -> memref<6320xf32, #tpu.memory_space<hbm>>
      %dma_wait3A_328 = tpu.memref_slice %arg3[%add3A_305] : memref<1835008xf32, #tpu.memory_space<hbm>> -> memref<6320xf32, #tpu.memory_space<hbm>>
      tpu.wait_dma2 semaphore(%run_scoped3A : memref<!tpu.dma_semaphore, #tpu.memory_space<semaphore_mem>>) src(%arg6 : memref<6320xf32, #tpu.memory_space<vmem>>) dst(%dma_wait3A_328 : memref<6320xf32, #tpu.memory_space<hbm>>)
      tpu.yield
    }) : () -> ()
    %mul3A_306 = arith.constant 4 : i32
    %mul3A_307 = arith.muli %select_n3A, %mul3A_306 : i32
    %add3A_308 = arith.constant 1 : i32
    %add3A_309 = arith.addi %mul3A_307, %add3A_308 : i32
    %mul3A_310 = arith.constant 114688 : i32
    %mul3A_311 = arith.muli %add3A_309, %mul3A_310 : i32
    %add3A_312 = arith.addi %mul3A_311, %add3A_180 : i32
    "tpu.region"() ({
      %run_scoped3A = tpu.sem_alloc : memref<!tpu.dma_semaphore, #tpu.memory_space<semaphore_mem>>
      %dma_start3A = tpu.memref_slice %arg3[%add3A_312] : memref<1835008xf32, #tpu.memory_space<hbm>> -> memref<6320xf32, #tpu.memory_space<hbm>>
      %dma_start3A_327 = tpu.memref_slice %arg3[%add3A_312] : memref<1835008xf32, #tpu.memory_space<hbm>> -> memref<6320xf32, #tpu.memory_space<hbm>>
      tpu.enqueue_dma source(%arg7 : memref<6320xf32, #tpu.memory_space<vmem>>) target(%dma_start3A_327 : memref<6320xf32, #tpu.memory_space<hbm>>) target_semaphore(%run_scoped3A : memref<!tpu.dma_semaphore, #tpu.memory_space<semaphore_mem>>)
      %dma_wait3A = tpu.memref_slice %arg3[%add3A_312] : memref<1835008xf32, #tpu.memory_space<hbm>> -> memref<6320xf32, #tpu.memory_space<hbm>>
      %dma_wait3A_328 = tpu.memref_slice %arg3[%add3A_312] : memref<1835008xf32, #tpu.memory_space<hbm>> -> memref<6320xf32, #tpu.memory_space<hbm>>
      tpu.wait_dma2 semaphore(%run_scoped3A : memref<!tpu.dma_semaphore, #tpu.memory_space<semaphore_mem>>) src(%arg7 : memref<6320xf32, #tpu.memory_space<vmem>>) dst(%dma_wait3A_328 : memref<6320xf32, #tpu.memory_space<hbm>>)
      tpu.yield
    }) : () -> ()
    %mul3A_313 = arith.constant 4 : i32
    %mul3A_314 = arith.muli %select_n3A, %mul3A_313 : i32
    %add3A_315 = arith.constant 2 : i32
    %add3A_316 = arith.addi %mul3A_314, %add3A_315 : i32
    %mul3A_317 = arith.constant 114688 : i32
    %mul3A_318 = arith.muli %add3A_316, %mul3A_317 : i32
    %add3A_319 = arith.addi %mul3A_318, %add3A_180 : i32
    "tpu.region"() ({
      %run_scoped3A = tpu.sem_alloc : memref<!tpu.dma_semaphore, #tpu.memory_space<semaphore_mem>>
      %dma_start3A = tpu.memref_slice %arg3[%add3A_319] : memref<1835008xf32, #tpu.memory_space<hbm>> -> memref<6320xf32, #tpu.memory_space<hbm>>
      %dma_start3A_327 = tpu.memref_slice %arg3[%add3A_319] : memref<1835008xf32, #tpu.memory_space<hbm>> -> memref<6320xf32, #tpu.memory_space<hbm>>
      tpu.enqueue_dma source(%arg8 : memref<6320xf32, #tpu.memory_space<vmem>>) target(%dma_start3A_327 : memref<6320xf32, #tpu.memory_space<hbm>>) target_semaphore(%run_scoped3A : memref<!tpu.dma_semaphore, #tpu.memory_space<semaphore_mem>>)
      %dma_wait3A = tpu.memref_slice %arg3[%add3A_319] : memref<1835008xf32, #tpu.memory_space<hbm>> -> memref<6320xf32, #tpu.memory_space<hbm>>
      %dma_wait3A_328 = tpu.memref_slice %arg3[%add3A_319] : memref<1835008xf32, #tpu.memory_space<hbm>> -> memref<6320xf32, #tpu.memory_space<hbm>>
      tpu.wait_dma2 semaphore(%run_scoped3A : memref<!tpu.dma_semaphore, #tpu.memory_space<semaphore_mem>>) src(%arg8 : memref<6320xf32, #tpu.memory_space<vmem>>) dst(%dma_wait3A_328 : memref<6320xf32, #tpu.memory_space<hbm>>)
      tpu.yield
    }) : () -> ()
    %mul3A_320 = arith.constant 4 : i32
    %mul3A_321 = arith.muli %select_n3A, %mul3A_320 : i32
    %add3A_322 = arith.constant 3 : i32
    %add3A_323 = arith.addi %mul3A_321, %add3A_322 : i32
    %mul3A_324 = arith.constant 114688 : i32
    %mul3A_325 = arith.muli %add3A_323, %mul3A_324 : i32
    %add3A_326 = arith.addi %mul3A_325, %add3A_180 : i32
    "tpu.region"() ({
      %run_scoped3A = tpu.sem_alloc : memref<!tpu.dma_semaphore, #tpu.memory_space<semaphore_mem>>
      %dma_start3A = tpu.memref_slice %arg3[%add3A_326] : memref<1835008xf32, #tpu.memory_space<hbm>> -> memref<6320xf32, #tpu.memory_space<hbm>>
      %dma_start3A_327 = tpu.memref_slice %arg3[%add3A_326] : memref<1835008xf32, #tpu.memory_space<hbm>> -> memref<6320xf32, #tpu.memory_space<hbm>>
      tpu.enqueue_dma source(%arg9 : memref<6320xf32, #tpu.memory_space<vmem>>) target(%dma_start3A_327 : memref<6320xf32, #tpu.memory_space<hbm>>) target_semaphore(%run_scoped3A : memref<!tpu.dma_semaphore, #tpu.memory_space<semaphore_mem>>)
      %dma_wait3A = tpu.memref_slice %arg3[%add3A_326] : memref<1835008xf32, #tpu.memory_space<hbm>> -> memref<6320xf32, #tpu.memory_space<hbm>>
      %dma_wait3A_328 = tpu.memref_slice %arg3[%add3A_326] : memref<1835008xf32, #tpu.memory_space<hbm>> -> memref<6320xf32, #tpu.memory_space<hbm>>
      tpu.wait_dma2 semaphore(%run_scoped3A : memref<!tpu.dma_semaphore, #tpu.memory_space<semaphore_mem>>) src(%arg9 : memref<6320xf32, #tpu.memory_space<vmem>>) dst(%dma_wait3A_328 : memref<6320xf32, #tpu.memory_space<hbm>>)
      tpu.yield
    }) : () -> ()
    return
  }
}

#map = affine_map<(d0, d1) -> (0)>
module attributes {stable_mosaic.version = 14 : i64} {
  func.func @_sc_stage(%arg0: i32, %arg1: i32, %arg2: memref<1597696xf32, #tpu.memory_space<hbm>>, %arg3: memref<1835008xf32, #tpu.memory_space<hbm>>, %arg4: memref<6960xf32, #tpu.memory_space<vmem>>, %arg5: memref<6960xf32, #tpu.memory_space<vmem>>, %arg6: memref<6320xf32, #tpu.memory_space<vmem>>, %arg7: memref<6320xf32, #tpu.memory_space<vmem>>, %arg8: memref<6320xf32, #tpu.memory_space<vmem>>, %arg9: memref<6320xf32, #tpu.memory_space<vmem>>) attributes {dimension_semantics = [#tpu.dimension_semantics<core_parallel>, #tpu.dimension_semantics<subcore_parallel>], iteration_bounds = array<i64: 2, 16>, scalar_prefetch = 0 : i64, scratch_operands = 6 : i64, tpu.core_type = #tpu.core_type<sc_vector_subcore>, window_params = [{transform_indices = #map}, {transform_indices = #map}]} {
    %mul3A = arith.constant 2 : i32
    %mul3A_0 = arith.muli %arg1, %mul3A : i32
    %add3A = arith.addi %mul3A_0, %arg0 : i32
    %jit3A = arith.constant 8 : i32
    %div3A = arith.divsi %add3A, %jit3A : i32
    %sign3A = arith.constant 0 : i32
    %sign3A_1 = arith.cmpi sgt, %add3A, %sign3A : i32
    %sign3A_2 = arith.extui %sign3A_1 : i1 to i32
    %sign3A_3 = arith.constant 0 : i32
    %sign3A_4 = arith.cmpi slt, %add3A, %sign3A_3 : i32
    %sign3A_5 = arith.extui %sign3A_4 : i1 to i32
    %sign3A_6 = arith.subi %sign3A_2, %sign3A_5 : i32
    %sign3A_7 = arith.constant 0 : i32
    %sign3A_8 = arith.cmpi sgt, %jit3A, %sign3A_7 : i32
    %sign3A_9 = arith.extui %sign3A_8 : i1 to i32
    %sign3A_10 = arith.constant 0 : i32
    %sign3A_11 = arith.cmpi slt, %jit3A, %sign3A_10 : i32
    %sign3A_12 = arith.extui %sign3A_11 : i1 to i32
    %sign3A_13 = arith.subi %sign3A_9, %sign3A_12 : i32
    %ne3A = arith.cmpi ne, %sign3A_6, %sign3A_13 : i32
    %rem3A = arith.remsi %add3A, %jit3A : i32
    %ne3A_14 = arith.constant 0 : i32
    %ne3A_15 = arith.cmpi ne, %rem3A, %ne3A_14 : i32
    %and3A = arith.andi %ne3A, %ne3A_15 : i1
    %sub3A = arith.constant 1 : i32
    %sub3A_16 = arith.subi %div3A, %sub3A : i32
    %select_n3A = arith.select %and3A, %sub3A_16, %div3A : i32
    %add3A_17 = arith.constant 0 : i32
    %add3A_18 = arith.addi %add3A_17, %select_n3A : i32
    %jit3A_19 = arith.constant 8 : i32
    %eq3A = arith.constant 0 : i32
    %eq3A_20 = arith.cmpi eq, %jit3A_19, %eq3A : i32
    %jit3A_21 = arith.constant 1 : i32
    %select_n3A_22 = arith.select %eq3A_20, %jit3A_21, %jit3A_19 : i32
    %rem3A_23 = arith.remsi %add3A, %select_n3A_22 : i32
    %ne3A_24 = arith.constant 0 : i32
    %ne3A_25 = arith.cmpi ne, %rem3A_23, %ne3A_24 : i32
    %lt3A = arith.constant 0 : i32
    %lt3A_26 = arith.cmpi slt, %rem3A_23, %lt3A : i32
    %lt3A_27 = arith.constant 0 : i32
    %lt3A_28 = arith.cmpi slt, %select_n3A_22, %lt3A_27 : i32
    %ne3A_29 = arith.xori %lt3A_26, %lt3A_28 : i1
    %and3A_30 = arith.andi %ne3A_29, %ne3A_25 : i1
    %add3A_31 = arith.addi %rem3A_23, %select_n3A_22 : i32
    %select_n3A_32 = arith.select %and3A_30, %add3A_31, %rem3A_23 : i32
    %iota3A = tpu.iota {dimensions = array<i32: 0>} : vector<16xi32>
    %mul3A_33 = arith.constant 12640 : i32
    %mul3A_34 = arith.muli %select_n3A_32, %mul3A_33 : i32
    %add3A_35 = arith.constant 0 : i32
    %add3A_36 = arith.addi %mul3A_34, %add3A_35 : i32
    %mul3A_37 = arith.constant 2 : i32
    %mul3A_38 = arith.muli %mul3A_37, %add3A_18 : i32
    %add3A_39 = arith.constant 0 : i32
    %add3A_40 = arith.addi %mul3A_38, %add3A_39 : i32
    %mul3A_41 = arith.constant 99856 : i32
    %mul3A_42 = arith.muli %add3A_40, %mul3A_41 : i32
    %eq3A_43 = arith.constant 0 : i32
    %eq3A_44 = arith.cmpi eq, %select_n3A_32, %eq3A_43 : i32
    %sub3A_45 = arith.constant 320 : i32
    %sub3A_46 = arith.subi %add3A_36, %sub3A_45 : i32
    %jit3A_47 = arith.constant 99536 : i32
    %select_n3A_48 = arith.select %eq3A_44, %jit3A_47, %sub3A_46 : i32
    %add3A_49 = arith.addi %mul3A_42, %select_n3A_48 : i32
    "tpu.region"() ({
      %run_scoped3A = tpu.sem_alloc : memref<!tpu.dma_semaphore, #tpu.memory_space<semaphore_mem>>
      %dma_start3A = arith.constant 0 : i32
      %dma_start3A_327 = tpu.memref_slice %arg4[%dma_start3A] : memref<6960xf32, #tpu.memory_space<vmem>> -> memref<320xf32, #tpu.memory_space<vmem>>
      %dma_start3A_328 = tpu.memref_slice %arg2[%add3A_49] : memref<1597696xf32, #tpu.memory_space<hbm>> -> memref<320xf32, #tpu.memory_space<hbm>>
      %dma_start3A_329 = arith.constant 0 : i32
      %dma_start3A_330 = tpu.memref_slice %arg4[%dma_start3A_329] : memref<6960xf32, #tpu.memory_space<vmem>> -> memref<320xf32, #tpu.memory_space<vmem>>
      %dma_start3A_331 = tpu.memref_slice %arg2[%add3A_49] : memref<1597696xf32, #tpu.memory_space<hbm>> -> memref<320xf32, #tpu.memory_space<hbm>>
      tpu.enqueue_dma source(%dma_start3A_331 : memref<320xf32, #tpu.memory_space<hbm>>) target(%dma_start3A_330 : memref<320xf32, #tpu.memory_space<vmem>>) target_semaphore(%run_scoped3A : memref<!tpu.dma_semaphore, #tpu.memory_space<semaphore_mem>>)
      %dma_wait3A = arith.constant 0 : i32
      %dma_wait3A_332 = tpu.memref_slice %arg4[%dma_wait3A] : memref<6960xf32, #tpu.memory_space<vmem>> -> memref<320xf32, #tpu.memory_space<vmem>>
      %dma_wait3A_333 = tpu.memref_slice %arg2[%add3A_49] : memref<1597696xf32, #tpu.memory_space<hbm>> -> memref<320xf32, #tpu.memory_space<hbm>>
      %dma_wait3A_334 = arith.constant 0 : i32
      %dma_wait3A_335 = tpu.memref_slice %arg4[%dma_wait3A_334] : memref<6960xf32, #tpu.memory_space<vmem>> -> memref<320xf32, #tpu.memory_space<vmem>>
      %dma_wait3A_336 = tpu.memref_slice %arg2[%add3A_49] : memref<1597696xf32, #tpu.memory_space<hbm>> -> memref<320xf32, #tpu.memory_space<hbm>>
      tpu.wait_dma2 semaphore(%run_scoped3A : memref<!tpu.dma_semaphore, #tpu.memory_space<semaphore_mem>>) src(%dma_wait3A_336 : memref<320xf32, #tpu.memory_space<hbm>>) dst(%dma_wait3A_335 : memref<320xf32, #tpu.memory_space<vmem>>)
      tpu.yield
    }) : () -> ()
    %add3A_50 = arith.addi %mul3A_42, %add3A_36 : i32
    "tpu.region"() ({
      %run_scoped3A = tpu.sem_alloc : memref<!tpu.dma_semaphore, #tpu.memory_space<semaphore_mem>>
      %dma_start3A = arith.constant 320 : i32
      %dma_start3A_327 = tpu.memref_slice %arg4[%dma_start3A] : memref<6960xf32, #tpu.memory_space<vmem>> -> memref<6640xf32, #tpu.memory_space<vmem>>
      %dma_start3A_328 = tpu.memref_slice %arg2[%add3A_50] : memref<1597696xf32, #tpu.memory_space<hbm>> -> memref<6640xf32, #tpu.memory_space<hbm>>
      %dma_start3A_329 = arith.constant 320 : i32
      %dma_start3A_330 = tpu.memref_slice %arg4[%dma_start3A_329] : memref<6960xf32, #tpu.memory_space<vmem>> -> memref<6640xf32, #tpu.memory_space<vmem>>
      %dma_start3A_331 = tpu.memref_slice %arg2[%add3A_50] : memref<1597696xf32, #tpu.memory_space<hbm>> -> memref<6640xf32, #tpu.memory_space<hbm>>
      tpu.enqueue_dma source(%dma_start3A_331 : memref<6640xf32, #tpu.memory_space<hbm>>) target(%dma_start3A_330 : memref<6640xf32, #tpu.memory_space<vmem>>) target_semaphore(%run_scoped3A : memref<!tpu.dma_semaphore, #tpu.memory_space<semaphore_mem>>)
      %dma_wait3A = arith.constant 320 : i32
      %dma_wait3A_332 = tpu.memref_slice %arg4[%dma_wait3A] : memref<6960xf32, #tpu.memory_space<vmem>> -> memref<6640xf32, #tpu.memory_space<vmem>>
      %dma_wait3A_333 = tpu.memref_slice %arg2[%add3A_50] : memref<1597696xf32, #tpu.memory_space<hbm>> -> memref<6640xf32, #tpu.memory_space<hbm>>
      %dma_wait3A_334 = arith.constant 320 : i32
      %dma_wait3A_335 = tpu.memref_slice %arg4[%dma_wait3A_334] : memref<6960xf32, #tpu.memory_space<vmem>> -> memref<6640xf32, #tpu.memory_space<vmem>>
      %dma_wait3A_336 = tpu.memref_slice %arg2[%add3A_50] : memref<1597696xf32, #tpu.memory_space<hbm>> -> memref<6640xf32, #tpu.memory_space<hbm>>
      tpu.wait_dma2 semaphore(%run_scoped3A : memref<!tpu.dma_semaphore, #tpu.memory_space<semaphore_mem>>) src(%dma_wait3A_336 : memref<6640xf32, #tpu.memory_space<hbm>>) dst(%dma_wait3A_335 : memref<6640xf32, #tpu.memory_space<vmem>>)
      tpu.yield
    }) : () -> ()
    %mul3A_51 = arith.constant 2 : i32
    %mul3A_52 = arith.muli %mul3A_51, %add3A_18 : i32
    %add3A_53 = arith.constant 1 : i32
    %add3A_54 = arith.addi %mul3A_52, %add3A_53 : i32
    %mul3A_55 = arith.constant 99856 : i32
    %mul3A_56 = arith.muli %add3A_54, %mul3A_55 : i32
    %eq3A_57 = arith.constant 0 : i32
    %eq3A_58 = arith.cmpi eq, %select_n3A_32, %eq3A_57 : i32
    %sub3A_59 = arith.constant 320 : i32
    %sub3A_60 = arith.subi %add3A_36, %sub3A_59 : i32
    %jit3A_61 = arith.constant 99536 : i32
    %select_n3A_62 = arith.select %eq3A_58, %jit3A_61, %sub3A_60 : i32
    %add3A_63 = arith.addi %mul3A_56, %select_n3A_62 : i32
    "tpu.region"() ({
      %run_scoped3A = tpu.sem_alloc : memref<!tpu.dma_semaphore, #tpu.memory_space<semaphore_mem>>
      %dma_start3A = arith.constant 0 : i32
      %dma_start3A_327 = tpu.memref_slice %arg5[%dma_start3A] : memref<6960xf32, #tpu.memory_space<vmem>> -> memref<320xf32, #tpu.memory_space<vmem>>
      %dma_start3A_328 = tpu.memref_slice %arg2[%add3A_63] : memref<1597696xf32, #tpu.memory_space<hbm>> -> memref<320xf32, #tpu.memory_space<hbm>>
      %dma_start3A_329 = arith.constant 0 : i32
      %dma_start3A_330 = tpu.memref_slice %arg5[%dma_start3A_329] : memref<6960xf32, #tpu.memory_space<vmem>> -> memref<320xf32, #tpu.memory_space<vmem>>
      %dma_start3A_331 = tpu.memref_slice %arg2[%add3A_63] : memref<1597696xf32, #tpu.memory_space<hbm>> -> memref<320xf32, #tpu.memory_space<hbm>>
      tpu.enqueue_dma source(%dma_start3A_331 : memref<320xf32, #tpu.memory_space<hbm>>) target(%dma_start3A_330 : memref<320xf32, #tpu.memory_space<vmem>>) target_semaphore(%run_scoped3A : memref<!tpu.dma_semaphore, #tpu.memory_space<semaphore_mem>>)
      %dma_wait3A = arith.constant 0 : i32
      %dma_wait3A_332 = tpu.memref_slice %arg5[%dma_wait3A] : memref<6960xf32, #tpu.memory_space<vmem>> -> memref<320xf32, #tpu.memory_space<vmem>>
      %dma_wait3A_333 = tpu.memref_slice %arg2[%add3A_63] : memref<1597696xf32, #tpu.memory_space<hbm>> -> memref<320xf32, #tpu.memory_space<hbm>>
      %dma_wait3A_334 = arith.constant 0 : i32
      %dma_wait3A_335 = tpu.memref_slice %arg5[%dma_wait3A_334] : memref<6960xf32, #tpu.memory_space<vmem>> -> memref<320xf32, #tpu.memory_space<vmem>>
      %dma_wait3A_336 = tpu.memref_slice %arg2[%add3A_63] : memref<1597696xf32, #tpu.memory_space<hbm>> -> memref<320xf32, #tpu.memory_space<hbm>>
      tpu.wait_dma2 semaphore(%run_scoped3A : memref<!tpu.dma_semaphore, #tpu.memory_space<semaphore_mem>>) src(%dma_wait3A_336 : memref<320xf32, #tpu.memory_space<hbm>>) dst(%dma_wait3A_335 : memref<320xf32, #tpu.memory_space<vmem>>)
      tpu.yield
    }) : () -> ()
    %add3A_64 = arith.addi %mul3A_56, %add3A_36 : i32
    "tpu.region"() ({
      %run_scoped3A = tpu.sem_alloc : memref<!tpu.dma_semaphore, #tpu.memory_space<semaphore_mem>>
      %dma_start3A = arith.constant 320 : i32
      %dma_start3A_327 = tpu.memref_slice %arg5[%dma_start3A] : memref<6960xf32, #tpu.memory_space<vmem>> -> memref<6640xf32, #tpu.memory_space<vmem>>
      %dma_start3A_328 = tpu.memref_slice %arg2[%add3A_64] : memref<1597696xf32, #tpu.memory_space<hbm>> -> memref<6640xf32, #tpu.memory_space<hbm>>
      %dma_start3A_329 = arith.constant 320 : i32
      %dma_start3A_330 = tpu.memref_slice %arg5[%dma_start3A_329] : memref<6960xf32, #tpu.memory_space<vmem>> -> memref<6640xf32, #tpu.memory_space<vmem>>
      %dma_start3A_331 = tpu.memref_slice %arg2[%add3A_64] : memref<1597696xf32, #tpu.memory_space<hbm>> -> memref<6640xf32, #tpu.memory_space<hbm>>
      tpu.enqueue_dma source(%dma_start3A_331 : memref<6640xf32, #tpu.memory_space<hbm>>) target(%dma_start3A_330 : memref<6640xf32, #tpu.memory_space<vmem>>) target_semaphore(%run_scoped3A : memref<!tpu.dma_semaphore, #tpu.memory_space<semaphore_mem>>)
      %dma_wait3A = arith.constant 320 : i32
      %dma_wait3A_332 = tpu.memref_slice %arg5[%dma_wait3A] : memref<6960xf32, #tpu.memory_space<vmem>> -> memref<6640xf32, #tpu.memory_space<vmem>>
      %dma_wait3A_333 = tpu.memref_slice %arg2[%add3A_64] : memref<1597696xf32, #tpu.memory_space<hbm>> -> memref<6640xf32, #tpu.memory_space<hbm>>
      %dma_wait3A_334 = arith.constant 320 : i32
      %dma_wait3A_335 = tpu.memref_slice %arg5[%dma_wait3A_334] : memref<6960xf32, #tpu.memory_space<vmem>> -> memref<6640xf32, #tpu.memory_space<vmem>>
      %dma_wait3A_336 = tpu.memref_slice %arg2[%add3A_64] : memref<1597696xf32, #tpu.memory_space<hbm>> -> memref<6640xf32, #tpu.memory_space<hbm>>
      tpu.wait_dma2 semaphore(%run_scoped3A : memref<!tpu.dma_semaphore, #tpu.memory_space<semaphore_mem>>) src(%dma_wait3A_336 : memref<6640xf32, #tpu.memory_space<hbm>>) dst(%dma_wait3A_335 : memref<6640xf32, #tpu.memory_space<vmem>>)
      tpu.yield
    }) : () -> ()
    %scan3A = arith.constant 0 : i32
    %scan3A_65 = arith.constant 0 : i32
    %scan3A_66 = arith.constant 395 : i32
    %scan3A_67 = arith.addi %scan3A_65, %scan3A_66 : i32
    %scan3A_68 = arith.constant 1 : i32
    %scan3A_69 = scf.for %scan3A_327 = %scan3A_65 to %scan3A_67 step %scan3A_68 iter_args(%scan3A_328 = %scan3A) -> (i32)  : i32 {
      %mul3A_329 = arith.constant 16 : i32
      %mul3A_330 = arith.muli %mul3A_329, %scan3A_327 : i32
      %add3A_331 = arith.constant 320 : i32
      %add3A_332 = arith.addi %add3A_331, %mul3A_330 : i32
      %get3A = arith.index_cast %add3A_332 : i32 to index
      %get3A_333 = tpu.vector_load %arg4[%get3A] {strides = array<i32>} : memref<6960xf32, #tpu.memory_space<vmem>>, vector<16xf32>,
      %get3A_334 = arith.index_cast %add3A_332 : i32 to index
      %get3A_335 = tpu.vector_load %arg5[%get3A_334] {strides = array<i32>} : memref<6960xf32, #tpu.memory_space<vmem>>, vector<16xf32>,
      %add3A_336 = arith.constant 316 : i32
      %add3A_337 = arith.addi %add3A_332, %add3A_336 : i32
      %get3A_338 = arith.index_cast %add3A_337 : i32 to index
      %get3A_339 = tpu.vector_load %arg4[%get3A_338] {strides = array<i32>} : memref<6960xf32, #tpu.memory_space<vmem>>, vector<16xf32>,
      %mul3A_340 = arith.mulf %get3A_333, %get3A_339 : vector<16xf32>
      %add3A_341 = arith.constant 316 : i32
      %add3A_342 = arith.addi %add3A_332, %add3A_341 : i32
      %get3A_343 = arith.index_cast %add3A_342 : i32 to index
      %get3A_344 = tpu.vector_load %arg5[%get3A_343] {strides = array<i32>} : memref<6960xf32, #tpu.memory_space<vmem>>, vector<16xf32>,
      %mul3A_345 = arith.mulf %get3A_335, %get3A_344 : vector<16xf32>
      %add3A_346 = arith.addf %mul3A_340, %mul3A_345 : vector<16xf32>
      %mul3A_347 = arith.constant 16 : i32
      %mul3A_348 = arith.muli %mul3A_347, %scan3A_327 : i32
      %swap3A = arith.index_cast %mul3A_348 : i32 to index
      %swap3A_349 = tpu.vector_load %arg6[%swap3A] {strides = array<i32>} : memref<6320xf32, #tpu.memory_space<vmem>>, vector<16xf32>,
      tpu.vector_store %arg6[%swap3A], %add3A_346 {strides = array<i32>} : memref<6320xf32, #tpu.memory_space<vmem>>, vector<16xf32>,
      %sub3A_350 = arith.constant 316 : i32
      %sub3A_351 = arith.subi %add3A_332, %sub3A_350 : i32
      %get3A_352 = arith.index_cast %sub3A_351 : i32 to index
      %get3A_353 = tpu.vector_load %arg4[%get3A_352] {strides = array<i32>} : memref<6960xf32, #tpu.memory_space<vmem>>, vector<16xf32>,
      %mul3A_354 = arith.mulf %get3A_333, %get3A_353 : vector<16xf32>
      %sub3A_355 = arith.constant 316 : i32
      %sub3A_356 = arith.subi %add3A_332, %sub3A_355 : i32
      %get3A_357 = arith.index_cast %sub3A_356 : i32 to index
      %get3A_358 = tpu.vector_load %arg5[%get3A_357] {strides = array<i32>} : memref<6960xf32, #tpu.memory_space<vmem>>, vector<16xf32>,
      %mul3A_359 = arith.mulf %get3A_335, %get3A_358 : vector<16xf32>
      %add3A_360 = arith.addf %mul3A_354, %mul3A_359 : vector<16xf32>
      %mul3A_361 = arith.constant 16 : i32
      %mul3A_362 = arith.muli %mul3A_361, %scan3A_327 : i32
      %swap3A_363 = arith.index_cast %mul3A_362 : i32 to index
      %swap3A_364 = tpu.vector_load %arg7[%swap3A_363] {strides = array<i32>} : memref<6320xf32, #tpu.memory_space<vmem>>, vector<16xf32>,
      tpu.vector_store %arg7[%swap3A_363], %add3A_360 {strides = array<i32>} : memref<6320xf32, #tpu.memory_space<vmem>>, vector<16xf32>,
      %sub3A_365 = arith.constant 1 : i32
      %sub3A_366 = arith.subi %add3A_332, %sub3A_365 : i32
      %get3A_367 = arith.index_cast %sub3A_366 : i32 to index
      %get3A_368 = tpu.vector_load %arg4[%get3A_367] {strides = array<i32>} : memref<6960xf32, #tpu.memory_space<vmem>>, vector<16xf32>,
      %mul3A_369 = arith.mulf %get3A_333, %get3A_368 : vector<16xf32>
      %sub3A_370 = arith.constant 1 : i32
      %sub3A_371 = arith.subi %add3A_332, %sub3A_370 : i32
      %get3A_372 = arith.index_cast %sub3A_371 : i32 to index
      %get3A_373 = tpu.vector_load %arg5[%get3A_372] {strides = array<i32>} : memref<6960xf32, #tpu.memory_space<vmem>>, vector<16xf32>,
      %mul3A_374 = arith.mulf %get3A_335, %get3A_373 : vector<16xf32>
      %add3A_375 = arith.addf %mul3A_369, %mul3A_374 : vector<16xf32>
      %mul3A_376 = arith.constant 16 : i32
      %mul3A_377 = arith.muli %mul3A_376, %scan3A_327 : i32
      %swap3A_378 = arith.index_cast %mul3A_377 : i32 to index
      %swap3A_379 = tpu.vector_load %arg8[%swap3A_378] {strides = array<i32>} : memref<6320xf32, #tpu.memory_space<vmem>>, vector<16xf32>,
      tpu.vector_store %arg8[%swap3A_378], %add3A_375 {strides = array<i32>} : memref<6320xf32, #tpu.memory_space<vmem>>, vector<16xf32>,
      %add3A_380 = arith.constant 1 : i32
      %add3A_381 = arith.addi %add3A_332, %add3A_380 : i32
      %get3A_382 = arith.index_cast %add3A_381 : i32 to index
      %get3A_383 = tpu.vector_load %arg4[%get3A_382] {strides = array<i32>} : memref<6960xf32, #tpu.memory_space<vmem>>, vector<16xf32>,
      %mul3A_384 = arith.mulf %get3A_333, %get3A_383 : vector<16xf32>
      %add3A_385 = arith.constant 1 : i32
      %add3A_386 = arith.addi %add3A_332, %add3A_385 : i32
      %get3A_387 = arith.index_cast %add3A_386 : i32 to index
      %get3A_388 = tpu.vector_load %arg5[%get3A_387] {strides = array<i32>} : memref<6960xf32, #tpu.memory_space<vmem>>, vector<16xf32>,
      %mul3A_389 = arith.mulf %get3A_335, %get3A_388 : vector<16xf32>
      %add3A_390 = arith.addf %mul3A_384, %mul3A_389 : vector<16xf32>
      %mul3A_391 = arith.constant 16 : i32
      %mul3A_392 = arith.muli %mul3A_391, %scan3A_327 : i32
      %swap3A_393 = arith.index_cast %mul3A_392 : i32 to index
      %swap3A_394 = tpu.vector_load %arg9[%swap3A_393] {strides = array<i32>} : memref<6320xf32, #tpu.memory_space<vmem>>, vector<16xf32>,
      tpu.vector_store %arg9[%swap3A_393], %add3A_390 {strides = array<i32>} : memref<6320xf32, #tpu.memory_space<vmem>>, vector<16xf32>,
      %scan3A_395 = arith.constant 0 : i32
      scf.yield %scan3A_395 : i32
    }
    %scan3A_70 = arith.constant 395 : i32
    %add3A_71 = arith.constant 0 : i32
    %add3A_72 = vector.broadcast %add3A_71 : i32 to vector<16xi32>
    %add3A_73 = arith.addi %add3A_72, %iota3A : vector<16xi32>
    %lt3A_74 = arith.constant 20 : i32
    %lt3A_75 = vector.broadcast %lt3A_74 : i32 to vector<16xi32>
    %lt3A_76 = arith.cmpi slt, %add3A_73, %lt3A_75 : vector<16xi32>
    %min3A = arith.constant 19 : i32
    %min3A_77 = vector.broadcast %min3A : i32 to vector<16xi32>
    %min3A_78 = arith.minsi %add3A_73, %min3A_77 : vector<16xi32>
    %mul3A_79 = arith.constant 316 : i32
    %mul3A_80 = vector.broadcast %mul3A_79 : i32 to vector<16xi32>
    %mul3A_81 = arith.muli %min3A_78, %mul3A_80 : vector<16xi32>
    %add3A_82 = arith.constant 320 : i32
    %add3A_83 = vector.broadcast %add3A_82 : i32 to vector<16xi32>
    %add3A_84 = arith.addi %add3A_83, %mul3A_81 : vector<16xi32>
    %gather3A = tpu.vector_load_idx %arg4[%add3A_84] masked %lt3A_76 : memref<6960xf32, #tpu.memory_space<vmem>>[vector<16xi32>], vector<16xf32>, vector<16xi1>
    %gather3A_85 = tpu.vector_load_idx %arg5[%add3A_84] masked %lt3A_76 : memref<6960xf32, #tpu.memory_space<vmem>>[vector<16xi32>], vector<16xf32>, vector<16xi1>
    %add3A_86 = arith.constant 315 : i32
    %add3A_87 = vector.broadcast %add3A_86 : i32 to vector<16xi32>
    %add3A_88 = arith.addi %add3A_84, %add3A_87 : vector<16xi32>
    %gather3A_89 = tpu.vector_load_idx %arg4[%add3A_88] masked %lt3A_76 : memref<6960xf32, #tpu.memory_space<vmem>>[vector<16xi32>], vector<16xf32>, vector<16xi1>
    %add3A_90 = arith.constant 315 : i32
    %add3A_91 = vector.broadcast %add3A_90 : i32 to vector<16xi32>
    %add3A_92 = arith.addi %add3A_84, %add3A_91 : vector<16xi32>
    %gather3A_93 = tpu.vector_load_idx %arg5[%add3A_92] masked %lt3A_76 : memref<6960xf32, #tpu.memory_space<vmem>>[vector<16xi32>], vector<16xf32>, vector<16xi1>
    %mul3A_94 = arith.constant 316 : i32
    %mul3A_95 = vector.broadcast %mul3A_94 : i32 to vector<16xi32>
    %mul3A_96 = arith.muli %min3A_78, %mul3A_95 : vector<16xi32>
    %mul3A_97 = arith.mulf %gather3A, %gather3A_89 : vector<16xf32>
    %mul3A_98 = arith.mulf %gather3A_85, %gather3A_93 : vector<16xf32>
    %add3A_99 = arith.addf %mul3A_97, %mul3A_98 : vector<16xf32>
    tpu.vector_store_idx %arg8[%mul3A_96], %add3A_99 masked %lt3A_76 : memref<6320xf32, #tpu.memory_space<vmem>>[vector<16xi32>], vector<16xf32>, vector<16xi1>
    %mul3A_100 = arith.constant 316 : i32
    %mul3A_101 = vector.broadcast %mul3A_100 : i32 to vector<16xi32>
    %mul3A_102 = arith.muli %min3A_78, %mul3A_101 : vector<16xi32>
    %add3A_103 = arith.constant 315 : i32
    %add3A_104 = vector.broadcast %add3A_103 : i32 to vector<16xi32>
    %add3A_105 = arith.addi %mul3A_102, %add3A_104 : vector<16xi32>
    %mul3A_106 = arith.mulf %gather3A_89, %gather3A : vector<16xf32>
    %mul3A_107 = arith.mulf %gather3A_93, %gather3A_85 : vector<16xf32>
    %add3A_108 = arith.addf %mul3A_106, %mul3A_107 : vector<16xf32>
    tpu.vector_store_idx %arg9[%add3A_105], %add3A_108 masked %lt3A_76 : memref<6320xf32, #tpu.memory_space<vmem>>[vector<16xi32>], vector<16xf32>, vector<16xi1>
    %add3A_109 = arith.constant 16 : i32
    %add3A_110 = vector.broadcast %add3A_109 : i32 to vector<16xi32>
    %add3A_111 = arith.addi %add3A_110, %iota3A : vector<16xi32>
    %lt3A_112 = arith.constant 20 : i32
    %lt3A_113 = vector.broadcast %lt3A_112 : i32 to vector<16xi32>
    %lt3A_114 = arith.cmpi slt, %add3A_111, %lt3A_113 : vector<16xi32>
    %min3A_115 = arith.constant 19 : i32
    %min3A_116 = vector.broadcast %min3A_115 : i32 to vector<16xi32>
    %min3A_117 = arith.minsi %add3A_111, %min3A_116 : vector<16xi32>
    %mul3A_118 = arith.constant 316 : i32
    %mul3A_119 = vector.broadcast %mul3A_118 : i32 to vector<16xi32>
    %mul3A_120 = arith.muli %min3A_117, %mul3A_119 : vector<16xi32>
    %add3A_121 = arith.constant 320 : i32
    %add3A_122 = vector.broadcast %add3A_121 : i32 to vector<16xi32>
    %add3A_123 = arith.addi %add3A_122, %mul3A_120 : vector<16xi32>
    %gather3A_124 = tpu.vector_load_idx %arg4[%add3A_123] masked %lt3A_114 : memref<6960xf32, #tpu.memory_space<vmem>>[vector<16xi32>], vector<16xf32>, vector<16xi1>
    %gather3A_125 = tpu.vector_load_idx %arg5[%add3A_123] masked %lt3A_114 : memref<6960xf32, #tpu.memory_space<vmem>>[vector<16xi32>], vector<16xf32>, vector<16xi1>
    %add3A_126 = arith.constant 315 : i32
    %add3A_127 = vector.broadcast %add3A_126 : i32 to vector<16xi32>
    %add3A_128 = arith.addi %add3A_123, %add3A_127 : vector<16xi32>
    %gather3A_129 = tpu.vector_load_idx %arg4[%add3A_128] masked %lt3A_114 : memref<6960xf32, #tpu.memory_space<vmem>>[vector<16xi32>], vector<16xf32>, vector<16xi1>
    %add3A_130 = arith.constant 315 : i32
    %add3A_131 = vector.broadcast %add3A_130 : i32 to vector<16xi32>
    %add3A_132 = arith.addi %add3A_123, %add3A_131 : vector<16xi32>
    %gather3A_133 = tpu.vector_load_idx %arg5[%add3A_132] masked %lt3A_114 : memref<6960xf32, #tpu.memory_space<vmem>>[vector<16xi32>], vector<16xf32>, vector<16xi1>
    %mul3A_134 = arith.constant 316 : i32
    %mul3A_135 = vector.broadcast %mul3A_134 : i32 to vector<16xi32>
    %mul3A_136 = arith.muli %min3A_117, %mul3A_135 : vector<16xi32>
    %mul3A_137 = arith.mulf %gather3A_124, %gather3A_129 : vector<16xf32>
    %mul3A_138 = arith.mulf %gather3A_125, %gather3A_133 : vector<16xf32>
    %add3A_139 = arith.addf %mul3A_137, %mul3A_138 : vector<16xf32>
    tpu.vector_store_idx %arg8[%mul3A_136], %add3A_139 masked %lt3A_114 : memref<6320xf32, #tpu.memory_space<vmem>>[vector<16xi32>], vector<16xf32>, vector<16xi1>
    %mul3A_140 = arith.constant 316 : i32
    %mul3A_141 = vector.broadcast %mul3A_140 : i32 to vector<16xi32>
    %mul3A_142 = arith.muli %min3A_117, %mul3A_141 : vector<16xi32>
    %add3A_143 = arith.constant 315 : i32
    %add3A_144 = vector.broadcast %add3A_143 : i32 to vector<16xi32>
    %add3A_145 = arith.addi %mul3A_142, %add3A_144 : vector<16xi32>
    %mul3A_146 = arith.mulf %gather3A_129, %gather3A_124 : vector<16xf32>
    %mul3A_147 = arith.mulf %gather3A_133, %gather3A_125 : vector<16xf32>
    %add3A_148 = arith.addf %mul3A_146, %mul3A_147 : vector<16xf32>
    tpu.vector_store_idx %arg9[%add3A_145], %add3A_148 masked %lt3A_114 : memref<6320xf32, #tpu.memory_space<vmem>>[vector<16xi32>], vector<16xf32>, vector<16xi1>
    %mul3A_149 = arith.constant 4 : i32
    %mul3A_150 = arith.muli %select_n3A, %mul3A_149 : i32
    %add3A_151 = arith.constant 0 : i32
    %add3A_152 = arith.addi %mul3A_150, %add3A_151 : i32
    %mul3A_153 = arith.constant 114688 : i32
    %mul3A_154 = arith.muli %add3A_152, %mul3A_153 : i32
    %add3A_155 = arith.addi %mul3A_154, %add3A_36 : i32
    "tpu.region"() ({
      %run_scoped3A = tpu.sem_alloc : memref<!tpu.dma_semaphore, #tpu.memory_space<semaphore_mem>>
      %dma_start3A = tpu.memref_slice %arg3[%add3A_155] : memref<1835008xf32, #tpu.memory_space<hbm>> -> memref<6320xf32, #tpu.memory_space<hbm>>
      %dma_start3A_327 = tpu.memref_slice %arg3[%add3A_155] : memref<1835008xf32, #tpu.memory_space<hbm>> -> memref<6320xf32, #tpu.memory_space<hbm>>
      tpu.enqueue_dma source(%arg6 : memref<6320xf32, #tpu.memory_space<vmem>>) target(%dma_start3A_327 : memref<6320xf32, #tpu.memory_space<hbm>>) target_semaphore(%run_scoped3A : memref<!tpu.dma_semaphore, #tpu.memory_space<semaphore_mem>>)
      %dma_wait3A = tpu.memref_slice %arg3[%add3A_155] : memref<1835008xf32, #tpu.memory_space<hbm>> -> memref<6320xf32, #tpu.memory_space<hbm>>
      %dma_wait3A_328 = tpu.memref_slice %arg3[%add3A_155] : memref<1835008xf32, #tpu.memory_space<hbm>> -> memref<6320xf32, #tpu.memory_space<hbm>>
      tpu.wait_dma2 semaphore(%run_scoped3A : memref<!tpu.dma_semaphore, #tpu.memory_space<semaphore_mem>>) src(%arg6 : memref<6320xf32, #tpu.memory_space<vmem>>) dst(%dma_wait3A_328 : memref<6320xf32, #tpu.memory_space<hbm>>)
      tpu.yield
    }) : () -> ()
    %mul3A_156 = arith.constant 4 : i32
    %mul3A_157 = arith.muli %select_n3A, %mul3A_156 : i32
    %add3A_158 = arith.constant 1 : i32
    %add3A_159 = arith.addi %mul3A_157, %add3A_158 : i32
    %mul3A_160 = arith.constant 114688 : i32
    %mul3A_161 = arith.muli %add3A_159, %mul3A_160 : i32
    %add3A_162 = arith.addi %mul3A_161, %add3A_36 : i32
    "tpu.region"() ({
      %run_scoped3A = tpu.sem_alloc : memref<!tpu.dma_semaphore, #tpu.memory_space<semaphore_mem>>
      %dma_start3A = tpu.memref_slice %arg3[%add3A_162] : memref<1835008xf32, #tpu.memory_space<hbm>> -> memref<6320xf32, #tpu.memory_space<hbm>>
      %dma_start3A_327 = tpu.memref_slice %arg3[%add3A_162] : memref<1835008xf32, #tpu.memory_space<hbm>> -> memref<6320xf32, #tpu.memory_space<hbm>>
      tpu.enqueue_dma source(%arg7 : memref<6320xf32, #tpu.memory_space<vmem>>) target(%dma_start3A_327 : memref<6320xf32, #tpu.memory_space<hbm>>) target_semaphore(%run_scoped3A : memref<!tpu.dma_semaphore, #tpu.memory_space<semaphore_mem>>)
      %dma_wait3A = tpu.memref_slice %arg3[%add3A_162] : memref<1835008xf32, #tpu.memory_space<hbm>> -> memref<6320xf32, #tpu.memory_space<hbm>>
      %dma_wait3A_328 = tpu.memref_slice %arg3[%add3A_162] : memref<1835008xf32, #tpu.memory_space<hbm>> -> memref<6320xf32, #tpu.memory_space<hbm>>
      tpu.wait_dma2 semaphore(%run_scoped3A : memref<!tpu.dma_semaphore, #tpu.memory_space<semaphore_mem>>) src(%arg7 : memref<6320xf32, #tpu.memory_space<vmem>>) dst(%dma_wait3A_328 : memref<6320xf32, #tpu.memory_space<hbm>>)
      tpu.yield
    }) : () -> ()
    %mul3A_163 = arith.constant 4 : i32
    %mul3A_164 = arith.muli %select_n3A, %mul3A_163 : i32
    %add3A_165 = arith.constant 2 : i32
    %add3A_166 = arith.addi %mul3A_164, %add3A_165 : i32
    %mul3A_167 = arith.constant 114688 : i32
    %mul3A_168 = arith.muli %add3A_166, %mul3A_167 : i32
    %add3A_169 = arith.addi %mul3A_168, %add3A_36 : i32
    "tpu.region"() ({
      %run_scoped3A = tpu.sem_alloc : memref<!tpu.dma_semaphore, #tpu.memory_space<semaphore_mem>>
      %dma_start3A = tpu.memref_slice %arg3[%add3A_169] : memref<1835008xf32, #tpu.memory_space<hbm>> -> memref<6320xf32, #tpu.memory_space<hbm>>
      %dma_start3A_327 = tpu.memref_slice %arg3[%add3A_169] : memref<1835008xf32, #tpu.memory_space<hbm>> -> memref<6320xf32, #tpu.memory_space<hbm>>
      tpu.enqueue_dma source(%arg8 : memref<6320xf32, #tpu.memory_space<vmem>>) target(%dma_start3A_327 : memref<6320xf32, #tpu.memory_space<hbm>>) target_semaphore(%run_scoped3A : memref<!tpu.dma_semaphore, #tpu.memory_space<semaphore_mem>>)
      %dma_wait3A = tpu.memref_slice %arg3[%add3A_169] : memref<1835008xf32, #tpu.memory_space<hbm>> -> memref<6320xf32, #tpu.memory_space<hbm>>
      %dma_wait3A_328 = tpu.memref_slice %arg3[%add3A_169] : memref<1835008xf32, #tpu.memory_space<hbm>> -> memref<6320xf32, #tpu.memory_space<hbm>>
      tpu.wait_dma2 semaphore(%run_scoped3A : memref<!tpu.dma_semaphore, #tpu.memory_space<semaphore_mem>>) src(%arg8 : memref<6320xf32, #tpu.memory_space<vmem>>) dst(%dma_wait3A_328 : memref<6320xf32, #tpu.memory_space<hbm>>)
      tpu.yield
    }) : () -> ()
    %mul3A_170 = arith.constant 4 : i32
    %mul3A_171 = arith.muli %select_n3A, %mul3A_170 : i32
    %add3A_172 = arith.constant 3 : i32
    %add3A_173 = arith.addi %mul3A_171, %add3A_172 : i32
    %mul3A_174 = arith.constant 114688 : i32
    %mul3A_175 = arith.muli %add3A_173, %mul3A_174 : i32
    %add3A_176 = arith.addi %mul3A_175, %add3A_36 : i32
    "tpu.region"() ({
      %run_scoped3A = tpu.sem_alloc : memref<!tpu.dma_semaphore, #tpu.memory_space<semaphore_mem>>
      %dma_start3A = tpu.memref_slice %arg3[%add3A_176] : memref<1835008xf32, #tpu.memory_space<hbm>> -> memref<6320xf32, #tpu.memory_space<hbm>>
      %dma_start3A_327 = tpu.memref_slice %arg3[%add3A_176] : memref<1835008xf32, #tpu.memory_space<hbm>> -> memref<6320xf32, #tpu.memory_space<hbm>>
      tpu.enqueue_dma source(%arg9 : memref<6320xf32, #tpu.memory_space<vmem>>) target(%dma_start3A_327 : memref<6320xf32, #tpu.memory_space<hbm>>) target_semaphore(%run_scoped3A : memref<!tpu.dma_semaphore, #tpu.memory_space<semaphore_mem>>)
      %dma_wait3A = tpu.memref_slice %arg3[%add3A_176] : memref<1835008xf32, #tpu.memory_space<hbm>> -> memref<6320xf32, #tpu.memory_space<hbm>>
      %dma_wait3A_328 = tpu.memref_slice %arg3[%add3A_176] : memref<1835008xf32, #tpu.memory_space<hbm>> -> memref<6320xf32, #tpu.memory_space<hbm>>
      tpu.wait_dma2 semaphore(%run_scoped3A : memref<!tpu.dma_semaphore, #tpu.memory_space<semaphore_mem>>) src(%arg9 : memref<6320xf32, #tpu.memory_space<vmem>>) dst(%dma_wait3A_328 : memref<6320xf32, #tpu.memory_space<hbm>>)
      tpu.yield
    }) : () -> ()
    %mul3A_177 = arith.constant 12640 : i32
    %mul3A_178 = arith.muli %select_n3A_32, %mul3A_177 : i32
    %add3A_179 = arith.constant 6320 : i32
    %add3A_180 = arith.addi %mul3A_178, %add3A_179 : i32
    %mul3A_181 = arith.constant 2 : i32
    %mul3A_182 = arith.muli %mul3A_181, %add3A_18 : i32
    %add3A_183 = arith.constant 0 : i32
    %add3A_184 = arith.addi %mul3A_182, %add3A_183 : i32
    %mul3A_185 = arith.constant 99856 : i32
    %mul3A_186 = arith.muli %add3A_184, %mul3A_185 : i32
    %sub3A_187 = arith.constant 320 : i32
    %sub3A_188 = arith.subi %add3A_180, %sub3A_187 : i32
    %add3A_189 = arith.addi %mul3A_186, %sub3A_188 : i32
    "tpu.region"() ({
      %run_scoped3A = tpu.sem_alloc : memref<!tpu.dma_semaphore, #tpu.memory_space<semaphore_mem>>
      %dma_start3A = arith.constant 0 : i32
      %dma_start3A_327 = tpu.memref_slice %arg4[%dma_start3A] : memref<6960xf32, #tpu.memory_space<vmem>> -> memref<320xf32, #tpu.memory_space<vmem>>
      %dma_start3A_328 = tpu.memref_slice %arg2[%add3A_189] : memref<1597696xf32, #tpu.memory_space<hbm>> -> memref<320xf32, #tpu.memory_space<hbm>>
      %dma_start3A_329 = arith.constant 0 : i32
      %dma_start3A_330 = tpu.memref_slice %arg4[%dma_start3A_329] : memref<6960xf32, #tpu.memory_space<vmem>> -> memref<320xf32, #tpu.memory_space<vmem>>
      %dma_start3A_331 = tpu.memref_slice %arg2[%add3A_189] : memref<1597696xf32, #tpu.memory_space<hbm>> -> memref<320xf32, #tpu.memory_space<hbm>>
      tpu.enqueue_dma source(%dma_start3A_331 : memref<320xf32, #tpu.memory_space<hbm>>) target(%dma_start3A_330 : memref<320xf32, #tpu.memory_space<vmem>>) target_semaphore(%run_scoped3A : memref<!tpu.dma_semaphore, #tpu.memory_space<semaphore_mem>>)
      %dma_wait3A = arith.constant 0 : i32
      %dma_wait3A_332 = tpu.memref_slice %arg4[%dma_wait3A] : memref<6960xf32, #tpu.memory_space<vmem>> -> memref<320xf32, #tpu.memory_space<vmem>>
      %dma_wait3A_333 = tpu.memref_slice %arg2[%add3A_189] : memref<1597696xf32, #tpu.memory_space<hbm>> -> memref<320xf32, #tpu.memory_space<hbm>>
      %dma_wait3A_334 = arith.constant 0 : i32
      %dma_wait3A_335 = tpu.memref_slice %arg4[%dma_wait3A_334] : memref<6960xf32, #tpu.memory_space<vmem>> -> memref<320xf32, #tpu.memory_space<vmem>>
      %dma_wait3A_336 = tpu.memref_slice %arg2[%add3A_189] : memref<1597696xf32, #tpu.memory_space<hbm>> -> memref<320xf32, #tpu.memory_space<hbm>>
      tpu.wait_dma2 semaphore(%run_scoped3A : memref<!tpu.dma_semaphore, #tpu.memory_space<semaphore_mem>>) src(%dma_wait3A_336 : memref<320xf32, #tpu.memory_space<hbm>>) dst(%dma_wait3A_335 : memref<320xf32, #tpu.memory_space<vmem>>)
      tpu.yield
    }) : () -> ()
    %eq3A_190 = arith.constant 7 : i32
    %eq3A_191 = arith.cmpi eq, %select_n3A_32, %eq3A_190 : i32
    %jit3A_192 = arith.constant 93216 : i32
    %select_n3A_193 = arith.select %eq3A_191, %jit3A_192, %add3A_180 : i32
    %add3A_194 = arith.addi %mul3A_186, %select_n3A_193 : i32
    "tpu.region"() ({
      %run_scoped3A = tpu.sem_alloc : memref<!tpu.dma_semaphore, #tpu.memory_space<semaphore_mem>>
      %dma_start3A = arith.constant 320 : i32
      %dma_start3A_327 = tpu.memref_slice %arg4[%dma_start3A] : memref<6960xf32, #tpu.memory_space<vmem>> -> memref<6640xf32, #tpu.memory_space<vmem>>
      %dma_start3A_328 = tpu.memref_slice %arg2[%add3A_194] : memref<1597696xf32, #tpu.memory_space<hbm>> -> memref<6640xf32, #tpu.memory_space<hbm>>
      %dma_start3A_329 = arith.constant 320 : i32
      %dma_start3A_330 = tpu.memref_slice %arg4[%dma_start3A_329] : memref<6960xf32, #tpu.memory_space<vmem>> -> memref<6640xf32, #tpu.memory_space<vmem>>
      %dma_start3A_331 = tpu.memref_slice %arg2[%add3A_194] : memref<1597696xf32, #tpu.memory_space<hbm>> -> memref<6640xf32, #tpu.memory_space<hbm>>
      tpu.enqueue_dma source(%dma_start3A_331 : memref<6640xf32, #tpu.memory_space<hbm>>) target(%dma_start3A_330 : memref<6640xf32, #tpu.memory_space<vmem>>) target_semaphore(%run_scoped3A : memref<!tpu.dma_semaphore, #tpu.memory_space<semaphore_mem>>)
      %dma_wait3A = arith.constant 320 : i32
      %dma_wait3A_332 = tpu.memref_slice %arg4[%dma_wait3A] : memref<6960xf32, #tpu.memory_space<vmem>> -> memref<6640xf32, #tpu.memory_space<vmem>>
      %dma_wait3A_333 = tpu.memref_slice %arg2[%add3A_194] : memref<1597696xf32, #tpu.memory_space<hbm>> -> memref<6640xf32, #tpu.memory_space<hbm>>
      %dma_wait3A_334 = arith.constant 320 : i32
      %dma_wait3A_335 = tpu.memref_slice %arg4[%dma_wait3A_334] : memref<6960xf32, #tpu.memory_space<vmem>> -> memref<6640xf32, #tpu.memory_space<vmem>>
      %dma_wait3A_336 = tpu.memref_slice %arg2[%add3A_194] : memref<1597696xf32, #tpu.memory_space<hbm>> -> memref<6640xf32, #tpu.memory_space<hbm>>
      tpu.wait_dma2 semaphore(%run_scoped3A : memref<!tpu.dma_semaphore, #tpu.memory_space<semaphore_mem>>) src(%dma_wait3A_336 : memref<6640xf32, #tpu.memory_space<hbm>>) dst(%dma_wait3A_335 : memref<6640xf32, #tpu.memory_space<vmem>>)
      tpu.yield
    }) : () -> ()
    %mul3A_195 = arith.constant 2 : i32
    %mul3A_196 = arith.muli %mul3A_195, %add3A_18 : i32
    %add3A_197 = arith.constant 1 : i32
    %add3A_198 = arith.addi %mul3A_196, %add3A_197 : i32
    %mul3A_199 = arith.constant 99856 : i32
    %mul3A_200 = arith.muli %add3A_198, %mul3A_199 : i32
    %sub3A_201 = arith.constant 320 : i32
    %sub3A_202 = arith.subi %add3A_180, %sub3A_201 : i32
    %add3A_203 = arith.addi %mul3A_200, %sub3A_202 : i32
    "tpu.region"() ({
      %run_scoped3A = tpu.sem_alloc : memref<!tpu.dma_semaphore, #tpu.memory_space<semaphore_mem>>
      %dma_start3A = arith.constant 0 : i32
      %dma_start3A_327 = tpu.memref_slice %arg5[%dma_start3A] : memref<6960xf32, #tpu.memory_space<vmem>> -> memref<320xf32, #tpu.memory_space<vmem>>
      %dma_start3A_328 = tpu.memref_slice %arg2[%add3A_203] : memref<1597696xf32, #tpu.memory_space<hbm>> -> memref<320xf32, #tpu.memory_space<hbm>>
      %dma_start3A_329 = arith.constant 0 : i32
      %dma_start3A_330 = tpu.memref_slice %arg5[%dma_start3A_329] : memref<6960xf32, #tpu.memory_space<vmem>> -> memref<320xf32, #tpu.memory_space<vmem>>
      %dma_start3A_331 = tpu.memref_slice %arg2[%add3A_203] : memref<1597696xf32, #tpu.memory_space<hbm>> -> memref<320xf32, #tpu.memory_space<hbm>>
      tpu.enqueue_dma source(%dma_start3A_331 : memref<320xf32, #tpu.memory_space<hbm>>) target(%dma_start3A_330 : memref<320xf32, #tpu.memory_space<vmem>>) target_semaphore(%run_scoped3A : memref<!tpu.dma_semaphore, #tpu.memory_space<semaphore_mem>>)
      %dma_wait3A = arith.constant 0 : i32
      %dma_wait3A_332 = tpu.memref_slice %arg5[%dma_wait3A] : memref<6960xf32, #tpu.memory_space<vmem>> -> memref<320xf32, #tpu.memory_space<vmem>>
      %dma_wait3A_333 = tpu.memref_slice %arg2[%add3A_203] : memref<1597696xf32, #tpu.memory_space<hbm>> -> memref<320xf32, #tpu.memory_space<hbm>>
      %dma_wait3A_334 = arith.constant 0 : i32
      %dma_wait3A_335 = tpu.memref_slice %arg5[%dma_wait3A_334] : memref<6960xf32, #tpu.memory_space<vmem>> -> memref<320xf32, #tpu.memory_space<vmem>>
      %dma_wait3A_336 = tpu.memref_slice %arg2[%add3A_203] : memref<1597696xf32, #tpu.memory_space<hbm>> -> memref<320xf32, #tpu.memory_space<hbm>>
      tpu.wait_dma2 semaphore(%run_scoped3A : memref<!tpu.dma_semaphore, #tpu.memory_space<semaphore_mem>>) src(%dma_wait3A_336 : memref<320xf32, #tpu.memory_space<hbm>>) dst(%dma_wait3A_335 : memref<320xf32, #tpu.memory_space<vmem>>)
      tpu.yield
    }) : () -> ()
    %eq3A_204 = arith.constant 7 : i32
    %eq3A_205 = arith.cmpi eq, %select_n3A_32, %eq3A_204 : i32
    %jit3A_206 = arith.constant 93216 : i32
    %select_n3A_207 = arith.select %eq3A_205, %jit3A_206, %add3A_180 : i32
    %add3A_208 = arith.addi %mul3A_200, %select_n3A_207 : i32
    "tpu.region"() ({
      %run_scoped3A = tpu.sem_alloc : memref<!tpu.dma_semaphore, #tpu.memory_space<semaphore_mem>>
      %dma_start3A = arith.constant 320 : i32
      %dma_start3A_327 = tpu.memref_slice %arg5[%dma_start3A] : memref<6960xf32, #tpu.memory_space<vmem>> -> memref<6640xf32, #tpu.memory_space<vmem>>
      %dma_start3A_328 = tpu.memref_slice %arg2[%add3A_208] : memref<1597696xf32, #tpu.memory_space<hbm>> -> memref<6640xf32, #tpu.memory_space<hbm>>
      %dma_start3A_329 = arith.constant 320 : i32
      %dma_start3A_330 = tpu.memref_slice %arg5[%dma_start3A_329] : memref<6960xf32, #tpu.memory_space<vmem>> -> memref<6640xf32, #tpu.memory_space<vmem>>
      %dma_start3A_331 = tpu.memref_slice %arg2[%add3A_208] : memref<1597696xf32, #tpu.memory_space<hbm>> -> memref<6640xf32, #tpu.memory_space<hbm>>
      tpu.enqueue_dma source(%dma_start3A_331 : memref<6640xf32, #tpu.memory_space<hbm>>) target(%dma_start3A_330 : memref<6640xf32, #tpu.memory_space<vmem>>) target_semaphore(%run_scoped3A : memref<!tpu.dma_semaphore, #tpu.memory_space<semaphore_mem>>)
      %dma_wait3A = arith.constant 320 : i32
      %dma_wait3A_332 = tpu.memref_slice %arg5[%dma_wait3A] : memref<6960xf32, #tpu.memory_space<vmem>> -> memref<6640xf32, #tpu.memory_space<vmem>>
      %dma_wait3A_333 = tpu.memref_slice %arg2[%add3A_208] : memref<1597696xf32, #tpu.memory_space<hbm>> -> memref<6640xf32, #tpu.memory_space<hbm>>
      %dma_wait3A_334 = arith.constant 320 : i32
      %dma_wait3A_335 = tpu.memref_slice %arg5[%dma_wait3A_334] : memref<6960xf32, #tpu.memory_space<vmem>> -> memref<6640xf32, #tpu.memory_space<vmem>>
      %dma_wait3A_336 = tpu.memref_slice %arg2[%add3A_208] : memref<1597696xf32, #tpu.memory_space<hbm>> -> memref<6640xf32, #tpu.memory_space<hbm>>
      tpu.wait_dma2 semaphore(%run_scoped3A : memref<!tpu.dma_semaphore, #tpu.memory_space<semaphore_mem>>) src(%dma_wait3A_336 : memref<6640xf32, #tpu.memory_space<hbm>>) dst(%dma_wait3A_335 : memref<6640xf32, #tpu.memory_space<vmem>>)
      tpu.yield
    }) : () -> ()
    %eq3A_209 = arith.constant 7 : i32
    %eq3A_210 = arith.cmpi eq, %select_n3A_32, %eq3A_209 : i32
    %convert_element_type3A = arith.extui %eq3A_210 : i1 to i32
    %cond3A = arith.constant 0 : i32
    %cond3A_211 = arith.cmpi ne, %convert_element_type3A, %cond3A : i32
    scf.if %cond3A_211 {
      %mul3A_327 = arith.constant 2 : i32
      %mul3A_328 = arith.muli %mul3A_327, %add3A_18 : i32
      %add3A_329 = arith.constant 0 : i32
      %add3A_330 = arith.addi %mul3A_328, %add3A_329 : i32
      %mul3A_331 = arith.constant 99856 : i32
      %mul3A_332 = arith.muli %add3A_330, %mul3A_331 : i32
      %add3A_333 = arith.constant 94800 : i32
      %add3A_334 = arith.addi %mul3A_332, %add3A_333 : i32
      "tpu.region"() ({
        %run_scoped3A = tpu.sem_alloc : memref<!tpu.dma_semaphore, #tpu.memory_space<semaphore_mem>>
        %dma_start3A = arith.constant 320 : i32
        %dma_start3A_343 = tpu.memref_slice %arg4[%dma_start3A] : memref<6960xf32, #tpu.memory_space<vmem>> -> memref<5056xf32, #tpu.memory_space<vmem>>
        %dma_start3A_344 = tpu.memref_slice %arg2[%add3A_334] : memref<1597696xf32, #tpu.memory_space<hbm>> -> memref<5056xf32, #tpu.memory_space<hbm>>
        %dma_start3A_345 = arith.constant 320 : i32
        %dma_start3A_346 = tpu.memref_slice %arg4[%dma_start3A_345] : memref<6960xf32, #tpu.memory_space<vmem>> -> memref<5056xf32, #tpu.memory_space<vmem>>
        %dma_start3A_347 = tpu.memref_slice %arg2[%add3A_334] : memref<1597696xf32, #tpu.memory_space<hbm>> -> memref<5056xf32, #tpu.memory_space<hbm>>
        tpu.enqueue_dma source(%dma_start3A_347 : memref<5056xf32, #tpu.memory_space<hbm>>) target(%dma_start3A_346 : memref<5056xf32, #tpu.memory_space<vmem>>) target_semaphore(%run_scoped3A : memref<!tpu.dma_semaphore, #tpu.memory_space<semaphore_mem>>)
        %dma_wait3A = arith.constant 320 : i32
        %dma_wait3A_348 = tpu.memref_slice %arg4[%dma_wait3A] : memref<6960xf32, #tpu.memory_space<vmem>> -> memref<5056xf32, #tpu.memory_space<vmem>>
        %dma_wait3A_349 = tpu.memref_slice %arg2[%add3A_334] : memref<1597696xf32, #tpu.memory_space<hbm>> -> memref<5056xf32, #tpu.memory_space<hbm>>
        %dma_wait3A_350 = arith.constant 320 : i32
        %dma_wait3A_351 = tpu.memref_slice %arg4[%dma_wait3A_350] : memref<6960xf32, #tpu.memory_space<vmem>> -> memref<5056xf32, #tpu.memory_space<vmem>>
        %dma_wait3A_352 = tpu.memref_slice %arg2[%add3A_334] : memref<1597696xf32, #tpu.memory_space<hbm>> -> memref<5056xf32, #tpu.memory_space<hbm>>
        tpu.wait_dma2 semaphore(%run_scoped3A : memref<!tpu.dma_semaphore, #tpu.memory_space<semaphore_mem>>) src(%dma_wait3A_352 : memref<5056xf32, #tpu.memory_space<hbm>>) dst(%dma_wait3A_351 : memref<5056xf32, #tpu.memory_space<vmem>>)
        tpu.yield
      }) : () -> ()
      "tpu.region"() ({
        %run_scoped3A = tpu.sem_alloc : memref<!tpu.dma_semaphore, #tpu.memory_space<semaphore_mem>>
        %dma_start3A = arith.constant 5376 : i32
        %dma_start3A_343 = tpu.memref_slice %arg4[%dma_start3A] : memref<6960xf32, #tpu.memory_space<vmem>> -> memref<320xf32, #tpu.memory_space<vmem>>
        %dma_start3A_344 = tpu.memref_slice %arg2[%mul3A_332] : memref<1597696xf32, #tpu.memory_space<hbm>> -> memref<320xf32, #tpu.memory_space<hbm>>
        %dma_start3A_345 = arith.constant 5376 : i32
        %dma_start3A_346 = tpu.memref_slice %arg4[%dma_start3A_345] : memref<6960xf32, #tpu.memory_space<vmem>> -> memref<320xf32, #tpu.memory_space<vmem>>
        %dma_start3A_347 = tpu.memref_slice %arg2[%mul3A_332] : memref<1597696xf32, #tpu.memory_space<hbm>> -> memref<320xf32, #tpu.memory_space<hbm>>
        tpu.enqueue_dma source(%dma_start3A_347 : memref<320xf32, #tpu.memory_space<hbm>>) target(%dma_start3A_346 : memref<320xf32, #tpu.memory_space<vmem>>) target_semaphore(%run_scoped3A : memref<!tpu.dma_semaphore, #tpu.memory_space<semaphore_mem>>)
        %dma_wait3A = arith.constant 5376 : i32
        %dma_wait3A_348 = tpu.memref_slice %arg4[%dma_wait3A] : memref<6960xf32, #tpu.memory_space<vmem>> -> memref<320xf32, #tpu.memory_space<vmem>>
        %dma_wait3A_349 = tpu.memref_slice %arg2[%mul3A_332] : memref<1597696xf32, #tpu.memory_space<hbm>> -> memref<320xf32, #tpu.memory_space<hbm>>
        %dma_wait3A_350 = arith.constant 5376 : i32
        %dma_wait3A_351 = tpu.memref_slice %arg4[%dma_wait3A_350] : memref<6960xf32, #tpu.memory_space<vmem>> -> memref<320xf32, #tpu.memory_space<vmem>>
        %dma_wait3A_352 = tpu.memref_slice %arg2[%mul3A_332] : memref<1597696xf32, #tpu.memory_space<hbm>> -> memref<320xf32, #tpu.memory_space<hbm>>
        tpu.wait_dma2 semaphore(%run_scoped3A : memref<!tpu.dma_semaphore, #tpu.memory_space<semaphore_mem>>) src(%dma_wait3A_352 : memref<320xf32, #tpu.memory_space<hbm>>) dst(%dma_wait3A_351 : memref<320xf32, #tpu.memory_space<vmem>>)
        tpu.yield
      }) : () -> ()
      %mul3A_335 = arith.constant 2 : i32
      %mul3A_336 = arith.muli %mul3A_335, %add3A_18 : i32
      %add3A_337 = arith.constant 1 : i32
      %add3A_338 = arith.addi %mul3A_336, %add3A_337 : i32
      %mul3A_339 = arith.constant 99856 : i32
      %mul3A_340 = arith.muli %add3A_338, %mul3A_339 : i32
      %add3A_341 = arith.constant 94800 : i32
      %add3A_342 = arith.addi %mul3A_340, %add3A_341 : i32
      "tpu.region"() ({
        %run_scoped3A = tpu.sem_alloc : memref<!tpu.dma_semaphore, #tpu.memory_space<semaphore_mem>>
        %dma_start3A = arith.constant 320 : i32
        %dma_start3A_343 = tpu.memref_slice %arg5[%dma_start3A] : memref<6960xf32, #tpu.memory_space<vmem>> -> memref<5056xf32, #tpu.memory_space<vmem>>
        %dma_start3A_344 = tpu.memref_slice %arg2[%add3A_342] : memref<1597696xf32, #tpu.memory_space<hbm>> -> memref<5056xf32, #tpu.memory_space<hbm>>
        %dma_start3A_345 = arith.constant 320 : i32
        %dma_start3A_346 = tpu.memref_slice %arg5[%dma_start3A_345] : memref<6960xf32, #tpu.memory_space<vmem>> -> memref<5056xf32, #tpu.memory_space<vmem>>
        %dma_start3A_347 = tpu.memref_slice %arg2[%add3A_342] : memref<1597696xf32, #tpu.memory_space<hbm>> -> memref<5056xf32, #tpu.memory_space<hbm>>
        tpu.enqueue_dma source(%dma_start3A_347 : memref<5056xf32, #tpu.memory_space<hbm>>) target(%dma_start3A_346 : memref<5056xf32, #tpu.memory_space<vmem>>) target_semaphore(%run_scoped3A : memref<!tpu.dma_semaphore, #tpu.memory_space<semaphore_mem>>)
        %dma_wait3A = arith.constant 320 : i32
        %dma_wait3A_348 = tpu.memref_slice %arg5[%dma_wait3A] : memref<6960xf32, #tpu.memory_space<vmem>> -> memref<5056xf32, #tpu.memory_space<vmem>>
        %dma_wait3A_349 = tpu.memref_slice %arg2[%add3A_342] : memref<1597696xf32, #tpu.memory_space<hbm>> -> memref<5056xf32, #tpu.memory_space<hbm>>
        %dma_wait3A_350 = arith.constant 320 : i32
        %dma_wait3A_351 = tpu.memref_slice %arg5[%dma_wait3A_350] : memref<6960xf32, #tpu.memory_space<vmem>> -> memref<5056xf32, #tpu.memory_space<vmem>>
        %dma_wait3A_352 = tpu.memref_slice %arg2[%add3A_342] : memref<1597696xf32, #tpu.memory_space<hbm>> -> memref<5056xf32, #tpu.memory_space<hbm>>
        tpu.wait_dma2 semaphore(%run_scoped3A : memref<!tpu.dma_semaphore, #tpu.memory_space<semaphore_mem>>) src(%dma_wait3A_352 : memref<5056xf32, #tpu.memory_space<hbm>>) dst(%dma_wait3A_351 : memref<5056xf32, #tpu.memory_space<vmem>>)
        tpu.yield
      }) : () -> ()
      "tpu.region"() ({
        %run_scoped3A = tpu.sem_alloc : memref<!tpu.dma_semaphore, #tpu.memory_space<semaphore_mem>>
        %dma_start3A = arith.constant 5376 : i32
        %dma_start3A_343 = tpu.memref_slice %arg5[%dma_start3A] : memref<6960xf32, #tpu.memory_space<vmem>> -> memref<320xf32, #tpu.memory_space<vmem>>
        %dma_start3A_344 = tpu.memref_slice %arg2[%mul3A_340] : memref<1597696xf32, #tpu.memory_space<hbm>> -> memref<320xf32, #tpu.memory_space<hbm>>
        %dma_start3A_345 = arith.constant 5376 : i32
        %dma_start3A_346 = tpu.memref_slice %arg5[%dma_start3A_345] : memref<6960xf32, #tpu.memory_space<vmem>> -> memref<320xf32, #tpu.memory_space<vmem>>
        %dma_start3A_347 = tpu.memref_slice %arg2[%mul3A_340] : memref<1597696xf32, #tpu.memory_space<hbm>> -> memref<320xf32, #tpu.memory_space<hbm>>
        tpu.enqueue_dma source(%dma_start3A_347 : memref<320xf32, #tpu.memory_space<hbm>>) target(%dma_start3A_346 : memref<320xf32, #tpu.memory_space<vmem>>) target_semaphore(%run_scoped3A : memref<!tpu.dma_semaphore, #tpu.memory_space<semaphore_mem>>)
        %dma_wait3A = arith.constant 5376 : i32
        %dma_wait3A_348 = tpu.memref_slice %arg5[%dma_wait3A] : memref<6960xf32, #tpu.memory_space<vmem>> -> memref<320xf32, #tpu.memory_space<vmem>>
        %dma_wait3A_349 = tpu.memref_slice %arg2[%mul3A_340] : memref<1597696xf32, #tpu.memory_space<hbm>> -> memref<320xf32, #tpu.memory_space<hbm>>
        %dma_wait3A_350 = arith.constant 5376 : i32
        %dma_wait3A_351 = tpu.memref_slice %arg5[%dma_wait3A_350] : memref<6960xf32, #tpu.memory_space<vmem>> -> memref<320xf32, #tpu.memory_space<vmem>>
        %dma_wait3A_352 = tpu.memref_slice %arg2[%mul3A_340] : memref<1597696xf32, #tpu.memory_space<hbm>> -> memref<320xf32, #tpu.memory_space<hbm>>
        tpu.wait_dma2 semaphore(%run_scoped3A : memref<!tpu.dma_semaphore, #tpu.memory_space<semaphore_mem>>) src(%dma_wait3A_352 : memref<320xf32, #tpu.memory_space<hbm>>) dst(%dma_wait3A_351 : memref<320xf32, #tpu.memory_space<vmem>>)
        tpu.yield
      }) : () -> ()
    } else {
    }
    %scan3A_212 = arith.constant 0 : i32
    %scan3A_213 = arith.constant 0 : i32
    %scan3A_214 = arith.constant 395 : i32
    %scan3A_215 = arith.addi %scan3A_213, %scan3A_214 : i32
    %scan3A_216 = arith.constant 1 : i32
    %scan3A_217 = scf.for %scan3A_327 = %scan3A_213 to %scan3A_215 step %scan3A_216 iter_args(%scan3A_328 = %scan3A_212) -> (i32)  : i32 {
      %mul3A_329 = arith.constant 16 : i32
      %mul3A_330 = arith.muli %mul3A_329, %scan3A_327 : i32
      %add3A_331 = arith.constant 320 : i32
      %add3A_332 = arith.addi %add3A_331, %mul3A_330 : i32
      %get3A = arith.index_cast %add3A_332 : i32 to index
      %get3A_333 = tpu.vector_load %arg4[%get3A] {strides = array<i32>} : memref<6960xf32, #tpu.memory_space<vmem>>, vector<16xf32>,
      %get3A_334 = arith.index_cast %add3A_332 : i32 to index
      %get3A_335 = tpu.vector_load %arg5[%get3A_334] {strides = array<i32>} : memref<6960xf32, #tpu.memory_space<vmem>>, vector<16xf32>,
      %add3A_336 = arith.constant 316 : i32
      %add3A_337 = arith.addi %add3A_332, %add3A_336 : i32
      %get3A_338 = arith.index_cast %add3A_337 : i32 to index
      %get3A_339 = tpu.vector_load %arg4[%get3A_338] {strides = array<i32>} : memref<6960xf32, #tpu.memory_space<vmem>>, vector<16xf32>,
      %mul3A_340 = arith.mulf %get3A_333, %get3A_339 : vector<16xf32>
      %add3A_341 = arith.constant 316 : i32
      %add3A_342 = arith.addi %add3A_332, %add3A_341 : i32
      %get3A_343 = arith.index_cast %add3A_342 : i32 to index
      %get3A_344 = tpu.vector_load %arg5[%get3A_343] {strides = array<i32>} : memref<6960xf32, #tpu.memory_space<vmem>>, vector<16xf32>,
      %mul3A_345 = arith.mulf %get3A_335, %get3A_344 : vector<16xf32>
      %add3A_346 = arith.addf %mul3A_340, %mul3A_345 : vector<16xf32>
      %mul3A_347 = arith.constant 16 : i32
      %mul3A_348 = arith.muli %mul3A_347, %scan3A_327 : i32
      %swap3A = arith.index_cast %mul3A_348 : i32 to index
      %swap3A_349 = tpu.vector_load %arg6[%swap3A] {strides = array<i32>} : memref<6320xf32, #tpu.memory_space<vmem>>, vector<16xf32>,
      tpu.vector_store %arg6[%swap3A], %add3A_346 {strides = array<i32>} : memref<6320xf32, #tpu.memory_space<vmem>>, vector<16xf32>,
      %sub3A_350 = arith.constant 316 : i32
      %sub3A_351 = arith.subi %add3A_332, %sub3A_350 : i32
      %get3A_352 = arith.index_cast %sub3A_351 : i32 to index
      %get3A_353 = tpu.vector_load %arg4[%get3A_352] {strides = array<i32>} : memref<6960xf32, #tpu.memory_space<vmem>>, vector<16xf32>,
      %mul3A_354 = arith.mulf %get3A_333, %get3A_353 : vector<16xf32>
      %sub3A_355 = arith.constant 316 : i32
      %sub3A_356 = arith.subi %add3A_332, %sub3A_355 : i32
      %get3A_357 = arith.index_cast %sub3A_356 : i32 to index
      %get3A_358 = tpu.vector_load %arg5[%get3A_357] {strides = array<i32>} : memref<6960xf32, #tpu.memory_space<vmem>>, vector<16xf32>,
      %mul3A_359 = arith.mulf %get3A_335, %get3A_358 : vector<16xf32>
      %add3A_360 = arith.addf %mul3A_354, %mul3A_359 : vector<16xf32>
      %mul3A_361 = arith.constant 16 : i32
      %mul3A_362 = arith.muli %mul3A_361, %scan3A_327 : i32
      %swap3A_363 = arith.index_cast %mul3A_362 : i32 to index
      %swap3A_364 = tpu.vector_load %arg7[%swap3A_363] {strides = array<i32>} : memref<6320xf32, #tpu.memory_space<vmem>>, vector<16xf32>,
      tpu.vector_store %arg7[%swap3A_363], %add3A_360 {strides = array<i32>} : memref<6320xf32, #tpu.memory_space<vmem>>, vector<16xf32>,
      %sub3A_365 = arith.constant 1 : i32
      %sub3A_366 = arith.subi %add3A_332, %sub3A_365 : i32
      %get3A_367 = arith.index_cast %sub3A_366 : i32 to index
      %get3A_368 = tpu.vector_load %arg4[%get3A_367] {strides = array<i32>} : memref<6960xf32, #tpu.memory_space<vmem>>, vector<16xf32>,
      %mul3A_369 = arith.mulf %get3A_333, %get3A_368 : vector<16xf32>
      %sub3A_370 = arith.constant 1 : i32
      %sub3A_371 = arith.subi %add3A_332, %sub3A_370 : i32
      %get3A_372 = arith.index_cast %sub3A_371 : i32 to index
      %get3A_373 = tpu.vector_load %arg5[%get3A_372] {strides = array<i32>} : memref<6960xf32, #tpu.memory_space<vmem>>, vector<16xf32>,
      %mul3A_374 = arith.mulf %get3A_335, %get3A_373 : vector<16xf32>
      %add3A_375 = arith.addf %mul3A_369, %mul3A_374 : vector<16xf32>
      %mul3A_376 = arith.constant 16 : i32
      %mul3A_377 = arith.muli %mul3A_376, %scan3A_327 : i32
      %swap3A_378 = arith.index_cast %mul3A_377 : i32 to index
      %swap3A_379 = tpu.vector_load %arg8[%swap3A_378] {strides = array<i32>} : memref<6320xf32, #tpu.memory_space<vmem>>, vector<16xf32>,
      tpu.vector_store %arg8[%swap3A_378], %add3A_375 {strides = array<i32>} : memref<6320xf32, #tpu.memory_space<vmem>>, vector<16xf32>,
      %add3A_380 = arith.constant 1 : i32
      %add3A_381 = arith.addi %add3A_332, %add3A_380 : i32
      %get3A_382 = arith.index_cast %add3A_381 : i32 to index
      %get3A_383 = tpu.vector_load %arg4[%get3A_382] {strides = array<i32>} : memref<6960xf32, #tpu.memory_space<vmem>>, vector<16xf32>,
      %mul3A_384 = arith.mulf %get3A_333, %get3A_383 : vector<16xf32>
      %add3A_385 = arith.constant 1 : i32
      %add3A_386 = arith.addi %add3A_332, %add3A_385 : i32
      %get3A_387 = arith.index_cast %add3A_386 : i32 to index
      %get3A_388 = tpu.vector_load %arg5[%get3A_387] {strides = array<i32>} : memref<6960xf32, #tpu.memory_space<vmem>>, vector<16xf32>,
      %mul3A_389 = arith.mulf %get3A_335, %get3A_388 : vector<16xf32>
      %add3A_390 = arith.addf %mul3A_384, %mul3A_389 : vector<16xf32>
      %mul3A_391 = arith.constant 16 : i32
      %mul3A_392 = arith.muli %mul3A_391, %scan3A_327 : i32
      %swap3A_393 = arith.index_cast %mul3A_392 : i32 to index
      %swap3A_394 = tpu.vector_load %arg9[%swap3A_393] {strides = array<i32>} : memref<6320xf32, #tpu.memory_space<vmem>>, vector<16xf32>,
      tpu.vector_store %arg9[%swap3A_393], %add3A_390 {strides = array<i32>} : memref<6320xf32, #tpu.memory_space<vmem>>, vector<16xf32>,
      %scan3A_395 = arith.constant 0 : i32
      scf.yield %scan3A_395 : i32
    }
    %scan3A_218 = arith.constant 395 : i32
    %add3A_219 = arith.constant 0 : i32
    %add3A_220 = vector.broadcast %add3A_219 : i32 to vector<16xi32>
    %add3A_221 = arith.addi %add3A_220, %iota3A : vector<16xi32>
    %lt3A_222 = arith.constant 20 : i32
    %lt3A_223 = vector.broadcast %lt3A_222 : i32 to vector<16xi32>
    %lt3A_224 = arith.cmpi slt, %add3A_221, %lt3A_223 : vector<16xi32>
    %min3A_225 = arith.constant 19 : i32
    %min3A_226 = vector.broadcast %min3A_225 : i32 to vector<16xi32>
    %min3A_227 = arith.minsi %add3A_221, %min3A_226 : vector<16xi32>
    %mul3A_228 = arith.constant 316 : i32
    %mul3A_229 = vector.broadcast %mul3A_228 : i32 to vector<16xi32>
    %mul3A_230 = arith.muli %min3A_227, %mul3A_229 : vector<16xi32>
    %add3A_231 = arith.constant 320 : i32
    %add3A_232 = vector.broadcast %add3A_231 : i32 to vector<16xi32>
    %add3A_233 = arith.addi %add3A_232, %mul3A_230 : vector<16xi32>
    %gather3A_234 = tpu.vector_load_idx %arg4[%add3A_233] masked %lt3A_224 : memref<6960xf32, #tpu.memory_space<vmem>>[vector<16xi32>], vector<16xf32>, vector<16xi1>
    %gather3A_235 = tpu.vector_load_idx %arg5[%add3A_233] masked %lt3A_224 : memref<6960xf32, #tpu.memory_space<vmem>>[vector<16xi32>], vector<16xf32>, vector<16xi1>
    %add3A_236 = arith.constant 315 : i32
    %add3A_237 = vector.broadcast %add3A_236 : i32 to vector<16xi32>
    %add3A_238 = arith.addi %add3A_233, %add3A_237 : vector<16xi32>
    %gather3A_239 = tpu.vector_load_idx %arg4[%add3A_238] masked %lt3A_224 : memref<6960xf32, #tpu.memory_space<vmem>>[vector<16xi32>], vector<16xf32>, vector<16xi1>
    %add3A_240 = arith.constant 315 : i32
    %add3A_241 = vector.broadcast %add3A_240 : i32 to vector<16xi32>
    %add3A_242 = arith.addi %add3A_233, %add3A_241 : vector<16xi32>
    %gather3A_243 = tpu.vector_load_idx %arg5[%add3A_242] masked %lt3A_224 : memref<6960xf32, #tpu.memory_space<vmem>>[vector<16xi32>], vector<16xf32>, vector<16xi1>
    %mul3A_244 = arith.constant 316 : i32
    %mul3A_245 = vector.broadcast %mul3A_244 : i32 to vector<16xi32>
    %mul3A_246 = arith.muli %min3A_227, %mul3A_245 : vector<16xi32>
    %mul3A_247 = arith.mulf %gather3A_234, %gather3A_239 : vector<16xf32>
    %mul3A_248 = arith.mulf %gather3A_235, %gather3A_243 : vector<16xf32>
    %add3A_249 = arith.addf %mul3A_247, %mul3A_248 : vector<16xf32>
    tpu.vector_store_idx %arg8[%mul3A_246], %add3A_249 masked %lt3A_224 : memref<6320xf32, #tpu.memory_space<vmem>>[vector<16xi32>], vector<16xf32>, vector<16xi1>
    %mul3A_250 = arith.constant 316 : i32
    %mul3A_251 = vector.broadcast %mul3A_250 : i32 to vector<16xi32>
    %mul3A_252 = arith.muli %min3A_227, %mul3A_251 : vector<16xi32>
    %add3A_253 = arith.constant 315 : i32
    %add3A_254 = vector.broadcast %add3A_253 : i32 to vector<16xi32>
    %add3A_255 = arith.addi %mul3A_252, %add3A_254 : vector<16xi32>
    %mul3A_256 = arith.mulf %gather3A_239, %gather3A_234 : vector<16xf32>
    %mul3A_257 = arith.mulf %gather3A_243, %gather3A_235 : vector<16xf32>
    %add3A_258 = arith.addf %mul3A_256, %mul3A_257 : vector<16xf32>
    tpu.vector_store_idx %arg9[%add3A_255], %add3A_258 masked %lt3A_224 : memref<6320xf32, #tpu.memory_space<vmem>>[vector<16xi32>], vector<16xf32>, vector<16xi1>
    %add3A_259 = arith.constant 16 : i32
    %add3A_260 = vector.broadcast %add3A_259 : i32 to vector<16xi32>
    %add3A_261 = arith.addi %add3A_260, %iota3A : vector<16xi32>
    %lt3A_262 = arith.constant 20 : i32
    %lt3A_263 = vector.broadcast %lt3A_262 : i32 to vector<16xi32>
    %lt3A_264 = arith.cmpi slt, %add3A_261, %lt3A_263 : vector<16xi32>
    %min3A_265 = arith.constant 19 : i32
    %min3A_266 = vector.broadcast %min3A_265 : i32 to vector<16xi32>
    %min3A_267 = arith.minsi %add3A_261, %min3A_266 : vector<16xi32>
    %mul3A_268 = arith.constant 316 : i32
    %mul3A_269 = vector.broadcast %mul3A_268 : i32 to vector<16xi32>
    %mul3A_270 = arith.muli %min3A_267, %mul3A_269 : vector<16xi32>
    %add3A_271 = arith.constant 320 : i32
    %add3A_272 = vector.broadcast %add3A_271 : i32 to vector<16xi32>
    %add3A_273 = arith.addi %add3A_272, %mul3A_270 : vector<16xi32>
    %gather3A_274 = tpu.vector_load_idx %arg4[%add3A_273] masked %lt3A_264 : memref<6960xf32, #tpu.memory_space<vmem>>[vector<16xi32>], vector<16xf32>, vector<16xi1>
    %gather3A_275 = tpu.vector_load_idx %arg5[%add3A_273] masked %lt3A_264 : memref<6960xf32, #tpu.memory_space<vmem>>[vector<16xi32>], vector<16xf32>, vector<16xi1>
    %add3A_276 = arith.constant 315 : i32
    %add3A_277 = vector.broadcast %add3A_276 : i32 to vector<16xi32>
    %add3A_278 = arith.addi %add3A_273, %add3A_277 : vector<16xi32>
    %gather3A_279 = tpu.vector_load_idx %arg4[%add3A_278] masked %lt3A_264 : memref<6960xf32, #tpu.memory_space<vmem>>[vector<16xi32>], vector<16xf32>, vector<16xi1>
    %add3A_280 = arith.constant 315 : i32
    %add3A_281 = vector.broadcast %add3A_280 : i32 to vector<16xi32>
    %add3A_282 = arith.addi %add3A_273, %add3A_281 : vector<16xi32>
    %gather3A_283 = tpu.vector_load_idx %arg5[%add3A_282] masked %lt3A_264 : memref<6960xf32, #tpu.memory_space<vmem>>[vector<16xi32>], vector<16xf32>, vector<16xi1>
    %mul3A_284 = arith.constant 316 : i32
    %mul3A_285 = vector.broadcast %mul3A_284 : i32 to vector<16xi32>
    %mul3A_286 = arith.muli %min3A_267, %mul3A_285 : vector<16xi32>
    %mul3A_287 = arith.mulf %gather3A_274, %gather3A_279 : vector<16xf32>
    %mul3A_288 = arith.mulf %gather3A_275, %gather3A_283 : vector<16xf32>
    %add3A_289 = arith.addf %mul3A_287, %mul3A_288 : vector<16xf32>
    tpu.vector_store_idx %arg8[%mul3A_286], %add3A_289 masked %lt3A_264 : memref<6320xf32, #tpu.memory_space<vmem>>[vector<16xi32>], vector<16xf32>, vector<16xi1>
    %mul3A_290 = arith.constant 316 : i32
    %mul3A_291 = vector.broadcast %mul3A_290 : i32 to vector<16xi32>
    %mul3A_292 = arith.muli %min3A_267, %mul3A_291 : vector<16xi32>
    %add3A_293 = arith.constant 315 : i32
    %add3A_294 = vector.broadcast %add3A_293 : i32 to vector<16xi32>
    %add3A_295 = arith.addi %mul3A_292, %add3A_294 : vector<16xi32>
    %mul3A_296 = arith.mulf %gather3A_279, %gather3A_274 : vector<16xf32>
    %mul3A_297 = arith.mulf %gather3A_283, %gather3A_275 : vector<16xf32>
    %add3A_298 = arith.addf %mul3A_296, %mul3A_297 : vector<16xf32>
    tpu.vector_store_idx %arg9[%add3A_295], %add3A_298 masked %lt3A_264 : memref<6320xf32, #tpu.memory_space<vmem>>[vector<16xi32>], vector<16xf32>, vector<16xi1>
    %mul3A_299 = arith.constant 4 : i32
    %mul3A_300 = arith.muli %select_n3A, %mul3A_299 : i32
    %add3A_301 = arith.constant 0 : i32
    %add3A_302 = arith.addi %mul3A_300, %add3A_301 : i32
    %mul3A_303 = arith.constant 114688 : i32
    %mul3A_304 = arith.muli %add3A_302, %mul3A_303 : i32
    %add3A_305 = arith.addi %mul3A_304, %add3A_180 : i32
    "tpu.region"() ({
      %run_scoped3A = tpu.sem_alloc : memref<!tpu.dma_semaphore, #tpu.memory_space<semaphore_mem>>
      %dma_start3A = tpu.memref_slice %arg3[%add3A_305] : memref<1835008xf32, #tpu.memory_space<hbm>> -> memref<6320xf32, #tpu.memory_space<hbm>>
      %dma_start3A_327 = tpu.memref_slice %arg3[%add3A_305] : memref<1835008xf32, #tpu.memory_space<hbm>> -> memref<6320xf32, #tpu.memory_space<hbm>>
      tpu.enqueue_dma source(%arg6 : memref<6320xf32, #tpu.memory_space<vmem>>) target(%dma_start3A_327 : memref<6320xf32, #tpu.memory_space<hbm>>) target_semaphore(%run_scoped3A : memref<!tpu.dma_semaphore, #tpu.memory_space<semaphore_mem>>)
      %dma_wait3A = tpu.memref_slice %arg3[%add3A_305] : memref<1835008xf32, #tpu.memory_space<hbm>> -> memref<6320xf32, #tpu.memory_space<hbm>>
      %dma_wait3A_328 = tpu.memref_slice %arg3[%add3A_305] : memref<1835008xf32, #tpu.memory_space<hbm>> -> memref<6320xf32, #tpu.memory_space<hbm>>
      tpu.wait_dma2 semaphore(%run_scoped3A : memref<!tpu.dma_semaphore, #tpu.memory_space<semaphore_mem>>) src(%arg6 : memref<6320xf32, #tpu.memory_space<vmem>>) dst(%dma_wait3A_328 : memref<6320xf32, #tpu.memory_space<hbm>>)
      tpu.yield
    }) : () -> ()
    %mul3A_306 = arith.constant 4 : i32
    %mul3A_307 = arith.muli %select_n3A, %mul3A_306 : i32
    %add3A_308 = arith.constant 1 : i32
    %add3A_309 = arith.addi %mul3A_307, %add3A_308 : i32
    %mul3A_310 = arith.constant 114688 : i32
    %mul3A_311 = arith.muli %add3A_309, %mul3A_310 : i32
    %add3A_312 = arith.addi %mul3A_311, %add3A_180 : i32
    "tpu.region"() ({
      %run_scoped3A = tpu.sem_alloc : memref<!tpu.dma_semaphore, #tpu.memory_space<semaphore_mem>>
      %dma_start3A = tpu.memref_slice %arg3[%add3A_312] : memref<1835008xf32, #tpu.memory_space<hbm>> -> memref<6320xf32, #tpu.memory_space<hbm>>
      %dma_start3A_327 = tpu.memref_slice %arg3[%add3A_312] : memref<1835008xf32, #tpu.memory_space<hbm>> -> memref<6320xf32, #tpu.memory_space<hbm>>
      tpu.enqueue_dma source(%arg7 : memref<6320xf32, #tpu.memory_space<vmem>>) target(%dma_start3A_327 : memref<6320xf32, #tpu.memory_space<hbm>>) target_semaphore(%run_scoped3A : memref<!tpu.dma_semaphore, #tpu.memory_space<semaphore_mem>>)
      %dma_wait3A = tpu.memref_slice %arg3[%add3A_312] : memref<1835008xf32, #tpu.memory_space<hbm>> -> memref<6320xf32, #tpu.memory_space<hbm>>
      %dma_wait3A_328 = tpu.memref_slice %arg3[%add3A_312] : memref<1835008xf32, #tpu.memory_space<hbm>> -> memref<6320xf32, #tpu.memory_space<hbm>>
      tpu.wait_dma2 semaphore(%run_scoped3A : memref<!tpu.dma_semaphore, #tpu.memory_space<semaphore_mem>>) src(%arg7 : memref<6320xf32, #tpu.memory_space<vmem>>) dst(%dma_wait3A_328 : memref<6320xf32, #tpu.memory_space<hbm>>)
      tpu.yield
    }) : () -> ()
    %mul3A_313 = arith.constant 4 : i32
    %mul3A_314 = arith.muli %select_n3A, %mul3A_313 : i32
    %add3A_315 = arith.constant 2 : i32
    %add3A_316 = arith.addi %mul3A_314, %add3A_315 : i32
    %mul3A_317 = arith.constant 114688 : i32
    %mul3A_318 = arith.muli %add3A_316, %mul3A_317 : i32
    %add3A_319 = arith.addi %mul3A_318, %add3A_180 : i32
    "tpu.region"() ({
      %run_scoped3A = tpu.sem_alloc : memref<!tpu.dma_semaphore, #tpu.memory_space<semaphore_mem>>
      %dma_start3A = tpu.memref_slice %arg3[%add3A_319] : memref<1835008xf32, #tpu.memory_space<hbm>> -> memref<6320xf32, #tpu.memory_space<hbm>>
      %dma_start3A_327 = tpu.memref_slice %arg3[%add3A_319] : memref<1835008xf32, #tpu.memory_space<hbm>> -> memref<6320xf32, #tpu.memory_space<hbm>>
      tpu.enqueue_dma source(%arg8 : memref<6320xf32, #tpu.memory_space<vmem>>) target(%dma_start3A_327 : memref<6320xf32, #tpu.memory_space<hbm>>) target_semaphore(%run_scoped3A : memref<!tpu.dma_semaphore, #tpu.memory_space<semaphore_mem>>)
      %dma_wait3A = tpu.memref_slice %arg3[%add3A_319] : memref<1835008xf32, #tpu.memory_space<hbm>> -> memref<6320xf32, #tpu.memory_space<hbm>>
      %dma_wait3A_328 = tpu.memref_slice %arg3[%add3A_319] : memref<1835008xf32, #tpu.memory_space<hbm>> -> memref<6320xf32, #tpu.memory_space<hbm>>
      tpu.wait_dma2 semaphore(%run_scoped3A : memref<!tpu.dma_semaphore, #tpu.memory_space<semaphore_mem>>) src(%arg8 : memref<6320xf32, #tpu.memory_space<vmem>>) dst(%dma_wait3A_328 : memref<6320xf32, #tpu.memory_space<hbm>>)
      tpu.yield
    }) : () -> ()
    %mul3A_320 = arith.constant 4 : i32
    %mul3A_321 = arith.muli %select_n3A, %mul3A_320 : i32
    %add3A_322 = arith.constant 3 : i32
    %add3A_323 = arith.addi %mul3A_321, %add3A_322 : i32
    %mul3A_324 = arith.constant 114688 : i32
    %mul3A_325 = arith.muli %add3A_323, %mul3A_324 : i32
    %add3A_326 = arith.addi %mul3A_325, %add3A_180 : i32
    "tpu.region"() ({
      %run_scoped3A = tpu.sem_alloc : memref<!tpu.dma_semaphore, #tpu.memory_space<semaphore_mem>>
      %dma_start3A = tpu.memref_slice %arg3[%add3A_326] : memref<1835008xf32, #tpu.memory_space<hbm>> -> memref<6320xf32, #tpu.memory_space<hbm>>
      %dma_start3A_327 = tpu.memref_slice %arg3[%add3A_326] : memref<1835008xf32, #tpu.memory_space<hbm>> -> memref<6320xf32, #tpu.memory_space<hbm>>
      tpu.enqueue_dma source(%arg9 : memref<6320xf32, #tpu.memory_space<vmem>>) target(%dma_start3A_327 : memref<6320xf32, #tpu.memory_space<hbm>>) target_semaphore(%run_scoped3A : memref<!tpu.dma_semaphore, #tpu.memory_space<semaphore_mem>>)
      %dma_wait3A = tpu.memref_slice %arg3[%add3A_326] : memref<1835008xf32, #tpu.memory_space<hbm>> -> memref<6320xf32, #tpu.memory_space<hbm>>
      %dma_wait3A_328 = tpu.memref_slice %arg3[%add3A_326] : memref<1835008xf32, #tpu.memory_space<hbm>> -> memref<6320xf32, #tpu.memory_space<hbm>>
      tpu.wait_dma2 semaphore(%run_scoped3A : memref<!tpu.dma_semaphore, #tpu.memory_space<semaphore_mem>>) src(%arg9 : memref<6320xf32, #tpu.memory_space<vmem>>) dst(%dma_wait3A_328 : memref<6320xf32, #tpu.memory_space<hbm>>)
      tpu.yield
    }) : () -> ()
    return
  }
}

module attributes {stable_mosaic.version = 14 : i64} {
  func.func @_mlp_kernel(%arg0: i32, %arg1: i32, %arg2: memref<16384xf32, #tpu.memory_space<vmem>>, %arg3: memref<16384xf32, #tpu.memory_space<vmem>>, %arg4: memref<16384xf32, #tpu.memory_space<vmem>>, %arg5: memref<16384xf32, #tpu.memory_space<vmem>>, %arg6: memref<64x4xf32, #tpu.memory_space<vmem>>, %arg7: memref<64x1xf32, #tpu.memory_space<vmem>>, %arg8: memref<64x64xf32, #tpu.memory_space<vmem>>, %arg9: memref<64x1xf32, #tpu.memory_space<vmem>>, %arg10: memref<64x1xf32, #tpu.memory_space<vmem>>, %arg11: memref<1x1xf32, #tpu.memory_space<vmem>>, %arg12: memref<1x8x128xf32, #tpu.memory_space<vmem>>, %arg13: memref<64x128xf32, #tpu.memory_space<vmem>>) attributes {dimension_semantics = [#tpu.dimension_semantics<arbitrary>, #tpu.dimension_semantics<arbitrary>], iteration_bounds = array<i64: 4, 7>, scalar_prefetch = 0 : i64, scratch_operands = 1 : i64, tpu.core_type = #tpu.core_type<tc>, window_params = [{transform_indices = @transform_0, window_bounds = array<i64: 16384>}, {transform_indices = @transform_1, window_bounds = array<i64: 16384>}, {transform_indices = @transform_2, window_bounds = array<i64: 16384>}, {transform_indices = @transform_3, window_bounds = array<i64: 16384>}, {pipeline_mode = #tpu.pipeline_mode<synchronous>, transform_indices = @transform_4, window_bounds = array<i64: 64, 4>}, {pipeline_mode = #tpu.pipeline_mode<synchronous>, transform_indices = @transform_5, window_bounds = array<i64: 64, 1>}, {pipeline_mode = #tpu.pipeline_mode<synchronous>, transform_indices = @transform_6, window_bounds = array<i64: 64, 64>}, {pipeline_mode = #tpu.pipeline_mode<synchronous>, transform_indices = @transform_7, window_bounds = array<i64: 64, 1>}, {pipeline_mode = #tpu.pipeline_mode<synchronous>, transform_indices = @transform_8, window_bounds = array<i64: 64, 1>}, {pipeline_mode = #tpu.pipeline_mode<synchronous>, transform_indices = @transform_9, window_bounds = array<i64: 1, 1>}, {transform_indices = @transform_10, window_bounds = array<i64: 1, 8, 128>}]} {
    %eq3A = arith.constant 0 : i32
    %eq3A_0 = arith.cmpi eq, %arg1, %eq3A : i32
    %convert_element_type3A = arith.extui %eq3A_0 : i1 to i32
    %cond3A = arith.constant 0 : i32
    %cond3A_1 = arith.cmpi ne, %convert_element_type3A, %cond3A : i32
    scf.if %cond3A_1 {
      %broadcast_in_dim3A = arith.constant 0.000000e+00 : f32
      %broadcast_in_dim3A_44 = vector.broadcast %broadcast_in_dim3A : f32 to vector<64x128xf32>
      %swap3A = arith.constant 0 : index
      %swap3A_45 = arith.constant 0 : index
      %swap3A_46 = vector.load %arg13[%swap3A, %swap3A_45] : memref<64x128xf32, #tpu.memory_space<vmem>>, vector<64x128xf32>
      tpu.vector_store %arg13[%swap3A, %swap3A_45], %broadcast_in_dim3A_44 {strides = array<i32>} : memref<64x128xf32, #tpu.memory_space<vmem>>, vector<64x128xf32>,
    } else {
    }
    %get3A = arith.constant 0 : index
    %get3A_2 = vector.load %arg2[%get3A] : memref<16384xf32, #tpu.memory_space<vmem>>, vector<16384xf32>
    %reshape3A = vector.shape_cast %get3A_2 : vector<16384xf32> to vector<1x16384xf32>
    %get3A_3 = arith.constant 0 : index
    %get3A_4 = vector.load %arg3[%get3A_3] : memref<16384xf32, #tpu.memory_space<vmem>>, vector<16384xf32>
    %reshape3A_5 = vector.shape_cast %get3A_4 : vector<16384xf32> to vector<1x16384xf32>
    %get3A_6 = arith.constant 0 : index
    %get3A_7 = vector.load %arg4[%get3A_6] : memref<16384xf32, #tpu.memory_space<vmem>>, vector<16384xf32>
    %reshape3A_8 = vector.shape_cast %get3A_7 : vector<16384xf32> to vector<1x16384xf32>
    %get3A_9 = arith.constant 0 : index
    %get3A_10 = vector.load %arg5[%get3A_9] : memref<16384xf32, #tpu.memory_space<vmem>>, vector<16384xf32>
    %reshape3A_11 = vector.shape_cast %get3A_10 : vector<16384xf32> to vector<1x16384xf32>
    %concatenate3A = tpu.concatenate %reshape3A, %reshape3A_5, %reshape3A_8, %reshape3A_11 in 0 : vector<1x16384xf32>, vector<1x16384xf32>, vector<1x16384xf32>, vector<1x16384xf32> -> vector<4x16384xf32>
    %get3A_12 = arith.constant 0 : index
    %get3A_13 = arith.constant 0 : index
    %get3A_14 = vector.load %arg6[%get3A_12, %get3A_13] : memref<64x4xf32, #tpu.memory_space<vmem>>, vector<64x4xf32>
    %dot_general3A = arith.constant dense<0.000000e+00> : vector<64x16384xf32>
    %dot_general3A_15 = tpu.matmul %get3A_14, %concatenate3A, %dot_general3A {dimension_numbers = #tpu.dot_dimension_numbers<[1], [0], [0], [1], [0, 0, 1, 1], [], []>, precision = #tpu.contract_precision<fp32>, transpose_lhs_hint = false} : vector<64x4xf32>, vector<4x16384xf32>, vector<64x16384xf32> -> vector<64x16384xf32>
    %get3A_16 = arith.constant 0 : index
    %get3A_17 = arith.constant 0 : index
    %get3A_18 = vector.load %arg7[%get3A_16, %get3A_17] : memref<64x1xf32, #tpu.memory_space<vmem>>, vector<64x1xf32>
    %add3A = vector.broadcast %get3A_18 : vector<64x1xf32> to vector<64x16384xf32>
    %add3A_19 = arith.addf %dot_general3A_15, %add3A : vector<64x16384xf32>
    %max3A = arith.constant 0.000000e+00 : f32
    %max3A_20 = vector.broadcast %max3A : f32 to vector<64x16384xf32>
    %max3A_21 = arith.maximumf %add3A_19, %max3A_20 : vector<64x16384xf32>
    %get3A_22 = arith.constant 0 : index
    %get3A_23 = arith.constant 0 : index
    %get3A_24 = vector.load %arg8[%get3A_22, %get3A_23] : memref<64x64xf32, #tpu.memory_space<vmem>>, vector<64x64xf32>
    %dot_general3A_25 = arith.constant dense<0.000000e+00> : vector<64x16384xf32>
    %dot_general3A_26 = tpu.matmul %get3A_24, %max3A_21, %dot_general3A_25 {dimension_numbers = #tpu.dot_dimension_numbers<[1], [0], [0], [1], [0, 0, 1, 1], [], []>, precision = #tpu.contract_precision<fp32>, transpose_lhs_hint = false} : vector<64x64xf32>, vector<64x16384xf32>, vector<64x16384xf32> -> vector<64x16384xf32>
    %get3A_27 = arith.constant 0 : index
    %get3A_28 = arith.constant 0 : index
    %get3A_29 = vector.load %arg9[%get3A_27, %get3A_28] : memref<64x1xf32, #tpu.memory_space<vmem>>, vector<64x1xf32>
    %add3A_30 = vector.broadcast %get3A_29 : vector<64x1xf32> to vector<64x16384xf32>
    %add3A_31 = arith.addf %dot_general3A_26, %add3A_30 : vector<64x16384xf32>
    %max3A_32 = arith.constant 0.000000e+00 : f32
    %max3A_33 = vector.broadcast %max3A_32 : f32 to vector<64x16384xf32>
    %max3A_34 = arith.maximumf %add3A_31, %max3A_33 : vector<64x16384xf32>
    %lt3A = arith.constant 6 : i32
    %lt3A_35 = arith.cmpi slt, %arg1, %lt3A : i32
    %convert_element_type3A_36 = arith.extui %lt3A_35 : i1 to i32
    %cond3A_37 = arith.constant 0 : i32
    %cond3A_38 = arith.cmpi ne, %convert_element_type3A_36, %cond3A_37 : i32
    scf.if %cond3A_38 {
      %get3A_44 = arith.constant 0 : index
      %get3A_45 = arith.constant 0 : index
      %get3A_46 = vector.load %arg13[%get3A_44, %get3A_45] : memref<64x128xf32, #tpu.memory_space<vmem>>, vector<64x1xf32>
      %reduce_sum3A = arith.constant dense<0.000000e+00> : vector<64xf32>
      %reduce_sum3A_47 = vector.multi_reduction <add>, %max3A_34, %reduce_sum3A [1] : vector<64x16384xf32> to vector<64xf32>
      %broadcast_in_dim3A = vector.shape_cast %reduce_sum3A_47 : vector<64xf32> to vector<64x1xf32>
      %add3A_48 = arith.addf %get3A_46, %broadcast_in_dim3A : vector<64x1xf32>
      %swap3A = arith.constant 0 : index
      %swap3A_49 = arith.constant 0 : index
      %swap3A_50 = vector.load %arg13[%swap3A, %swap3A_49] : memref<64x128xf32, #tpu.memory_space<vmem>>, vector<64x1xf32>
      tpu.vector_store %arg13[%swap3A, %swap3A_49], %add3A_48 {strides = array<i32>} : memref<64x128xf32, #tpu.memory_space<vmem>>, vector<64x1xf32>,
    } else {
    }
    %eq3A_39 = arith.constant 6 : i32
    %eq3A_40 = arith.cmpi eq, %arg1, %eq3A_39 : i32
    %convert_element_type3A_41 = arith.extui %eq3A_40 : i1 to i32
    %cond3A_42 = arith.constant 0 : i32
    %cond3A_43 = arith.cmpi ne, %convert_element_type3A_41, %cond3A_42 : i32
    scf.if %cond3A_43 {
      %mul3A = arith.constant 16384 : i32
      %mul3A_44 = arith.muli %arg1, %mul3A : i32
      %iota3A = tpu.iota {dimensions = array<i32: 1>} : vector<1x16384xi32>
      %add3A_45 = vector.broadcast %mul3A_44 : i32 to vector<1x16384xi32>
      %add3A_46 = arith.addi %add3A_45, %iota3A : vector<1x16384xi32>
      %lt3A_47 = arith.constant 99856 : i32
      %lt3A_48 = vector.broadcast %lt3A_47 : i32 to vector<1x16384xi32>
      %lt3A_49 = arith.cmpi slt, %add3A_46, %lt3A_48 : vector<1x16384xi32>
      %jit3A = arith.constant 0.000000e+00 : f32
      %broadcast_in_dim3A = vector.shape_cast %lt3A_49 : vector<1x16384xi1> to vector<1x16384xi1>
      %broadcast_in_dim3A_50 = vector.broadcast %broadcast_in_dim3A : vector<1x16384xi1> to vector<64x16384xi1>
      %broadcast_in_dim3A_51 = vector.broadcast %jit3A : f32 to vector<64x16384xf32>
      %select_n3A = arith.select %broadcast_in_dim3A_50, %max3A_34, %broadcast_in_dim3A_51 : vector<64x16384xi1>, vector<64x16384xf32>
      %get3A_52 = arith.constant 0 : index
      %get3A_53 = arith.constant 0 : index
      %get3A_54 = vector.load %arg13[%get3A_52, %get3A_53] : memref<64x128xf32, #tpu.memory_space<vmem>>, vector<64x1xf32>
      %reduce_sum3A = arith.constant dense<0.000000e+00> : vector<64xf32>
      %reduce_sum3A_55 = vector.multi_reduction <add>, %select_n3A, %reduce_sum3A [1] : vector<64x16384xf32> to vector<64xf32>
      %broadcast_in_dim3A_56 = vector.shape_cast %reduce_sum3A_55 : vector<64xf32> to vector<64x1xf32>
      %add3A_57 = arith.addf %get3A_54, %broadcast_in_dim3A_56 : vector<64x1xf32>
      %get3A_58 = arith.constant 0 : index
      %get3A_59 = arith.constant 0 : index
      %get3A_60 = vector.load %arg10[%get3A_58, %get3A_59] : memref<64x1xf32, #tpu.memory_space<vmem>>, vector<64x1xf32>
      %mul3A_61 = arith.mulf %add3A_57, %get3A_60 : vector<64x1xf32>
      %reduce_sum3A_62 = vector.shape_cast %mul3A_61 : vector<64x1xf32> to vector<1x64x1xf32>
      %reduce_sum3A_63 = arith.constant dense<0.000000e+00> : vector<1xf32>
      %reduce_sum3A_64 = vector.multi_reduction <add>, %reduce_sum3A_62, %reduce_sum3A_63 [1, 2] : vector<1x64x1xf32> to vector<1xf32>
      %reduce_sum3A_65 = vector.shape_cast %reduce_sum3A_64 : vector<1xf32> to vector<1x1x1xf32>
      %reduce_sum3A_66 = vector.extract %reduce_sum3A_65[0, 0, 0] : f32 from vector<1x1x1xf32>
      %get3A_67 = arith.constant 0 : index
      %get3A_68 = arith.constant 0 : index
      %get3A_69 = vector.load %arg11[%get3A_67, %get3A_68] : memref<1x1xf32, #tpu.memory_space<vmem>>, vector<1x1xf32>
      %get3A_70 = vector.extract %get3A_69[0, 0] : f32 from vector<1x1xf32>
      %mul3A_71 = arith.constant 9.985600e+04 : f32
      %mul3A_72 = arith.mulf %mul3A_71, %get3A_70 : f32
      %add3A_73 = arith.addf %reduce_sum3A_66, %mul3A_72 : f32
      %broadcast_in_dim3A_74 = vector.broadcast %add3A_73 : f32 to vector<1x8x128xf32>
      %swap3A = arith.constant 0 : index
      %swap3A_75 = arith.constant 0 : index
      %swap3A_76 = arith.constant 0 : index
      %swap3A_77 = vector.load %arg12[%swap3A, %swap3A_75, %swap3A_76] : memref<1x8x128xf32, #tpu.memory_space<vmem>>, vector<1x8x128xf32>
      tpu.vector_store %arg12[%swap3A, %swap3A_75, %swap3A_76], %broadcast_in_dim3A_74 {strides = array<i32>} : memref<1x8x128xf32, #tpu.memory_space<vmem>>, vector<1x8x128xf32>,
    } else {
    }
    return
  }
  func.func @transform_0(%arg0: i32, %arg1: i32) -> i32 {
    %mul3A = arith.constant 4 : i32
    %mul3A_0 = arith.muli %mul3A, %arg0 : i32
    %add3A = arith.constant 0 : i32
    %add3A_1 = arith.addi %mul3A_0, %add3A : i32
    %mul3A_2 = arith.constant 7 : i32
    %mul3A_3 = arith.muli %add3A_1, %mul3A_2 : i32
    %add3A_4 = arith.addi %mul3A_3, %arg1 : i32
    %c0_i32 = arith.constant 0 : i32
    return %add3A_4 : i32
  }
  func.func @transform_1(%arg0: i32, %arg1: i32) -> i32 {
    %mul3A = arith.constant 4 : i32
    %mul3A_0 = arith.muli %mul3A, %arg0 : i32
    %add3A = arith.constant 1 : i32
    %add3A_1 = arith.addi %mul3A_0, %add3A : i32
    %mul3A_2 = arith.constant 7 : i32
    %mul3A_3 = arith.muli %add3A_1, %mul3A_2 : i32
    %add3A_4 = arith.addi %mul3A_3, %arg1 : i32
    %c0_i32 = arith.constant 0 : i32
    return %add3A_4 : i32
  }
  func.func @transform_2(%arg0: i32, %arg1: i32) -> i32 {
    %mul3A = arith.constant 4 : i32
    %mul3A_0 = arith.muli %mul3A, %arg0 : i32
    %add3A = arith.constant 2 : i32
    %add3A_1 = arith.addi %mul3A_0, %add3A : i32
    %mul3A_2 = arith.constant 7 : i32
    %mul3A_3 = arith.muli %add3A_1, %mul3A_2 : i32
    %add3A_4 = arith.addi %mul3A_3, %arg1 : i32
    %c0_i32 = arith.constant 0 : i32
    return %add3A_4 : i32
  }
  func.func @transform_3(%arg0: i32, %arg1: i32) -> i32 {
    %mul3A = arith.constant 4 : i32
    %mul3A_0 = arith.muli %mul3A, %arg0 : i32
    %add3A = arith.constant 3 : i32
    %add3A_1 = arith.addi %mul3A_0, %add3A : i32
    %mul3A_2 = arith.constant 7 : i32
    %mul3A_3 = arith.muli %add3A_1, %mul3A_2 : i32
    %add3A_4 = arith.addi %mul3A_3, %arg1 : i32
    %c0_i32 = arith.constant 0 : i32
    return %add3A_4 : i32
  }
  func.func @transform_4(%arg0: i32, %arg1: i32) -> (i32, i32) {
    %c0_i32 = arith.constant 0 : i32
    %c0_i32_0 = arith.constant 0 : i32
    %c0_i32_1 = arith.constant 0 : i32
    return %c0_i32, %c0_i32_0 : i32, i32
  }
  func.func @transform_5(%arg0: i32, %arg1: i32) -> (i32, i32) {
    %c0_i32 = arith.constant 0 : i32
    %c0_i32_0 = arith.constant 0 : i32
    %c0_i32_1 = arith.constant 0 : i32
    return %c0_i32, %c0_i32_0 : i32, i32
  }
  func.func @transform_6(%arg0: i32, %arg1: i32) -> (i32, i32) {
    %c0_i32 = arith.constant 0 : i32
    %c0_i32_0 = arith.constant 0 : i32
    %c0_i32_1 = arith.constant 0 : i32
    return %c0_i32, %c0_i32_0 : i32, i32
  }
  func.func @transform_7(%arg0: i32, %arg1: i32) -> (i32, i32) {
    %c0_i32 = arith.constant 0 : i32
    %c0_i32_0 = arith.constant 0 : i32
    %c0_i32_1 = arith.constant 0 : i32
    return %c0_i32, %c0_i32_0 : i32, i32
  }
  func.func @transform_8(%arg0: i32, %arg1: i32) -> (i32, i32) {
    %c0_i32 = arith.constant 0 : i32
    %c0_i32_0 = arith.constant 0 : i32
    %c0_i32_1 = arith.constant 0 : i32
    return %c0_i32, %c0_i32_0 : i32, i32
  }
  func.func @transform_9(%arg0: i32, %arg1: i32) -> (i32, i32) {
    %c0_i32 = arith.constant 0 : i32
    %c0_i32_0 = arith.constant 0 : i32
    %c0_i32_1 = arith.constant 0 : i32
    return %c0_i32, %c0_i32_0 : i32, i32
  }
  func.func @transform_10(%arg0: i32, %arg1: i32) -> (i32, i32, i32) {
    %c0_i32 = arith.constant 0 : i32
    %c0_i32_0 = arith.constant 0 : i32
    %c0_i32_1 = arith.constant 0 : i32
    return %arg0, %c0_i32, %c0_i32_0 : i32, i32, i32
  }
}

</mosaic_0001>

<sc_bundles>
// kernel: kernel.6.cloned.1.call-start
scs
__scs_entry_jumppad:
0x0: {  	(pc) =	sbr.rel $0x88, $3  }
0x1: {  	(tag) =	ssettag $0x0;
	lr =	simm.s32 $0x1  }
0x2: {  	[smem:$0x3F9A] =	sst lr;
	_ =	strace $0xD0000000  }
0x3: {  	_ = 	snop  }
0x4: {  	_ = 	snop  }
0x5: {  	_ = 	snop  }
0x6: {  	_ = 	snop  }
0x7: {  	_ = 	snop  }
__scs_overlays_trampoline_lowered:
0x8: {  	[smem:$0x3FA9] =	sst s0  }
0x9: {  	[smem:$0x3FAA] =	sst s1  }
0xa: {  	[smem:$0x3FAB] =	sst s2  }
0xb: {  	[smem:$0x3FAC] =	sst s3  }
0xc: {  	[smem:$0x3FAD] =	sst s4  }
0xd: {  	[smem:$0x3FAE] =	sst s5  }
0xe: {  	[smem:$0x3FAF] =	sst s6  }
0xf: {  	[smem:$0x3FB0] =	sst s7  }
0x10: {  	[smem:$0x3FB1] =	sst s8  }
0x11: {  	[smem:$0x3FB2] =	sst s9;
	s0 =	simm.s32 @!p0 $0x0  }
0x12: {  	s1 =	sld [smem:$0x3F98];
	s0 =	simm.s32 @p0 $0x1  }
0x13: {  	[smem:$0x3FB3] =	sst s0;
	s0 =	simm.s32 @!p1 $0x0  }
0x14: {  	s2 =	sld [smem:$0x3F97];
	s0 =	simm.s32 @p1 $0x1  }
0x15: {  	[smem:$0x3FB4] =	sst s0;
	s0 =	simm.s32 @!p2 $0x0  }
0x16: {  	s3 =	sld [smem:$0x3FDB];
	s0 =	simm.s32 @p2 $0x1  }
0x17: {  	s4 =	simm.s32 $0x1BF5;
	[smem:$0x3FB6] =	sst s0  }
0x18: {  	s0 =	sld [smem:$0x3F99];
	_ =	swait.ge [sflag:s4], $0x0  }
0x19: {  	s7 =	sld [smem:$0x3F9A]  }
0x1a: {  	s8 =	sadd.s32 $0xFFFFE003, lr  }
0x1b: {  	s9 =	sadd.s32 $0xFFFFFEF7, lr;
	s5 =	simm.s32 $0xFFFFFFFF;
	p2 =	slt.u32 s8, $0xFFFFF086  }
0x1c: {  	p1 =	slt.u32 s9, $0xF7A;
	s5 =	simm.s32 @!p2 $0x0  }
0x1d: {  	s5 =	simm.s32 @p1 $0x1;
	p0 =	seq.s32 s7, s2  }
0x1e: {  	s7 =	smul.u32 @!p0 $0xF7A, s2;
	p2 =	seq.s32 @!p0 s5, $0x0  }
0x1f: {  	s9 =	smul.u32 $0xF7A, s1;
	s8 =	simm.s32 @!p0 $0x1BF5;
	p2 =	por !p2, p0  }
0x20: {  	[sflag:s8] =	ssyncset.s32 @!p0 $0xFFFFF086;
	s6 =	sadd.s32 @!p0 s3, s7;
	s7 =	simm.s32 @!p0 $0x108  }
0x21: {  	s3 =	sadd.s32 s3, s9;
	s6 =	sadd.s32 @!p0 $0x88, s6;
	s7 =	simm.s32 @p2 $0x1082  }
0x22: {  	[simem:s7], [sflag:s8] =	dma.local @!p0 [hbm:s6], $0xF7A  }
0x23: {  	s9 =	sor.u32 $0xD0000000, s2;
	s6 =	simm.s32 $0x108;
	_ =	swait.ge @!p0 [sflag:s8], $0x0  }
0x24: {  	s3 =	sadd.s32 $0x88, s3;
	s6 =	simm.s32 @!p1 $0x1082;
	[sflag:s4] =	ssyncset.s32 $0xFFFFF086  }
0x25: {  	[simem:s6], [sflag:s4] =	dma.local [hbm:s3], $0xF7A  }
0x26: {  	[smem:$0x3F9A] =	sst s1;
	(tag) =	ssettag s2;
	_ =	strace s9  }
0x27: {  	s1 =	sld [smem:$0x3FAA]  }
0x28: {  	s2 =	sld [smem:$0x3FAB]  }
0x29: {  	s4 =	sld [smem:$0x3FAD]  }
0x2a: {  	p0 =	seq.s32 s5, $0x0;
	s5 =	sld [smem:$0x3FAE]  }
0x2b: {  	s6 =	sld [smem:$0x3FAF]  }
0x2c: {  	s7 =	sld [smem:$0x3FB0]  }
0x2d: {  	s3 =	simm.s32 $0x108;
	s8 =	sld [smem:$0x3FB1]  }
0x2e: {  	s3 =	simm.s32 @!p0 $0x1082;
	s9 =	sld [smem:$0x3FB2]  }
0x2f: {  	lr =	sadd.s32 s0, s3;
	s0 =	sld [smem:$0x3FA9]  }
0x30: {  	s3 =	sld [smem:$0x3FAC]  }
0x31: {  	[smem:$0x3FB5] =	sst s10  }
0x32: {  	s10 =	sld [smem:$0x3FB3];
	_ =	sdelay $0x3  }
0x33: {  	p0 =	seq.s32 s10, $0x1;
	s10 =	sld [smem:$0x3FB5];
	_ =	sdelay $0x3  }
0x34: {  	[smem:$0x3FB5] =	sst s10  }
0x35: {  	s10 =	sld [smem:$0x3FB4];
	_ =	sdelay $0x3  }
0x36: {  	p1 =	seq.s32 s10, $0x1;
	s10 =	sld [smem:$0x3FB5];
	_ =	sdelay $0x3  }
0x37: {  	[smem:$0x3FB5] =	sst s10  }
0x38: {  	s10 =	sld [smem:$0x3FB6]  }
0x39: {  	_ = 	snop;
	(pc) =	sbr.ind lr, $3  }
0x3a: {  	_ = 	snop  }
0x3b: {  	_ = 	snop  }
0x3c: {  	p2 =	seq.s32 s10, $0x1;
	s10 =	sld [smem:$0x3FB5]  }
0x3d: {  	_ =	shalt  }
0x3e: {  	_ =	shalt  }
0x3f: {  	_ =	shalt  }
0x40: {  	_ =	shalt  }
0x41: {  	_ =	shalt  }
0x42: {  	_ =	shalt  }
0x43: {  	_ =	shalt  }
0x44: {  	_ =	shalt  }
0x45: {  	_ =	shalt  }
0x46: {  	_ =	shalt  }
0x47: {  	_ =	shalt  }
0x48: {  	_ =	shalt  }
0x49: {  	_ =	shalt  }
0x4a: {  	_ =	shalt  }
0x4b: {  	_ =	shalt  }
0x4c: {  	_ =	shalt  }
0x4d: {  	_ =	shalt  }
0x4e: {  	_ =	shalt  }
0x4f: {  	_ =	shalt  }
0x50: {  	_ =	shalt  }
0x51: {  	_ =	shalt  }
0x52: {  	_ =	shalt  }
0x53: {  	_ =	shalt  }
0x54: {  	_ =	shalt  }
0x55: {  	_ =	shalt  }
0x56: {  	_ =	shalt  }
0x57: {  	_ =	shalt  }
0x58: {  	_ =	shalt  }
0x59: {  	_ =	shalt  }
0x5a: {  	_ =	shalt  }
0x5b: {  	_ =	shalt  }
0x5c: {  	_ =	shalt  }
0x5d: {  	_ =	shalt  }
0x5e: {  	_ =	shalt  }
0x5f: {  	_ =	shalt  }
0x60: {  	_ =	shalt  }
0x61: {  	_ =	shalt  }
0x62: {  	_ =	shalt  }
0x63: {  	_ =	shalt  }
0x64: {  	_ =	shalt  }
0x65: {  	_ =	shalt  }
0x66: {  	_ =	shalt  }
0x67: {  	_ =	shalt  }
0x68: {  	_ =	shalt  }
0x69: {  	_ =	shalt  }
0x6a: {  	_ =	shalt  }
0x6b: {  	_ =	shalt  }
0x6c: {  	_ =	shalt  }
0x6d: {  	_ =	shalt  }
0x6e: {  	_ =	shalt  }
0x6f: {  	_ =	shalt  }
0x70: {  	_ =	shalt  }
0x71: {  	_ =	shalt  }
0x72: {  	_ =	shalt  }
0x73: {  	_ =	shalt  }
0x74: {  	_ =	shalt  }
0x75: {  	_ =	shalt  }
0x76: {  	_ =	shalt  }
0x77: {  	_ =	shalt  }
0x78: {  	_ =	shalt  }
0x79: {  	_ =	shalt  }
0x7a: {  	_ =	shalt  }
0x7b: {  	_ =	shalt  }
0x7c: {  	_ =	shalt  }
0x7d: {  	_ =	shalt  }
0x7e: {  	_ =	shalt  }
0x7f: {  	_ =	shalt  }
0x80: {  	_ =	shalt  }
0x81: {  	_ =	shalt  }
0x82: {  	_ =	shalt  }
0x83: {  	_ =	shalt  }
0x84: {  	_ =	shalt  }
0x85: {  	_ =	shalt  }
0x86: {  	_ =	shalt  }
0x87: {  	_ =	shalt  }
.Lfunc_end0:
.L_simem_size_0:
called_computation_lowered:
.L_overlay_start_0:
0x88: {  	s2 =	sld [smem:$0x3FD9]  }
0x89: {  	s3 =	sld [smem:$0x3FFE];
	_ =	sdelay $0x1  }
0x8a: {  	s1 =	srdreg.scid  }
0x8b: {  	s0 =	sand.u32 $0x1, s1  }
0x8c: {  	s17 =	sshll.u32 s0, $0xA;
	s2 =	sadd.s32 s3, s2  }
0x8d: {  	s2 =	sadd.s32 s2, s17  }
0x8e: {  	[smem:$0x3FC1] =	sst s2  }
0x8f: {  	_ = 	snop  }
0x90: {  	(tm) =	ssettm $0x1  }
0x91: {  	s18 =	sld [smem:$0x3FFB];
	_ =	sdelay $0x3  }
0x92: {  	_ =	strace s18  }
0x93: {  	s2 =	sld [smem:$0x3FFC];
	_ =	sdelay $0x3  }
0x94: {  	_ =	strace s2  }
0x95: {  	s2 =	sld [smem:$0x3FFD];
	_ =	sdelay $0x3  }
0x96: {  	_ =	strace s2  }
0x97: {  	_ =	strace $0x8FFFFFFF  }
0x98: {  	s19 =	sld [smem:$0x3FDB];
	_ =	sdelay $0x1  }
0x99: {  	s20 =	simm.s32 $_scs_section_size  }
0x9a: {  	s4 =	simm.s32 $_size__tile_overlayer_lowered;
	s5 =	simm.s32 $_tile_overlayer_lowered  }
0x9b: {  	s6 =	simm.s32 $0x1BFF;
	s21 =	sshll.u32 s5, $0x1;
	s3 =	sadd.s32 s20, s19  }
0x9c: {  	s22 =	simm.s32 $0x0;
	s4 =	sshll.u32 s4, $0x1;
	s5 =	sadd.s32 s21, s3  }
0x9d: {  	[timem:s22], [sflag:s6] =	dma.local [hbm:s5], s4  }
0x9e: {  	_ =	swait.ge [sflag:s6], s4  }
0x9f: {  	s4 =	ssub.s32 $0x0, s4;
	[sflag:s6] =	ssyncset.done $0x0  }
0xa0: {  	[sflag:s6] =	ssyncadd.s32 s4;
	_ =	sdelay $0x1  }
0xa1: {  	s23 =	simm.s32 $0x1B8B  }
0xa2: {  	_ =	swait.ge [sflag:s23], $0x1  }
0xa3: {  	[sflag:s23] =	ssyncset.done $0x0  }
0xa4: {  	[sflag:s23] =	ssyncadd.s32 $0xFFFFFFFF  }
0xa5: {  	s4 =	sld [smem:$0x0]  }
0xa6: {  	s5 =	sand.u32 $0xFFFFFFFE, s1  }
0xa7: {  	p0 =	sne.s32 s1, s5  }
0xa8: {  	s5 =	sshll.u32 @p0 s5, $0xE  }
0xa9: {  	s5 =	sadd.s32 @p0 $0x11B8D, s5;
	s6 =	sshll.u32 @p0 s4, $0x11  }
0xaa: {  	s5 =	sor.u32 @p0 s6, s5  }
0xab: {  	[sflag:s5] =	ssyncadd.remote.s32 @p0 $0x1;
	_ =	sdelay $0x1  }
0xac: {  	s5 =	simm.s32 @p0 $0x1B8D  }
0xad: {  	_ =	swait.eq @p0 [sflag:s5], $0x1  }
0xae: {  	[sflag:s5] =	ssyncadd.s32 @p0 $0xFFFFFFFF  }
0xaf: {  	s6 =	sshll.u32 @!p0 s1, $0xE  }
0xb0: {  	s6 =	sor.u32 @!p0 $0x4000, s6;
	s5 =	simm.s32 @!p0 $0x1B8D  }
0xb1: {  	s4 =	sshll.u32 @!p0 s4, $0x11;
	s6 =	sadd.s32 @!p0 $0x11B8D, s6;
	_ =	swait.eq @!p0 [sflag:s5], $0x1  }
0xb2: {  	s4 =	sor.u32 @!p0 s4, s6;
	[sflag:s5] =	ssyncadd.s32 @!p0 $0xFFFFFFFF  }
0xb3: {  	s25 =	simm.s32 $0x1B8E;
	s24 =	sld [smem:$0x3FFE];
	[sflag:s4] =	ssyncadd.remote.s32 @!p0 $0x1  }
0xb4: {  	s26 =	simm.s32 $execute0_lowered;
	[smem:$0x3FD2] =	sst s25  }
0xb5: {  	s5 =	sshll.u32 s26, $0x1;
	_ =	strace $0x80000049;
	[dreg:$0x1] =	wrdreg $0xFFFFFFFF  }
0xb6: {  	s28 =	simm.s32 $_size_execute0_lowered;
	s3 =	sadd.s32 s3, s5;
	[dreg:$0x0] =	wrdreg $0x0  }
0xb7: {  	s5 =	sshll.u32 s28, $0x1;
	[dreg:$0x2] =	wrdreg s3  }
0xb8: {  	[dreg:$0x3] =	wrdreg s5  }
0xb9: {  	[dreg:$0x4] =	wrdreg $0xC0  }
0xba: {  	_ =	task [dreg:s22], $0x5FFFF  }
0xbb: {  	[dreg:$0x1] =	wrdreg $0xFFFFFFFF  }
0xbc: {  	[dreg:$0x0] =	wrdreg $0x60  }
0xbd: {  	[dreg:$0x2] =	wrdreg s24  }
0xbe: {  	[dreg:$0x3] =	wrdreg $0x9  }
0xbf: {  	_ =	task.clear_ibuf [dreg:s22], $0x4FFFF;
	_ =	strace $0x90000049  }
0xc0: {  	s29 =	simm.s32 $0x9;
	_ =	strace $0x8000004B  }
0xc1: {  	_ =	swait.ge [sflag:s29], $0x1  }
0xc2: {  	[sflag:s29] =	ssyncadd.s32 $0xFFFFFFFF  }
0xc3: {  	_ =	strace $0x9000004B  }
0xc4: {  	_ =	sfence  }
0xc5: {  	s30 =	sld [smem:$0x0];
	_ =	sdelay $0x2  }
0xc6: {  	s31 =	sshll.u32 s1, $0xD;
	s1 =	sshrl.u32 s1, $0x2  }
0xc7: {  	s4 =	sand.u32 $0x4000, s31;
	s1 =	sadd.s32 s1, s30  }
0xc8: {  	s0 =	sor.u32 s4, s0;
	s1 =	sshll.u32 s1, $0x11  }
0xc9: {  	s0 =	sor.u32 s1, s0  }
0xca: {  	s0 =	sadd.s32 $0x8F2B, s0  }
0xcb: {  	[sflag:s0] =	ssyncadd.remote.s32 $0x1  }
0xcc: {  	_ =	sfence.sel $0xFFFF  }
0xcd: {  	[dreg:$0x0] =	wrdreg $0xFFFFFFFF;
	(pc) =	sbr.abs _section_cstart, $3  }
0xce: {  	[dreg:$0x1] =	wrdreg $0xFFFFFFFF  }
0xcf: {  	_ =	task.clear_ibuf [dreg:s22], $0x2FFFF;
	_ =	strace $0x9FFFFFFF  }
0xd0: {  	(tm) =	ssettm $0x7FFFFFFF  }
0xd1: {  	_ =	shalt  }
tec
execute0_lowered:
.L_overlay_start_1:
0x0: {  	(tag) =	ssettag $0x1  }
0x1: {  	s5 =	stileid.u32  }
0x2: {  	s0 =	srdreg.scid;
	s15 =	rddreg [dreg:$0x0]  }
0x3: {  	s2 =	simm.s32 $0x0;
	s28 =	simm.s32 $0x1CC0;
	s29 =	simm.s32 $0x6900  }
0x4: {  	s30 =	simm.s32 $0x8200;
	s31 =	simm.s32 $0x3700;
	s1 =	sshll.u32 s5, $0x1  }
0x5: {  	s3 =	sand.u32 $0x1, s0;
	[smem:$0x7FF] =	sst s2;
	s5 =	sshrl.u32 s5, $0x2  }
0x6: {  	s16 =	sadd.s32 $0x1200, s15;
	s14 =	sand.u32 $0x6, s1;
	_ =	strace $0x8000004A  }
0x7: {  	s0 =	sor.u32 s3, s14;
	s14 =	smul.u32 $0x30C20, s5;
	s3 =	ssub.s32 $0x2, s3  }
0x8: {  	s1 =	sadd.s32 $0x6A000, s15;
	s4 =	smul.u32 $0x3160, s0;
	s7 =	sshrl.u32 s3, $0x1  }
0x9: {  	s5 =	smul.u32 $0x70000, s5;
	p0 =	seq.s32 s0, $0x0;
	s3 =	ssub.s32 s3, s7  }
0xa: {  	s15 =	sadd.s32 $0x18610, s14;
	s6 =	sadd.s32 $0xFFFFFEC0, s4;
	s18 =	sadd.s32 s14, s4  }
0xb: {  	s19 =	sadd.s32 s15, s4;
	s21 =	sadd.s32 s5, s4;
	s24 =	sshrl.u32 s15, $0x3  }
0xc: {  	s6 =	simm.s32 @p0 $0x184D0;
	s20 =	sshrl.u32 s19, $0x3;
	s19 =	sadd.s32 $0x38000, s5  }
0xd: {  	p0 =	seq.s32 s0, $0x7;
	s8 =	sadd.s32 s14, s6;
	s6 =	sadd.s32 s15, s6  }
0xe: {  	s9 =	sadd.s32 s19, s4;
	s17 =	sshrl.u32 s8, $0x3;
	s6 =	sshrl.u32 s6, $0x3  }
0xf: {  	s9 =	sshrl.u32 s9, $0x3;
	s7 =	sadd.s32 s16, s17;
	s6 =	sadd.s32 s16, s6  }
0x10: {  	s9 =	sadd.s32 s1, s9;
	[dreg:$0x2] =	wrdreg s7;
	s7 =	sshrl.u32 s18, $0x3  }
0x11: {  	[dreg:$0x4] =	wrdreg s6;
	s18 =	sadd.s32 $0x1C000, s5;
	s6 =	sadd.s32 s16, s20  }
0x12: {  	s20 =	sadd.s32 $0x54000, s5;
	s7 =	sadd.s32 s16, s7;
	s22 =	sadd.s32 s18, s4  }
0x13: {  	s10 =	sadd.s32 s20, s4;
	[dreg:$0x3] =	wrdreg s7;
	s7 =	sshrl.u32 s21, $0x3  }
0x14: {  	s8 =	sshrl.u32 s22, $0x3;
	s21 =	sadd.s32 $0x18B0, s4;
	s10 =	sshrl.u32 s10, $0x3  }
0x15: {  	s4 =	sadd.s32 $0x1770, s4;
	s7 =	sadd.s32 s1, s7;
	s8 =	sadd.s32 s1, s8  }
0x16: {  	s17 =	smov.u32 s21;
	s10 =	sadd.s32 s1, s10;
	s11 =	sadd.s32 s14, s4  }
0x17: {  	s4 =	sadd.s32 s15, s4;
	s25 =	sadd.s32 s5, s21;
	s26 =	sadd.s32 s18, s21  }
0x18: {  	s22 =	sadd.s32 s19, s21;
	s17 =	simm.s32 @p0 $0x16C20;
	s11 =	sshrl.u32 s11, $0x3  }
0x19: {  	s4 =	sshrl.u32 s4, $0x3;
	p0 =	sne.s32 s0, $0x7;
	s0 =	simm.s32 $0x0  }
0x1a: {  	s12 =	sadd.s32 s14, s17;
	s11 =	sadd.s32 s16, s11;
	s13 =	sadd.s32 s16, s4  }
0x1b: {  	v0 =	vlaneseq.u32;
	v1 =	vimm.s32 $0x18B4;
	vm0 =	vcmask $0x300;
	s23 =	sadd.s32 s15, s17;
	s14 =	sshrl.u32 s14, $0x3;
	s12 =	sshrl.u32 s12, $0x3  }
0x1c: {  	vm1 =	vcmask $0x704;
	vm2 =	vcmask $0xB08;
	v5 =	vimm.s32 $0x19EF;
	s4 =	sshrl.u32 s23, $0x3;
	s14 =	sadd.s32 s16, s14;
	s23 =	sadd.s32 s20, s21  }
0x1d: {  	v6 =	vimm.s32 $0x1774;
	v7 =	vimm.s32 $0x18AF;
	v0 =	vmul.u32 $0x13C, v0;
	s12 =	sadd.s32 s16, s12;
	s15 =	sadd.s32 s16, s4;
	s16 =	sadd.s32 s16, s24  }
0x1e: {  	v2 =	vsel vm0, $0x1500, v1;
	v5 =	vsel vm0, $0x163B, v5;
	v6 =	vsel vm0, $0x13C0, v6;
	s17 =	sadd.s32 $0x2E4A, s14;
	s18 =	sadd.s32 $0x5F0C, s14;
	s4 =	sshrl.u32 s25, $0x3  }
0x1f: {  	v7 =	vsel vm0, $0x14FB, v7;
	v4 =	vsel vm1, $0x163C, v2;
	v5 =	vsel vm1, $0x1777, v5;
	s24 =	sshrl.u32 s26, $0x3;
	s25 =	sshrl.u32 s22, $0x3;
	s26 =	sshrl.u32 s23, $0x3  }
0x20: {  	v6 =	vsel vm1, $0x14FC, v6;
	v7 =	vsel vm1, $0x1637, v7;
	v1 =	vadd.s32 $0x140, v0;
	s23 =	smax.u32 s3, $0x1;
	s19 =	sadd.s32 s1, s4;
	s20 =	sadd.s32 s1, s24  }
0x21: {  	v2 =	vadd.s32 $0x27B, v0;
	v3 =	vadd.s32 $0x13B, v0;
	v4 =	vsel vm2, $0x1778, v4;
	s21 =	sadd.s32 s1, s25;
	s22 =	sadd.s32 s1, s26;
	s24 =	simm.s32 $0x1  }
0x22: {  	v5 =	vsel vm2, $0x18B3, v5;
	v6 =	vsel vm2, $0x1638, v6;
	v7 =	vsel vm2, $0x1773, v7;
	s25 =	simm.s32 $0x140;
	s26 =	simm.s32 $0x1B80;
	s1 =	simm.s32 $0x5000  }
.LBB2_1:
0x23: {  	s3 =	rddreg [dreg:$0x2]  }
0x24: {  	[tilespmem:s2], [sflag:$0x1] =	stream.linear.gather [hbm4b:s3+s2], $0x140, $0x38;
	[tilespmem:$0x9B00] =	vst v63  }
0x25: {  	_ =	swait.ge [sflag:s24], $0x140  }
0x26: {  	[sflag:s24] =	ssyncset.done $0x0  }
0x27: {  	s4 =	rddreg [dreg:$0x3];
	[sflag:s24] =	ssyncadd.s32 $0xFFFFFEC0  }
0x28: {  	[tilespmem:s25], [sflag:$0x1] =	stream.linear.gather [hbm4b:s4+s2], $0x19F0, $0x38;
	[tilespmem:$0x9B00] =	vst v63  }
0x29: {  	_ =	swait.ge [sflag:s24], $0x19F0  }
0x2a: {  	[sflag:s24] =	ssyncset.done $0x0  }
0x2b: {  	s5 =	rddreg [dreg:$0x4];
	[sflag:s24] =	ssyncadd.s32 $0xFFFFE610  }
0x2c: {  	[tilespmem:s26], [sflag:$0x1] =	stream.linear.gather [hbm4b:s5+s2], $0x140, $0x38;
	[tilespmem:$0x9B00] =	vst v63  }
0x2d: {  	_ =	swait.ge [sflag:s24], $0x140  }
0x2e: {  	[sflag:s24] =	ssyncset.done $0x0  }
0x2f: {  	[sflag:s24] =	ssyncadd.s32 $0xFFFFFEC0  }
0x30: {  	[tilespmem:s28], [sflag:$0x1] =	stream.linear.gather [hbm4b:s6+s2], $0x19F0, $0x38;
	[tilespmem:$0x9B00] =	vst v63  }
0x31: {  	_ =	swait.ge [sflag:s24], $0x19F0  }
0x32: {  	[sflag:s24] =	ssyncset.done $0x0  }
0x33: {  	s4 =	simm.s32 $0x0;
	[sflag:s24] =	ssyncadd.s32 $0xFFFFE610  }
0x34: {  	v8 =	vld [tilespmem:s4+$0x140]  }
0x35: {  	v9 =	vld [tilespmem:s4+$0x1CC0]  }
0x36: {  	v10 =	vld [tilespmem:s4+$0x141]  }
0x37: {  	v11 =	vld [tilespmem:s4+$0x1CC1]  }
0x38: {  	v13 =	vld [tilespmem:s4+$0x27C]  }
0x39: {  	v15 =	vld [tilespmem:s4+$0x1DFC]  }
0x3a: {  	v16 =	vld [tilespmem:s4+$0x4]  }
0x3b: {  	v17 =	vld [tilespmem:s4+$0x1B84]  }
0x3c: {  	v12 =	vld [tilespmem:s4+$0x13F];
	v18 =	vmul.f32 v10, v8;
	v11 =	vmul.f32 v11, v9  }
0x3d: {  	s3 =	simm.s32 $0x10;
	v14 =	vld [tilespmem:s4+$0x1CBF]  }
0x3e: {  	v10 =	vld [tilespmem:s3+$0x140];
	v19 =	vmul.f32 v13, v8;
	v20 =	vmul.f32 v15, v9;
	v18 =	vadd.f32 v11, v18  }
0x3f: {  	v11 =	vld [tilespmem:s3+$0x1CC0]  }
0x40: {  	s5 =	simm.s32 $0x80;
	v13 =	vld [tilespmem:s3+$0x141];
	v15 =	vmul.f32 v16, v8;
	v17 =	vmul.f32 v17, v9;
	v16 =	vadd.f32 v20, v19;
	[tilespmem:s4+$0x8200] =	vst v18  }
.LBB2_2:
0x41: {  	p1 =	sne.s32 s5, $0x6280;
	v18 =	vld [tilespmem:s3+$0x1CC1];
	v12 =	vmul.f32 v12, v8  }
0x42: {  	v19 =	vld [tilespmem:s3+$0x27C];
	[tilespmem:s4+$0x3700] =	vst v16;
	v15 =	vadd.f32 v17, v15;
	v14 =	vmul.f32 v14, v9  }
0x43: {  	v16 =	vld [tilespmem:s3+$0x1DFC];
	v8 =	vmov v10  }
0x44: {  	v17 =	vld [tilespmem:s3+$0x4];
	[tilespmem:s4+$0x5000] =	vst v15;
	v10 =	vadd.f32 v14, v12;
	v9 =	vmov v11  }
0x45: {  	v20 =	vld [tilespmem:s3+$0x1B84]  }
.Ltmp0:
0x46: {  	v11 =	vmul.f32 v13, v8;
	v12 =	vld [tilespmem:s3+$0x13F];
	v13 =	vmul.f32 v18, v9;
	[tilespmem:s4+$0x6900] =	vst v10;
	s4 =	smov.u32 s3;
	(pc) =	sbr.rel @p1 .LBB2_2-.Ltmp0, $4  }
0x47: {  	s3 =	sshra.s32 s5, $0x2;
	v18 =	vmul.f32 v19, v8;
	v14 =	vld [tilespmem:s4+$0x1CBF]  }
0x48: {  	v10 =	vld [tilespmem:s3+$0x140];
	v16 =	vmul.f32 v16, v9;
	v19 =	vadd.f32 v13, v11  }
0x49: {  	v11 =	vld [tilespmem:s3+$0x1CC0];
	v15 =	vmul.f32 v17, v8  }
0x4a: {  	s5 =	sadd.s32 $0x40, s5;
	v13 =	vld [tilespmem:s3+$0x141];
	v16 =	vadd.f32 v16, v18;
	v17 =	vmul.f32 v20, v9;
	[tilespmem:s4+$0x8200] =	vst v19  }
0x4b: {  	v18 =	vld [tilespmem:s3+$0x1CC1]  }
0x4c: {  	v19 =	vld [tilespmem:s3+$0x27C];
	v8 =	vmul.f32 v12, v8;
	[tilespmem:s4+$0x3700] =	vst v16;
	v15 =	vadd.f32 v17, v15;
	v9 =	vmul.f32 v14, v9  }
0x4d: {  	v16 =	vld [tilespmem:s3+$0x1DFC]  }
0x4e: {  	v12 =	vld [tilespmem:s3+$0x4];
	[tilespmem:s4+$0x5000] =	vst v15;
	v8 =	vadd.f32 v9, v8  }
0x4f: {  	v9 =	vld [tilespmem:s3+$0x1B84]  }
0x50: {  	v14 =	vld [tilespmem:s3+$0x13F];
	[tilespmem:s4+$0x6900] =	vst v8  }
0x51: {  	v8 =	vld [tilespmem:s3+$0x1CBF];
	_ =	sdelay $0x1  }
0x52: {  	v13 =	vmul.f32 v13, v10;
	v15 =	vmul.f32 v18, v11  }
0x53: {  	v17 =	vmul.f32 v19, v10;
	v16 =	vmul.f32 v16, v11  }
0x54: {  	v13 =	vadd.f32 v15, v13;
	v12 =	vmul.f32 v12, v10;
	v9 =	vmul.f32 v9, v11  }
0x55: {  	v15 =	vadd.f32 v16, v17;
	v10 =	vmul.f32 v14, v10;
	v8 =	vmul.f32 v8, v11  }
0x56: {  	[tilespmem:s3+$0x8200] =	vst v13;
	v9 =	vadd.f32 v9, v12  }
0x57: {  	[tilespmem:s3+$0x3700] =	vst v15;
	v8 =	vadd.f32 v8, v10  }
0x58: {  	[tilespmem:s3+$0x5000] =	vst v9  }
0x59: {  	[tilespmem:s3+$0x6900] =	vst v8  }
0x5a: {  	v8 =	vld.idx.msk [tilespmem:v1+s2+$0x0], $0xffff  }
0x5b: {  	v9 =	vld.idx.msk [tilespmem:v1+s26+$0x0], $0xffff  }
0x5c: {  	v10 =	vld.idx.msk [tilespmem:v2+s2+$0x0], $0xffff  }
0x5d: {  	v11 =	vld.idx.msk [tilespmem:v2+s26+$0x0], $0xffff;
	_ =	sdelay $0x4  }
0x5e: {  	v8 =	vmul.f32 v10, v8;
	v9 =	vmul.f32 v11, v9;
	_ =	sdelay $0x1  }
0x5f: {  	v8 =	vadd.f32 v9, v8;
	_ =	sdelay $0x1  }
0x60: {  	[tilespmem:v0+s29+$0x0] =	vst.idx.msk $0xffff, v8  }
0x61: {  	[tilespmem:v3+s30+$0x0] =	vst.idx.msk $0xffff, v8  }
0x62: {  	v8 =	vld.idx.msk [tilespmem:v4+s2+$0x0], $0xf  }
0x63: {  	v9 =	vld.idx.msk [tilespmem:v4+s26+$0x0], $0xf  }
0x64: {  	v10 =	vld.idx.msk [tilespmem:v5+s2+$0x0], $0xf  }
0x65: {  	v11 =	vld.idx.msk [tilespmem:v5+s26+$0x0], $0xf;
	_ =	sdelay $0x4  }
0x66: {  	v8 =	vmul.f32 v10, v8;
	v9 =	vmul.f32 v11, v9;
	_ =	sdelay $0x1  }
0x67: {  	v8 =	vadd.f32 v9, v8;
	_ =	sdelay $0x1  }
0x68: {  	[tilespmem:v6+s29+$0x0] =	vst.idx.msk $0xf, v8  }
0x69: {  	[tilespmem:v7+s30+$0x0] =	vst.idx.msk $0xf, v8  }
0x6a: {  	[hbm4b:s7+s2] =	stream.linear.scatter [tilespmem:s31], [sflag:$0x1], $0x18B0, $0x38;
	[tilespmem:$0x9B00] =	vst v63  }
0x6b: {  	_ =	swait.ge [sflag:s24], $0x18B0  }
0x6c: {  	[sflag:s24] =	ssyncset.done $0x0  }
0x6d: {  	[sflag:s24] =	ssyncadd.s32 $0xFFFFE750  }
0x6e: {  	[hbm4b:s8+s2] =	stream.linear.scatter [tilespmem:s1], [sflag:$0x1], $0x18B0, $0x38;
	[tilespmem:$0x9B00] =	vst v63  }
0x6f: {  	_ =	swait.ge [sflag:s24], $0x18B0  }
0x70: {  	[sflag:s24] =	ssyncset.done $0x0  }
0x71: {  	[sflag:s24] =	ssyncadd.s32 $0xFFFFE750  }
0x72: {  	[hbm4b:s9+s2] =	stream.linear.scatter [tilespmem:s29], [sflag:$0x1], $0x18B0, $0x38;
	[tilespmem:$0x9B00] =	vst v63  }
0x73: {  	_ =	swait.ge [sflag:s24], $0x18B0  }
0x74: {  	[sflag:s24] =	ssyncset.done $0x0  }
0x75: {  	[sflag:s24] =	ssyncadd.s32 $0xFFFFE750  }
0x76: {  	[hbm4b:s10+s2] =	stream.linear.scatter [tilespmem:s30], [sflag:$0x1], $0x18B0, $0x38;
	[tilespmem:$0x9B00] =	vst v63  }
0x77: {  	_ =	swait.ge [sflag:s24], $0x18B0  }
0x78: {  	[sflag:s24] =	ssyncset.done $0x0  }
0x79: {  	[sflag:s24] =	ssyncadd.s32 $0xFFFFE750  }
0x7a: {  	[tilespmem:s2], [sflag:$0x1] =	stream.linear.gather [hbm4b:s11+s2], $0x140, $0x38;
	[tilespmem:$0x9B00] =	vst v63  }
0x7b: {  	_ =	swait.ge [sflag:s24], $0x140  }
0x7c: {  	[sflag:s24] =	ssyncset.done $0x0  }
0x7d: {  	[sflag:s24] =	ssyncadd.s32 $0xFFFFFEC0  }
0x7e: {  	[tilespmem:s25], [sflag:$0x1] =	stream.linear.gather [hbm4b:s12+s2], $0x19F0, $0x38;
	[tilespmem:$0x9B00] =	vst v63  }
0x7f: {  	_ =	swait.ge [sflag:s24], $0x19F0  }
0x80: {  	[sflag:s24] =	ssyncset.done $0x0  }
0x81: {  	[sflag:s24] =	ssyncadd.s32 $0xFFFFE610  }
0x82: {  	[tilespmem:s26], [sflag:$0x1] =	stream.linear.gather [hbm4b:s13+s2], $0x140, $0x38;
	[tilespmem:$0x9B00] =	vst v63  }
0x83: {  	_ =	swait.ge [sflag:s24], $0x140  }
0x84: {  	[sflag:s24] =	ssyncset.done $0x0  }
0x85: {  	[sflag:s24] =	ssyncadd.s32 $0xFFFFFEC0  }
0x86: {  	[tilespmem:s28], [sflag:$0x1] =	stream.linear.gather [hbm4b:s15+s2], $0x19F0, $0x38;
	[tilespmem:$0x9B00] =	vst v63  }
0x87: {  	_ =	swait.ge [sflag:s24], $0x19F0  }
0x88: {  	[sflag:s24] =	ssyncset.done $0x0  }
0x89: {  	s4 =	simm.s32 @!p0 $0x140;
	s3 =	simm.s32 @!p0 $0x0;
	[sflag:s24] =	ssyncadd.s32 $0xFFFFE610  }
0x8a: {  	[tilespmem:s4], [sflag:$0x1] =	stream.linear.gather @!p0 [hbm4b:s17+s3], $0x13C0, $0x38;
	[tilespmem:$0x9B00] =	vst v63  }
0x8b: {  	s4 =	simm.s32 @!p0 $0x1  }
0x8c: {  	_ =	swait.ge @!p0 [sflag:s4], $0x13C0  }
0x8d: {  	[sflag:s4] =	ssyncset.done @!p0 $0x0  }
0x8e: {  	s5 =	simm.s32 @!p0 $0x1500;
	[sflag:s4] =	ssyncadd.s32 @!p0 $0xFFFFEC40  }
0x8f: {  	[tilespmem:s5], [sflag:$0x1] =	stream.linear.gather @!p0 [hbm4b:s14+s3], $0x140, $0x38;
	[tilespmem:$0x9B00] =	vst v63  }
0x90: {  	_ =	swait.ge @!p0 [sflag:s4], $0x140  }
0x91: {  	[sflag:s4] =	ssyncset.done @!p0 $0x0  }
0x92: {  	s5 =	simm.s32 @!p0 $0x1CC0;
	[sflag:s4] =	ssyncadd.s32 @!p0 $0xFFFFFEC0  }
0x93: {  	[tilespmem:s5], [sflag:$0x1] =	stream.linear.gather @!p0 [hbm4b:s18+s3], $0x13C0, $0x38;
	[tilespmem:$0x9B00] =	vst v63  }
0x94: {  	_ =	swait.ge @!p0 [sflag:s4], $0x13C0  }
0x95: {  	[sflag:s4] =	ssyncset.done @!p0 $0x0  }
0x96: {  	s5 =	simm.s32 @!p0 $0x3080;
	[sflag:s4] =	ssyncadd.s32 @!p0 $0xFFFFEC40  }
0x97: {  	[tilespmem:s5], [sflag:$0x1] =	stream.linear.gather @!p0 [hbm4b:s16+s3], $0x140, $0x38;
	[tilespmem:$0x9B00] =	vst v63  }
0x98: {  	_ =	swait.ge @!p0 [sflag:s4], $0x140  }
0x99: {  	[sflag:s4] =	ssyncset.done @!p0 $0x0  }
0x9a: {  	[sflag:s4] =	ssyncadd.s32 @!p0 $0xFFFFFEC0;
	s4 =	simm.s32 $0x0  }
0x9b: {  	v8 =	vld [tilespmem:s4+$0x140]  }
0x9c: {  	v9 =	vld [tilespmem:s4+$0x1CC0]  }
0x9d: {  	v10 =	vld [tilespmem:s4+$0x141]  }
0x9e: {  	v11 =	vld [tilespmem:s4+$0x1CC1]  }
0x9f: {  	v13 =	vld [tilespmem:s4+$0x27C]  }
0xa0: {  	v15 =	vld [tilespmem:s4+$0x1DFC]  }
0xa1: {  	v16 =	vld [tilespmem:s4+$0x4]  }
0xa2: {  	v17 =	vld [tilespmem:s4+$0x1B84]  }
0xa3: {  	v12 =	vld [tilespmem:s4+$0x13F];
	v18 =	vmul.f32 v10, v8;
	v11 =	vmul.f32 v11, v9  }
0xa4: {  	s3 =	simm.s32 $0x10;
	v14 =	vld [tilespmem:s4+$0x1CBF]  }
0xa5: {  	v10 =	vld [tilespmem:s3+$0x140];
	v19 =	vmul.f32 v13, v8;
	v20 =	vmul.f32 v15, v9;
	v18 =	vadd.f32 v11, v18  }
0xa6: {  	v11 =	vld [tilespmem:s3+$0x1CC0]  }
0xa7: {  	s5 =	simm.s32 $0x80;
	v13 =	vld [tilespmem:s3+$0x141];
	v15 =	vmul.f32 v16, v8;
	v17 =	vmul.f32 v17, v9;
	v16 =	vadd.f32 v20, v19;
	[tilespmem:s4+$0x8200] =	vst v18  }
.LBB2_4:
0xa8: {  	p1 =	sne.s32 s5, $0x6280;
	v18 =	vld [tilespmem:s3+$0x1CC1];
	v12 =	vmul.f32 v12, v8  }
0xa9: {  	v19 =	vld [tilespmem:s3+$0x27C];
	[tilespmem:s4+$0x3700] =	vst v16;
	v15 =	vadd.f32 v17, v15;
	v14 =	vmul.f32 v14, v9  }
0xaa: {  	v16 =	vld [tilespmem:s3+$0x1DFC];
	v8 =	vmov v10  }
0xab: {  	v17 =	vld [tilespmem:s3+$0x4];
	[tilespmem:s4+$0x5000] =	vst v15;
	v10 =	vadd.f32 v14, v12;
	v9 =	vmov v11  }
0xac: {  	v20 =	vld [tilespmem:s3+$0x1B84]  }
.Ltmp1:
0xad: {  	v11 =	vmul.f32 v13, v8;
	v12 =	vld [tilespmem:s3+$0x13F];
	v13 =	vmul.f32 v18, v9;
	[tilespmem:s4+$0x6900] =	vst v10;
	s4 =	smov.u32 s3;
	(pc) =	sbr.rel @p1 .LBB2_4-.Ltmp1, $4  }
0xae: {  	s3 =	sshra.s32 s5, $0x2;
	v18 =	vmul.f32 v19, v8;
	v14 =	vld [tilespmem:s4+$0x1CBF]  }
0xaf: {  	v10 =	vld [tilespmem:s3+$0x140];
	v16 =	vmul.f32 v16, v9;
	v19 =	vadd.f32 v13, v11  }
0xb0: {  	v11 =	vld [tilespmem:s3+$0x1CC0];
	v15 =	vmul.f32 v17, v8  }
0xb1: {  	s5 =	sadd.s32 $0x40, s5;
	v13 =	vld [tilespmem:s3+$0x141];
	v16 =	vadd.f32 v16, v18;
	v17 =	vmul.f32 v20, v9;
	[tilespmem:s4+$0x8200] =	vst v19  }
0xb2: {  	v18 =	vld [tilespmem:s3+$0x1CC1]  }
0xb3: {  	v19 =	vld [tilespmem:s3+$0x27C];
	v8 =	vmul.f32 v12, v8;
	[tilespmem:s4+$0x3700] =	vst v16;
	v15 =	vadd.f32 v17, v15;
	v9 =	vmul.f32 v14, v9  }
0xb4: {  	v16 =	vld [tilespmem:s3+$0x1DFC]  }
0xb5: {  	v52 =	vld [tilespmem:s3+$0x4];
	[tilespmem:s4+$0x5000] =	vst v15;
	v8 =	vadd.f32 v9, v8  }
0xb6: {  	v53 =	vld [tilespmem:s3+$0x1B84]  }
0xb7: {  	v54 =	vld [tilespmem:s3+$0x13F];
	[tilespmem:s4+$0x6900] =	vst v8  }
0xb8: {  	v8 =	vld [tilespmem:s3+$0x1CBF];
	_ =	sdelay $0x1  }
0xb9: {  	v13 =	vmul.f32 v13, v10;
	v55 =	vmul.f32 v18, v11  }
0xba: {  	v56 =	vmul.f32 v19, v10;
	v16 =	vmul.f32 v16, v11  }
0xbb: {  	v13 =	vadd.f32 v55, v13;
	v12 =	vmul.f32 v52, v10;
	v9 =	vmul.f32 v53, v11  }
0xbc: {  	v57 =	vadd.f32 v16, v56;
	v58 =	vmul.f32 v54, v10;
	v8 =	vmul.f32 v8, v11  }
0xbd: {  	[tilespmem:s3+$0x8200] =	vst v13;
	v9 =	vadd.f32 v9, v12  }
0xbe: {  	[tilespmem:s3+$0x3700] =	vst v57;
	v8 =	vadd.f32 v8, v58  }
0xbf: {  	[tilespmem:s3+$0x5000] =	vst v9  }
0xc0: {  	[tilespmem:s3+$0x6900] =	vst v8  }
0xc1: {  	v8 =	vld.idx.msk [tilespmem:v1+s2+$0x0], $0xffff  }
0xc2: {  	v9 =	vld.idx.msk [tilespmem:v1+s26+$0x0], $0xffff  }
0xc3: {  	v59 =	vld.idx.msk [tilespmem:v2+s2+$0x0], $0xffff  }
0xc4: {  	v60 =	vld.idx.msk [tilespmem:v2+s26+$0x0], $0xffff;
	_ =	sdelay $0x4  }
0xc5: {  	v8 =	vmul.f32 v59, v8;
	v9 =	vmul.f32 v60, v9;
	_ =	sdelay $0x1  }
0xc6: {  	v8 =	vadd.f32 v9, v8;
	_ =	sdelay $0x1  }
0xc7: {  	[tilespmem:v0+s29+$0x0] =	vst.idx.msk $0xffff, v8  }
0xc8: {  	[tilespmem:v3+s30+$0x0] =	vst.idx.msk $0xffff, v8  }
0xc9: {  	v8 =	vld.idx.msk [tilespmem:v4+s2+$0x0], $0xf  }
0xca: {  	v61 =	vld.idx.msk [tilespmem:v4+s26+$0x0], $0xf  }
0xcb: {  	v62 =	vld.idx.msk [tilespmem:v5+s2+$0x0], $0xf  }
0xcc: {  	v63 =	vld.idx.msk [tilespmem:v5+s26+$0x0], $0xf;
	_ =	sdelay $0x4  }
0xcd: {  	v8 =	vmul.f32 v62, v8;
	v9 =	vmul.f32 v63, v61;
	_ =	sdelay $0x1  }
0xce: {  	v8 =	vadd.f32 v9, v8;
	_ =	sdelay $0x1  }
0xcf: {  	[tilespmem:v6+s29+$0x0] =	vst.idx.msk $0xf, v8  }
0xd0: {  	[tilespmem:v7+s30+$0x0] =	vst.idx.msk $0xf, v8  }
0xd1: {  	[hbm4b:s19+s2] =	stream.linear.scatter [tilespmem:s31], [sflag:$0x1], $0x18B0, $0x38;
	[tilespmem:$0x9B00] =	vst v63  }
0xd2: {  	_ =	swait.ge [sflag:s24], $0x18B0  }
0xd3: {  	[sflag:s24] =	ssyncset.done $0x0  }
0xd4: {  	[sflag:s24] =	ssyncadd.s32 $0xFFFFE750  }
0xd5: {  	[hbm4b:s20+s2] =	stream.linear.scatter [tilespmem:s1], [sflag:$0x1], $0x18B0, $0x38;
	[tilespmem:$0x9B00] =	vst v63  }
0xd6: {  	_ =	swait.ge [sflag:s24], $0x18B0  }
0xd7: {  	[sflag:s24] =	ssyncset.done $0x0  }
0xd8: {  	[sflag:s24] =	ssyncadd.s32 $0xFFFFE750  }
0xd9: {  	[hbm4b:s21+s2] =	stream.linear.scatter [tilespmem:s29], [sflag:$0x1], $0x18B0, $0x38;
	[tilespmem:$0x9B00] =	vst v63  }
0xda: {  	s0 =	sadd.s32 $0x1, s0;
	_ =	swait.ge [sflag:s24], $0x18B0  }
0xdb: {  	p1 =	sne.s32 s0, s23;
	[sflag:s24] =	ssyncset.done $0x0  }
.Ltmp2:
0xdc: {  	[sflag:s24] =	ssyncadd.s32 $0xFFFFE750;
	(pc) =	sbr.rel @p1 .LBB2_1-.Ltmp2, $4  }
0xdd: {  	[hbm4b:s22+s2] =	stream.linear.scatter [tilespmem:s30], [sflag:$0x1], $0x18B0, $0x38;
	[tilespmem:$0x9B00] =	vst v63  }
0xde: {  	_ =	swait.ge [sflag:s24], $0x18B0  }
0xdf: {  	[sflag:s24] =	ssyncset.done $0x0  }
0xe0: {  	[sflag:s24] =	ssyncadd.s32 $0xFFFFE750  }
0xe1: {  	_ =	sfence.sel $0x180000  }
0xe2: {  	[bflag:$0x0] =	sbarrier.arrive $0xFFFF  }
0xe3: {  	_ =	strace $0x9000004A  }
0xe4: {  	s0 =	stileid.u32;
	[bflag:$0x2] =	sbarrier.arrive $0xFFFF  }
0xe5: {  	p0 =	sne.s32 s0, $0x0;
	s0 =	rddreg [dreg:$0x1]  }
0xe6: {  	s0 =	sadd.s32 @!p0 $0x100000, s0  }
0xe7: {  	[sflag:s0] =	ssyncadd.tile.s32 @!p0 $0x1;
	_ =	shalt  }
.Lfunc_end2:
_tile_overlayer_lowered:
.L_overlay_start_2:
0xe8: {  	(tag) =	ssettag $0x2  }
0xe9: {  	s0 =	rddreg [dreg:$0x0];
	s2 =	stileid.u32  }
0xea: {  	s1 =	rddreg [dreg:$0x1];
	p0 =	sne.s32 s2, $0x0  }
0xeb: {  	s3 =	rddreg [dreg:$0x2];
	[bflag:$0x3] =	sbarrier.arrive $0xFFFF;
	s2 =	simm.s32 @!p0 $0x1C01  }
0xec: {  	[timem:s3], [sflag:s2] =	dma.local @!p0 [hbm:s0], s1  }
0xed: {  	s0 =	simm.s32 @!p0 $0x1  }
0xee: {  	_ =	swait.ge @!p0 [sflag:s0], s1  }
0xef: {  	s1 =	ssub.s32 @!p0 $0x0, s1;
	[sflag:s0] =	ssyncset.done @!p0 $0x0  }
0xf0: {  	[sflag:s0] =	ssyncadd.s32 @!p0 s1  }
0xf1: {  	[bflag:$0x3] =	sbarrier.arrive $0xFFFF  }
0xf2: {  	_ =	shalt  }

// kernel: kernel.9.cloned.1.call-start
scs
__scs_entry_jumppad:
0x0: {  	(pc) =	sbr.rel $0x88, $3  }
0x1: {  	(tag) =	ssettag $0x0;
	lr =	simm.s32 $0x1  }
0x2: {  	[smem:$0x3F9A] =	sst lr;
	_ =	strace $0xD0000000  }
0x3: {  	_ = 	snop  }
0x4: {  	_ = 	snop  }
0x5: {  	_ = 	snop  }
0x6: {  	_ = 	snop  }
0x7: {  	_ = 	snop  }
__scs_overlays_trampoline_lowered:
0x8: {  	[smem:$0x3FA9] =	sst s0  }
0x9: {  	[smem:$0x3FAA] =	sst s1  }
0xa: {  	[smem:$0x3FAB] =	sst s2  }
0xb: {  	[smem:$0x3FAC] =	sst s3  }
0xc: {  	[smem:$0x3FAD] =	sst s4  }
0xd: {  	[smem:$0x3FAE] =	sst s5  }
0xe: {  	[smem:$0x3FAF] =	sst s6  }
0xf: {  	[smem:$0x3FB0] =	sst s7  }
0x10: {  	[smem:$0x3FB1] =	sst s8  }
0x11: {  	[smem:$0x3FB2] =	sst s9;
	s0 =	simm.s32 @!p0 $0x0  }
0x12: {  	s1 =	sld [smem:$0x3F98];
	s0 =	simm.s32 @p0 $0x1  }
0x13: {  	[smem:$0x3FB3] =	sst s0;
	s0 =	simm.s32 @!p1 $0x0  }
0x14: {  	s2 =	sld [smem:$0x3F97];
	s0 =	simm.s32 @p1 $0x1  }
0x15: {  	[smem:$0x3FB4] =	sst s0;
	s0 =	simm.s32 @!p2 $0x0  }
0x16: {  	s3 =	sld [smem:$0x3FDB];
	s0 =	simm.s32 @p2 $0x1  }
0x17: {  	s4 =	simm.s32 $0x1BF5;
	[smem:$0x3FB6] =	sst s0  }
0x18: {  	s0 =	sld [smem:$0x3F99];
	_ =	swait.ge [sflag:s4], $0x0  }
0x19: {  	s7 =	sld [smem:$0x3F9A]  }
0x1a: {  	s8 =	sadd.s32 $0xFFFFE003, lr  }
0x1b: {  	s9 =	sadd.s32 $0xFFFFFEF7, lr;
	s5 =	simm.s32 $0xFFFFFFFF;
	p2 =	slt.u32 s8, $0xFFFFF086  }
0x1c: {  	p1 =	slt.u32 s9, $0xF7A;
	s5 =	simm.s32 @!p2 $0x0  }
0x1d: {  	s5 =	simm.s32 @p1 $0x1;
	p0 =	seq.s32 s7, s2  }
0x1e: {  	s7 =	smul.u32 @!p0 $0xF7A, s2;
	p2 =	seq.s32 @!p0 s5, $0x0  }
0x1f: {  	s9 =	smul.u32 $0xF7A, s1;
	s8 =	simm.s32 @!p0 $0x1BF5;
	p2 =	por !p2, p0  }
0x20: {  	[sflag:s8] =	ssyncset.s32 @!p0 $0xFFFFF086;
	s6 =	sadd.s32 @!p0 s3, s7;
	s7 =	simm.s32 @!p0 $0x108  }
0x21: {  	s3 =	sadd.s32 s3, s9;
	s6 =	sadd.s32 @!p0 $0x88, s6;
	s7 =	simm.s32 @p2 $0x1082  }
0x22: {  	[simem:s7], [sflag:s8] =	dma.local @!p0 [hbm:s6], $0xF7A  }
0x23: {  	s9 =	sor.u32 $0xD0000000, s2;
	s6 =	simm.s32 $0x108;
	_ =	swait.ge @!p0 [sflag:s8], $0x0  }
0x24: {  	s3 =	sadd.s32 $0x88, s3;
	s6 =	simm.s32 @!p1 $0x1082;
	[sflag:s4] =	ssyncset.s32 $0xFFFFF086  }
0x25: {  	[simem:s6], [sflag:s4] =	dma.local [hbm:s3], $0xF7A  }
0x26: {  	[smem:$0x3F9A] =	sst s1;
	(tag) =	ssettag s2;
	_ =	strace s9  }
0x27: {  	s1 =	sld [smem:$0x3FAA]  }
0x28: {  	s2 =	sld [smem:$0x3FAB]  }
0x29: {  	s4 =	sld [smem:$0x3FAD]  }
0x2a: {  	p0 =	seq.s32 s5, $0x0;
	s5 =	sld [smem:$0x3FAE]  }
0x2b: {  	s6 =	sld [smem:$0x3FAF]  }
0x2c: {  	s7 =	sld [smem:$0x3FB0]  }
0x2d: {  	s3 =	simm.s32 $0x108;
	s8 =	sld [smem:$0x3FB1]  }
0x2e: {  	s3 =	simm.s32 @!p0 $0x1082;
	s9 =	sld [smem:$0x3FB2]  }
0x2f: {  	lr =	sadd.s32 s0, s3;
	s0 =	sld [smem:$0x3FA9]  }
0x30: {  	s3 =	sld [smem:$0x3FAC]  }
0x31: {  	[smem:$0x3FB5] =	sst s10  }
0x32: {  	s10 =	sld [smem:$0x3FB3];
	_ =	sdelay $0x3  }
0x33: {  	p0 =	seq.s32 s10, $0x1;
	s10 =	sld [smem:$0x3FB5];
	_ =	sdelay $0x3  }
0x34: {  	[smem:$0x3FB5] =	sst s10  }
0x35: {  	s10 =	sld [smem:$0x3FB4];
	_ =	sdelay $0x3  }
0x36: {  	p1 =	seq.s32 s10, $0x1;
	s10 =	sld [smem:$0x3FB5];
	_ =	sdelay $0x3  }
0x37: {  	[smem:$0x3FB5] =	sst s10  }
0x38: {  	s10 =	sld [smem:$0x3FB6]  }
0x39: {  	_ = 	snop;
	(pc) =	sbr.ind lr, $3  }
0x3a: {  	_ = 	snop  }
0x3b: {  	_ = 	snop  }
0x3c: {  	p2 =	seq.s32 s10, $0x1;
	s10 =	sld [smem:$0x3FB5]  }
0x3d: {  	_ =	shalt  }
0x3e: {  	_ =	shalt  }
0x3f: {  	_ =	shalt  }
0x40: {  	_ =	shalt  }
0x41: {  	_ =	shalt  }
0x42: {  	_ =	shalt  }
0x43: {  	_ =	shalt  }
0x44: {  	_ =	shalt  }
0x45: {  	_ =	shalt  }
0x46: {  	_ =	shalt  }
0x47: {  	_ =	shalt  }
0x48: {  	_ =	shalt  }
0x49: {  	_ =	shalt  }
0x4a: {  	_ =	shalt  }
0x4b: {  	_ =	shalt  }
0x4c: {  	_ =	shalt  }
0x4d: {  	_ =	shalt  }
0x4e: {  	_ =	shalt  }
0x4f: {  	_ =	shalt  }
0x50: {  	_ =	shalt  }
0x51: {  	_ =	shalt  }
0x52: {  	_ =	shalt  }
0x53: {  	_ =	shalt  }
0x54: {  	_ =	shalt  }
0x55: {  	_ =	shalt  }
0x56: {  	_ =	shalt  }
0x57: {  	_ =	shalt  }
0x58: {  	_ =	shalt  }
0x59: {  	_ =	shalt  }
0x5a: {  	_ =	shalt  }
0x5b: {  	_ =	shalt  }
0x5c: {  	_ =	shalt  }
0x5d: {  	_ =	shalt  }
0x5e: {  	_ =	shalt  }
0x5f: {  	_ =	shalt  }
0x60: {  	_ =	shalt  }
0x61: {  	_ =	shalt  }
0x62: {  	_ =	shalt  }
0x63: {  	_ =	shalt  }
0x64: {  	_ =	shalt  }
0x65: {  	_ =	shalt  }
0x66: {  	_ =	shalt  }
0x67: {  	_ =	shalt  }
0x68: {  	_ =	shalt  }
0x69: {  	_ =	shalt  }
0x6a: {  	_ =	shalt  }
0x6b: {  	_ =	shalt  }
0x6c: {  	_ =	shalt  }
0x6d: {  	_ =	shalt  }
0x6e: {  	_ =	shalt  }
0x6f: {  	_ =	shalt  }
0x70: {  	_ =	shalt  }
0x71: {  	_ =	shalt  }
0x72: {  	_ =	shalt  }
0x73: {  	_ =	shalt  }
0x74: {  	_ =	shalt  }
0x75: {  	_ =	shalt  }
0x76: {  	_ =	shalt  }
0x77: {  	_ =	shalt  }
0x78: {  	_ =	shalt  }
0x79: {  	_ =	shalt  }
0x7a: {  	_ =	shalt  }
0x7b: {  	_ =	shalt  }
0x7c: {  	_ =	shalt  }
0x7d: {  	_ =	shalt  }
0x7e: {  	_ =	shalt  }
0x7f: {  	_ =	shalt  }
0x80: {  	_ =	shalt  }
0x81: {  	_ =	shalt  }
0x82: {  	_ =	shalt  }
0x83: {  	_ =	shalt  }
0x84: {  	_ =	shalt  }
0x85: {  	_ =	shalt  }
0x86: {  	_ =	shalt  }
0x87: {  	_ =	shalt  }
.Lfunc_end0:
.L_simem_size_0:
called_computation.1_lowered:
.L_overlay_start_0:
0x88: {  	s2 =	sld [smem:$0x3FD9]  }
0x89: {  	s3 =	sld [smem:$0x3FFE];
	_ =	sdelay $0x1  }
0x8a: {  	s1 =	srdreg.scid  }
0x8b: {  	s0 =	sand.u32 $0x1, s1  }
0x8c: {  	s16 =	sshll.u32 s0, $0xA;
	s2 =	sadd.s32 s3, s2  }
0x8d: {  	s2 =	sadd.s32 s2, s16  }
0x8e: {  	[smem:$0x3FC1] =	sst s2  }
0x8f: {  	_ = 	snop  }
0x90: {  	(tm) =	ssettm $0x1  }
0x91: {  	s17 =	sld [smem:$0x3FFB];
	_ =	sdelay $0x3  }
0x92: {  	_ =	strace s17  }
0x93: {  	s2 =	sld [smem:$0x3FFC];
	_ =	sdelay $0x3  }
0x94: {  	_ =	strace s2  }
0x95: {  	s2 =	sld [smem:$0x3FFD];
	_ =	sdelay $0x3  }
0x96: {  	_ =	strace s2  }
0x97: {  	_ =	strace $0x8FFFFFFF  }
0x98: {  	s18 =	sld [smem:$0x3FDB];
	_ =	sdelay $0x1  }
0x99: {  	s19 =	simm.s32 $_scs_section_size  }
0x9a: {  	s4 =	simm.s32 $_size__tile_overlayer_lowered;
	s5 =	simm.s32 $_tile_overlayer_lowered  }
0x9b: {  	s22 =	simm.s32 $0x1BFF;
	s21 =	sshll.u32 s5, $0x1;
	s2 =	sadd.s32 s19, s18  }
0x9c: {  	s6 =	simm.s32 $0x0;
	s20 =	sshll.u32 s4, $0x1;
	s4 =	sadd.s32 s21, s2  }
0x9d: {  	[timem:s6], [sflag:s22] =	dma.local [hbm:s4], s20  }
0x9e: {  	_ =	swait.ge [sflag:s22], s20  }
0x9f: {  	s3 =	ssub.s32 $0x0, s20;
	[sflag:s22] =	ssyncset.done $0x0  }
0xa0: {  	[sflag:s22] =	ssyncadd.s32 s3;
	_ =	sdelay $0x1  }
0xa1: {  	s23 =	simm.s32 $0x1B8B  }
0xa2: {  	_ =	swait.ge [sflag:s23], $0x1  }
0xa3: {  	[sflag:s23] =	ssyncset.done $0x0  }
0xa4: {  	s25 =	simm.s32 $0x1B8E;
	s24 =	sld [smem:$0x3FFE];
	[sflag:s23] =	ssyncadd.s32 $0xFFFFFFFF  }
0xa5: {  	s26 =	simm.s32 $execute0_lowered;
	[smem:$0x3FD2] =	sst s25  }
0xa6: {  	s4 =	sshll.u32 s26, $0x1;
	_ =	strace $0x80000046;
	[dreg:$0x1] =	wrdreg $0xFFFFFFFF  }
0xa7: {  	s28 =	simm.s32 $_size_execute0_lowered;
	s2 =	sadd.s32 s2, s4;
	[dreg:$0x0] =	wrdreg $0x0  }
0xa8: {  	s4 =	sshll.u32 s28, $0x1;
	[dreg:$0x2] =	wrdreg s2  }
0xa9: {  	[dreg:$0x3] =	wrdreg s4  }
0xaa: {  	[dreg:$0x4] =	wrdreg $0xC0  }
0xab: {  	_ =	task [dreg:s6], $0x5FFFF  }
0xac: {  	[dreg:$0x1] =	wrdreg $0xFFFFFFFF  }
0xad: {  	[dreg:$0x0] =	wrdreg $0x60  }
0xae: {  	[dreg:$0x2] =	wrdreg s24  }
0xaf: {  	[dreg:$0x3] =	wrdreg $0xA  }
0xb0: {  	_ =	task.clear_ibuf [dreg:s6], $0x4FFFF;
	_ =	strace $0x90000046  }
0xb1: {  	s29 =	simm.s32 $0xA;
	_ =	strace $0x80000048  }
0xb2: {  	_ =	swait.ge [sflag:s29], $0x1  }
0xb3: {  	[sflag:s29] =	ssyncadd.s32 $0xFFFFFFFF  }
0xb4: {  	_ =	strace $0x90000048  }
0xb5: {  	_ =	sfence  }
0xb6: {  	s30 =	sld [smem:$0x0];
	_ =	sdelay $0x2  }
0xb7: {  	s31 =	sshll.u32 s1, $0xD;
	s1 =	sshrl.u32 s1, $0x2  }
0xb8: {  	s3 =	sand.u32 $0x4000, s31;
	s1 =	sadd.s32 s1, s30  }
0xb9: {  	s0 =	sor.u32 s3, s0;
	s1 =	sshll.u32 s1, $0x11  }
0xba: {  	s0 =	sor.u32 s1, s0  }
0xbb: {  	s0 =	sadd.s32 $0x8F2B, s0  }
0xbc: {  	[sflag:s0] =	ssyncadd.remote.s32 $0x1  }
0xbd: {  	_ =	sfence.sel $0xFFFF  }
0xbe: {  	[dreg:$0x0] =	wrdreg $0xFFFFFFFF;
	(pc) =	sbr.abs _section_cstart, $3  }
0xbf: {  	[dreg:$0x1] =	wrdreg $0xFFFFFFFF  }
0xc0: {  	_ =	task.clear_ibuf [dreg:s6], $0x2FFFF;
	_ =	strace $0x9FFFFFFF  }
0xc1: {  	(tm) =	ssettm $0x7FFFFFFF  }
tec
execute0_lowered:
.L_overlay_start_1:
0x0: {  	(tag) =	ssettag $0x1  }
0x1: {  	s5 =	stileid.u32  }
0x2: {  	s0 =	srdreg.scid;
	s3 =	rddreg [dreg:$0x0]  }
0x3: {  	s2 =	simm.s32 $0x0;
	s28 =	simm.s32 $0x1CC0;
	s29 =	simm.s32 $0x6900  }
0x4: {  	s30 =	simm.s32 $0x8200;
	s31 =	simm.s32 $0x3700;
	s1 =	sshll.u32 s5, $0x1  }
0x5: {  	s4 =	sand.u32 $0x1, s0;
	[smem:$0x7FF] =	sst s2;
	s5 =	sshrl.u32 s5, $0x2  }
0x6: {  	s13 =	sadd.s32 $0x1200, s3;
	s16 =	sand.u32 $0x6, s1;
	s12 =	smul.u32 $0x30C20, s5  }
0x7: {  	_ =	strace $0x80000047;
	s5 =	smul.u32 $0x70000, s5;
	s0 =	sor.u32 s4, s16  }
0x8: {  	s1 =	sadd.s32 $0x32000, s3;
	s4 =	ssub.s32 $0x2, s4;
	s14 =	smul.u32 $0x3160, s0  }
0x9: {  	p0 =	seq.s32 s0, $0x0;
	s7 =	sshrl.u32 s4, $0x1;
	s15 =	sadd.s32 $0xC3080, s12  }
0xa: {  	s16 =	sadd.s32 $0xDB690, s12;
	s12 =	sshrl.u32 s12, $0x3;
	s3 =	ssub.s32 s4, s7  }
0xb: {  	s26 =	sshrl.u32 s16, $0x3;
	s6 =	sadd.s32 $0xFFFFFEC0, s14;
	s18 =	sadd.s32 s15, s14  }
0xc: {  	s21 =	sadd.s32 s16, s14;
	s22 =	sadd.s32 s5, s14;
	s9 =	sadd.s32 $0x1770, s14  }
0xd: {  	s6 =	simm.s32 @p0 $0x184D0;
	s7 =	sshrl.u32 s18, $0x3;
	s23 =	sshrl.u32 s22, $0x3  }
0xe: {  	s18 =	sadd.s32 $0x18B0, s14;
	s8 =	sadd.s32 s15, s9;
	p0 =	seq.s32 s0, $0x7  }
0xf: {  	s9 =	sadd.s32 s16, s9;
	s17 =	sadd.s32 s15, s6;
	s6 =	sadd.s32 s16, s6  }
0x10: {  	s19 =	sadd.s32 s13, s7;
	s7 =	sadd.s32 s1, s23;
	s10 =	smov.u32 s18  }
0x11: {  	s8 =	sshrl.u32 s8, $0x3;
	s4 =	sshrl.u32 s17, $0x3;
	[dreg:$0x3] =	wrdreg s19  }
0x12: {  	s20 =	sshrl.u32 s6, $0x3;
	s17 =	sadd.s32 $0x1C000, s5;
	s19 =	sadd.s32 $0x38000, s5  }
0x13: {  	s10 =	simm.s32 @p0 $0x16C20;
	s8 =	sadd.s32 s13, s8;
	p0 =	sne.s32 s0, $0x7  }
0x14: {  	s0 =	simm.s32 $0x0;
	s4 =	sadd.s32 s13, s4;
	s24 =	sadd.s32 s17, s14  }
0x15: {  	s11 =	sadd.s32 s15, s10;
	s22 =	sadd.s32 s16, s10;
	s15 =	sshrl.u32 s15, $0x3  }
0x16: {  	s16 =	sadd.s32 s19, s14;
	[dreg:$0x2] =	wrdreg s4;
	s4 =	sadd.s32 s13, s20  }
0x17: {  	s20 =	sadd.s32 $0x54000, s5;
	s11 =	sshrl.u32 s11, $0x3;
	s25 =	sshrl.u32 s22, $0x3  }
0x18: {  	s23 =	sshrl.u32 s16, $0x3;
	[dreg:$0x4] =	wrdreg s4;
	s4 =	sshrl.u32 s21, $0x3  }
0x19: {  	s21 =	sshrl.u32 s9, $0x3;
	s9 =	sadd.s32 s13, s11;
	s11 =	sadd.s32 s13, s25  }
0x1a: {  	s22 =	sadd.s32 s20, s14;
	s25 =	sadd.s32 s17, s18;
	s6 =	sadd.s32 s13, s4  }
0x1b: {  	s4 =	sshrl.u32 s24, $0x3;
	s10 =	sadd.s32 s13, s21;
	s21 =	sadd.s32 s13, s12  }
0x1c: {  	v0 =	vlaneseq.u32;
	v1 =	vimm.s32 $0x18B4;
	vm0 =	vcmask $0x300;
	s12 =	sadd.s32 s13, s15;
	s13 =	sadd.s32 s13, s26;
	s16 =	sshrl.u32 s22, $0x3  }
0x1d: {  	vm1 =	vcmask $0x704;
	vm2 =	vcmask $0xB08;
	v5 =	vimm.s32 $0x19EF;
	s15 =	sadd.s32 s1, s23;
	s24 =	sadd.s32 s5, s18;
	s26 =	sadd.s32 s19, s18  }
0x1e: {  	v6 =	vimm.s32 $0x1774;
	v7 =	vimm.s32 $0x18AF;
	v0 =	vmul.u32 $0x13C, v0;
	s23 =	sadd.s32 s20, s18;
	s14 =	sadd.s32 s1, s4;
	s16 =	sadd.s32 s1, s16  }
0x1f: {  	v2 =	vsel vm0, $0x1500, v1;
	v5 =	vsel vm0, $0x163B, v5;
	v6 =	vsel vm0, $0x13C0, v6;
	s17 =	sadd.s32 $0x1B45A, s21;
	s18 =	sadd.s32 $0x1E51C, s21;
	s4 =	sshrl.u32 s24, $0x3  }
0x20: {  	v7 =	vsel vm0, $0x14FB, v7;
	v4 =	vsel vm1, $0x163C, v2;
	v5 =	vsel vm1, $0x1777, v5;
	s24 =	sshrl.u32 s25, $0x3;
	s25 =	sshrl.u32 s26, $0x3;
	s26 =	sshrl.u32 s23, $0x3  }
0x21: {  	v6 =	vsel vm1, $0x14FC, v6;
	v7 =	vsel vm1, $0x1637, v7;
	v1 =	vadd.s32 $0x140, v0;
	s23 =	smax.u32 s3, $0x1;
	s19 =	sadd.s32 s1, s4;
	s20 =	sadd.s32 s1, s24  }
0x22: {  	v2 =	vadd.s32 $0x27B, v0;
	v3 =	vadd.s32 $0x13B, v0;
	v4 =	vsel vm2, $0x1778, v4;
	s21 =	sadd.s32 s1, s25;
	s22 =	sadd.s32 s1, s26;
	s24 =	simm.s32 $0x1  }
0x23: {  	v5 =	vsel vm2, $0x18B3, v5;
	v6 =	vsel vm2, $0x1638, v6;
	v7 =	vsel vm2, $0x1773, v7;
	s25 =	simm.s32 $0x140;
	s26 =	simm.s32 $0x1B80;
	s1 =	simm.s32 $0x5000  }
.LBB2_1:
0x24: {  	s3 =	rddreg [dreg:$0x2]  }
0x25: {  	[tilespmem:s2], [sflag:$0x1] =	stream.linear.gather [hbm4b:s3+s2], $0x140, $0x38;
	[tilespmem:$0x9B00] =	vst v63  }
0x26: {  	_ =	swait.ge [sflag:s24], $0x140  }
0x27: {  	[sflag:s24] =	ssyncset.done $0x0  }
0x28: {  	s4 =	rddreg [dreg:$0x3];
	[sflag:s24] =	ssyncadd.s32 $0xFFFFFEC0  }
0x29: {  	[tilespmem:s25], [sflag:$0x1] =	stream.linear.gather [hbm4b:s4+s2], $0x19F0, $0x38;
	[tilespmem:$0x9B00] =	vst v63  }
0x2a: {  	_ =	swait.ge [sflag:s24], $0x19F0  }
0x2b: {  	[sflag:s24] =	ssyncset.done $0x0  }
0x2c: {  	s5 =	rddreg [dreg:$0x4];
	[sflag:s24] =	ssyncadd.s32 $0xFFFFE610  }
0x2d: {  	[tilespmem:s26], [sflag:$0x1] =	stream.linear.gather [hbm4b:s5+s2], $0x140, $0x38;
	[tilespmem:$0x9B00] =	vst v63  }
0x2e: {  	_ =	swait.ge [sflag:s24], $0x140  }
0x2f: {  	[sflag:s24] =	ssyncset.done $0x0  }
0x30: {  	[sflag:s24] =	ssyncadd.s32 $0xFFFFFEC0  }
0x31: {  	[tilespmem:s28], [sflag:$0x1] =	stream.linear.gather [hbm4b:s6+s2], $0x19F0, $0x38;
	[tilespmem:$0x9B00] =	vst v63  }
0x32: {  	_ =	swait.ge [sflag:s24], $0x19F0  }
0x33: {  	[sflag:s24] =	ssyncset.done $0x0  }
0x34: {  	s4 =	simm.s32 $0x0;
	[sflag:s24] =	ssyncadd.s32 $0xFFFFE610  }
0x35: {  	v8 =	vld [tilespmem:s4+$0x140]  }
0x36: {  	v9 =	vld [tilespmem:s4+$0x1CC0]  }
0x37: {  	v10 =	vld [tilespmem:s4+$0x141]  }
0x38: {  	v11 =	vld [tilespmem:s4+$0x1CC1]  }
0x39: {  	v13 =	vld [tilespmem:s4+$0x27C]  }
0x3a: {  	v15 =	vld [tilespmem:s4+$0x1DFC]  }
0x3b: {  	v16 =	vld [tilespmem:s4+$0x4]  }
0x3c: {  	v17 =	vld [tilespmem:s4+$0x1B84]  }
0x3d: {  	v12 =	vld [tilespmem:s4+$0x13F];
	v18 =	vmul.f32 v10, v8;
	v11 =	vmul.f32 v11, v9  }
0x3e: {  	s3 =	simm.s32 $0x10;
	v14 =	vld [tilespmem:s4+$0x1CBF]  }
0x3f: {  	v10 =	vld [tilespmem:s3+$0x140];
	v19 =	vmul.f32 v13, v8;
	v20 =	vmul.f32 v15, v9;
	v18 =	vadd.f32 v11, v18  }
0x40: {  	v11 =	vld [tilespmem:s3+$0x1CC0]  }
0x41: {  	s5 =	simm.s32 $0x80;
	v13 =	vld [tilespmem:s3+$0x141];
	v15 =	vmul.f32 v16, v8;
	v17 =	vmul.f32 v17, v9;
	v16 =	vadd.f32 v20, v19;
	[tilespmem:s4+$0x8200] =	vst v18  }
.LBB2_2:
0x42: {  	p1 =	sne.s32 s5, $0x6280;
	v18 =	vld [tilespmem:s3+$0x1CC1];
	v12 =	vmul.f32 v12, v8  }
0x43: {  	v19 =	vld [tilespmem:s3+$0x27C];
	[tilespmem:s4+$0x3700] =	vst v16;
	v15 =	vadd.f32 v17, v15;
	v14 =	vmul.f32 v14, v9  }
0x44: {  	v16 =	vld [tilespmem:s3+$0x1DFC];
	v8 =	vmov v10  }
0x45: {  	v17 =	vld [tilespmem:s3+$0x4];
	[tilespmem:s4+$0x5000] =	vst v15;
	v10 =	vadd.f32 v14, v12;
	v9 =	vmov v11  }
0x46: {  	v20 =	vld [tilespmem:s3+$0x1B84]  }
.Ltmp0:
0x47: {  	v11 =	vmul.f32 v13, v8;
	v12 =	vld [tilespmem:s3+$0x13F];
	v13 =	vmul.f32 v18, v9;
	[tilespmem:s4+$0x6900] =	vst v10;
	s4 =	smov.u32 s3;
	(pc) =	sbr.rel @p1 .LBB2_2-.Ltmp0, $4  }
0x48: {  	s3 =	sshra.s32 s5, $0x2;
	v18 =	vmul.f32 v19, v8;
	v14 =	vld [tilespmem:s4+$0x1CBF]  }
0x49: {  	v10 =	vld [tilespmem:s3+$0x140];
	v16 =	vmul.f32 v16, v9;
	v19 =	vadd.f32 v13, v11  }
0x4a: {  	v11 =	vld [tilespmem:s3+$0x1CC0];
	v15 =	vmul.f32 v17, v8  }
0x4b: {  	s5 =	sadd.s32 $0x40, s5;
	v13 =	vld [tilespmem:s3+$0x141];
	v16 =	vadd.f32 v16, v18;
	v17 =	vmul.f32 v20, v9;
	[tilespmem:s4+$0x8200] =	vst v19  }
0x4c: {  	v18 =	vld [tilespmem:s3+$0x1CC1]  }
0x4d: {  	v19 =	vld [tilespmem:s3+$0x27C];
	v8 =	vmul.f32 v12, v8;
	[tilespmem:s4+$0x3700] =	vst v16;
	v15 =	vadd.f32 v17, v15;
	v9 =	vmul.f32 v14, v9  }
0x4e: {  	v16 =	vld [tilespmem:s3+$0x1DFC]  }
0x4f: {  	v12 =	vld [tilespmem:s3+$0x4];
	[tilespmem:s4+$0x5000] =	vst v15;
	v8 =	vadd.f32 v9, v8  }
0x50: {  	v9 =	vld [tilespmem:s3+$0x1B84]  }
0x51: {  	v14 =	vld [tilespmem:s3+$0x13F];
	[tilespmem:s4+$0x6900] =	vst v8  }
0x52: {  	v8 =	vld [tilespmem:s3+$0x1CBF];
	_ =	sdelay $0x1  }
0x53: {  	v13 =	vmul.f32 v13, v10;
	v15 =	vmul.f32 v18, v11  }
0x54: {  	v17 =	vmul.f32 v19, v10;
	v16 =	vmul.f32 v16, v11  }
0x55: {  	v13 =	vadd.f32 v15, v13;
	v12 =	vmul.f32 v12, v10;
	v9 =	vmul.f32 v9, v11  }
0x56: {  	v15 =	vadd.f32 v16, v17;
	v10 =	vmul.f32 v14, v10;
	v8 =	vmul.f32 v8, v11  }
0x57: {  	[tilespmem:s3+$0x8200] =	vst v13;
	v9 =	vadd.f32 v9, v12  }
0x58: {  	[tilespmem:s3+$0x3700] =	vst v15;
	v8 =	vadd.f32 v8, v10  }
0x59: {  	[tilespmem:s3+$0x5000] =	vst v9  }
0x5a: {  	[tilespmem:s3+$0x6900] =	vst v8  }
0x5b: {  	v8 =	vld.idx.msk [tilespmem:v1+s2+$0x0], $0xffff  }
0x5c: {  	v9 =	vld.idx.msk [tilespmem:v1+s26+$0x0], $0xffff  }
0x5d: {  	v10 =	vld.idx.msk [tilespmem:v2+s2+$0x0], $0xffff  }
0x5e: {  	v11 =	vld.idx.msk [tilespmem:v2+s26+$0x0], $0xffff;
	_ =	sdelay $0x4  }
0x5f: {  	v8 =	vmul.f32 v10, v8;
	v9 =	vmul.f32 v11, v9;
	_ =	sdelay $0x1  }
0x60: {  	v8 =	vadd.f32 v9, v8;
	_ =	sdelay $0x1  }
0x61: {  	[tilespmem:v0+s29+$0x0] =	vst.idx.msk $0xffff, v8  }
0x62: {  	[tilespmem:v3+s30+$0x0] =	vst.idx.msk $0xffff, v8  }
0x63: {  	v8 =	vld.idx.msk [tilespmem:v4+s2+$0x0], $0xf  }
0x64: {  	v9 =	vld.idx.msk [tilespmem:v4+s26+$0x0], $0xf  }
0x65: {  	v10 =	vld.idx.msk [tilespmem:v5+s2+$0x0], $0xf  }
0x66: {  	v11 =	vld.idx.msk [tilespmem:v5+s26+$0x0], $0xf;
	_ =	sdelay $0x4  }
0x67: {  	v8 =	vmul.f32 v10, v8;
	v9 =	vmul.f32 v11, v9;
	_ =	sdelay $0x1  }
0x68: {  	v8 =	vadd.f32 v9, v8;
	_ =	sdelay $0x1  }
0x69: {  	[tilespmem:v6+s29+$0x0] =	vst.idx.msk $0xf, v8  }
0x6a: {  	[tilespmem:v7+s30+$0x0] =	vst.idx.msk $0xf, v8  }
0x6b: {  	[hbm4b:s7+s2] =	stream.linear.scatter [tilespmem:s31], [sflag:$0x1], $0x18B0, $0x38;
	[tilespmem:$0x9B00] =	vst v63  }
0x6c: {  	_ =	swait.ge [sflag:s24], $0x18B0  }
0x6d: {  	[sflag:s24] =	ssyncset.done $0x0  }
0x6e: {  	[sflag:s24] =	ssyncadd.s32 $0xFFFFE750  }
0x6f: {  	[hbm4b:s14+s2] =	stream.linear.scatter [tilespmem:s1], [sflag:$0x1], $0x18B0, $0x38;
	[tilespmem:$0x9B00] =	vst v63  }
0x70: {  	_ =	swait.ge [sflag:s24], $0x18B0  }
0x71: {  	[sflag:s24] =	ssyncset.done $0x0  }
0x72: {  	[sflag:s24] =	ssyncadd.s32 $0xFFFFE750  }
0x73: {  	[hbm4b:s15+s2] =	stream.linear.scatter [tilespmem:s29], [sflag:$0x1], $0x18B0, $0x38;
	[tilespmem:$0x9B00] =	vst v63  }
0x74: {  	_ =	swait.ge [sflag:s24], $0x18B0  }
0x75: {  	[sflag:s24] =	ssyncset.done $0x0  }
0x76: {  	[sflag:s24] =	ssyncadd.s32 $0xFFFFE750  }
0x77: {  	[hbm4b:s16+s2] =	stream.linear.scatter [tilespmem:s30], [sflag:$0x1], $0x18B0, $0x38;
	[tilespmem:$0x9B00] =	vst v63  }
0x78: {  	_ =	swait.ge [sflag:s24], $0x18B0  }
0x79: {  	[sflag:s24] =	ssyncset.done $0x0  }
0x7a: {  	[sflag:s24] =	ssyncadd.s32 $0xFFFFE750  }
0x7b: {  	[tilespmem:s2], [sflag:$0x1] =	stream.linear.gather [hbm4b:s8+s2], $0x140, $0x38;
	[tilespmem:$0x9B00] =	vst v63  }
0x7c: {  	_ =	swait.ge [sflag:s24], $0x140  }
0x7d: {  	[sflag:s24] =	ssyncset.done $0x0  }
0x7e: {  	[sflag:s24] =	ssyncadd.s32 $0xFFFFFEC0  }
0x7f: {  	[tilespmem:s25], [sflag:$0x1] =	stream.linear.gather [hbm4b:s9+s2], $0x19F0, $0x38;
	[tilespmem:$0x9B00] =	vst v63  }
0x80: {  	_ =	swait.ge [sflag:s24], $0x19F0  }
0x81: {  	[sflag:s24] =	ssyncset.done $0x0  }
0x82: {  	[sflag:s24] =	ssyncadd.s32 $0xFFFFE610  }
0x83: {  	[tilespmem:s26], [sflag:$0x1] =	stream.linear.gather [hbm4b:s10+s2], $0x140, $0x38;
	[tilespmem:$0x9B00] =	vst v63  }
0x84: {  	_ =	swait.ge [sflag:s24], $0x140  }
0x85: {  	[sflag:s24] =	ssyncset.done $0x0  }
0x86: {  	[sflag:s24] =	ssyncadd.s32 $0xFFFFFEC0  }
0x87: {  	[tilespmem:s28], [sflag:$0x1] =	stream.linear.gather [hbm4b:s11+s2], $0x19F0, $0x38;
	[tilespmem:$0x9B00] =	vst v63  }
0x88: {  	_ =	swait.ge [sflag:s24], $0x19F0  }
0x89: {  	[sflag:s24] =	ssyncset.done $0x0  }
0x8a: {  	s4 =	simm.s32 @!p0 $0x140;
	s3 =	simm.s32 @!p0 $0x0;
	[sflag:s24] =	ssyncadd.s32 $0xFFFFE610  }
0x8b: {  	[tilespmem:s4], [sflag:$0x1] =	stream.linear.gather @!p0 [hbm4b:s17+s3], $0x13C0, $0x38;
	[tilespmem:$0x9B00] =	vst v63  }
0x8c: {  	s4 =	simm.s32 @!p0 $0x1  }
0x8d: {  	_ =	swait.ge @!p0 [sflag:s4], $0x13C0  }
0x8e: {  	[sflag:s4] =	ssyncset.done @!p0 $0x0  }
0x8f: {  	s5 =	simm.s32 @!p0 $0x1500;
	[sflag:s4] =	ssyncadd.s32 @!p0 $0xFFFFEC40  }
0x90: {  	[tilespmem:s5], [sflag:$0x1] =	stream.linear.gather @!p0 [hbm4b:s12+s3], $0x140, $0x38;
	[tilespmem:$0x9B00] =	vst v63  }
0x91: {  	_ =	swait.ge @!p0 [sflag:s4], $0x140  }
0x92: {  	[sflag:s4] =	ssyncset.done @!p0 $0x0  }
0x93: {  	s5 =	simm.s32 @!p0 $0x1CC0;
	[sflag:s4] =	ssyncadd.s32 @!p0 $0xFFFFFEC0  }
0x94: {  	[tilespmem:s5], [sflag:$0x1] =	stream.linear.gather @!p0 [hbm4b:s18+s3], $0x13C0, $0x38;
	[tilespmem:$0x9B00] =	vst v63  }
0x95: {  	_ =	swait.ge @!p0 [sflag:s4], $0x13C0  }
0x96: {  	[sflag:s4] =	ssyncset.done @!p0 $0x0  }
0x97: {  	s5 =	simm.s32 @!p0 $0x3080;
	[sflag:s4] =	ssyncadd.s32 @!p0 $0xFFFFEC40  }
0x98: {  	[tilespmem:s5], [sflag:$0x1] =	stream.linear.gather @!p0 [hbm4b:s13+s3], $0x140, $0x38;
	[tilespmem:$0x9B00] =	vst v63  }
0x99: {  	_ =	swait.ge @!p0 [sflag:s4], $0x140  }
0x9a: {  	[sflag:s4] =	ssyncset.done @!p0 $0x0  }
0x9b: {  	[sflag:s4] =	ssyncadd.s32 @!p0 $0xFFFFFEC0;
	s4 =	simm.s32 $0x0  }
0x9c: {  	v8 =	vld [tilespmem:s4+$0x140]  }
0x9d: {  	v9 =	vld [tilespmem:s4+$0x1CC0]  }
0x9e: {  	v10 =	vld [tilespmem:s4+$0x141]  }
0x9f: {  	v11 =	vld [tilespmem:s4+$0x1CC1]  }
0xa0: {  	v13 =	vld [tilespmem:s4+$0x27C]  }
0xa1: {  	v15 =	vld [tilespmem:s4+$0x1DFC]  }
0xa2: {  	v16 =	vld [tilespmem:s4+$0x4]  }
0xa3: {  	v17 =	vld [tilespmem:s4+$0x1B84]  }
0xa4: {  	v12 =	vld [tilespmem:s4+$0x13F];
	v18 =	vmul.f32 v10, v8;
	v11 =	vmul.f32 v11, v9  }
0xa5: {  	s3 =	simm.s32 $0x10;
	v14 =	vld [tilespmem:s4+$0x1CBF]  }
0xa6: {  	v10 =	vld [tilespmem:s3+$0x140];
	v19 =	vmul.f32 v13, v8;
	v20 =	vmul.f32 v15, v9;
	v18 =	vadd.f32 v11, v18  }
0xa7: {  	v11 =	vld [tilespmem:s3+$0x1CC0]  }
0xa8: {  	s5 =	simm.s32 $0x80;
	v13 =	vld [tilespmem:s3+$0x141];
	v15 =	vmul.f32 v16, v8;
	v17 =	vmul.f32 v17, v9;
	v16 =	vadd.f32 v20, v19;
	[tilespmem:s4+$0x8200] =	vst v18  }
.LBB2_4:
0xa9: {  	p1 =	sne.s32 s5, $0x6280;
	v18 =	vld [tilespmem:s3+$0x1CC1];
	v12 =	vmul.f32 v12, v8  }
0xaa: {  	v19 =	vld [tilespmem:s3+$0x27C];
	[tilespmem:s4+$0x3700] =	vst v16;
	v15 =	vadd.f32 v17, v15;
	v14 =	vmul.f32 v14, v9  }
0xab: {  	v16 =	vld [tilespmem:s3+$0x1DFC];
	v8 =	vmov v10  }
0xac: {  	v17 =	vld [tilespmem:s3+$0x4];
	[tilespmem:s4+$0x5000] =	vst v15;
	v10 =	vadd.f32 v14, v12;
	v9 =	vmov v11  }
0xad: {  	v20 =	vld [tilespmem:s3+$0x1B84]  }
.Ltmp1:
0xae: {  	v11 =	vmul.f32 v13, v8;
	v12 =	vld [tilespmem:s3+$0x13F];
	v13 =	vmul.f32 v18, v9;
	[tilespmem:s4+$0x6900] =	vst v10;
	s4 =	smov.u32 s3;
	(pc) =	sbr.rel @p1 .LBB2_4-.Ltmp1, $4  }
0xaf: {  	s3 =	sshra.s32 s5, $0x2;
	v18 =	vmul.f32 v19, v8;
	v14 =	vld [tilespmem:s4+$0x1CBF]  }
0xb0: {  	v10 =	vld [tilespmem:s3+$0x140];
	v16 =	vmul.f32 v16, v9;
	v19 =	vadd.f32 v13, v11  }
0xb1: {  	v11 =	vld [tilespmem:s3+$0x1CC0];
	v15 =	vmul.f32 v17, v8  }
0xb2: {  	s5 =	sadd.s32 $0x40, s5;
	v13 =	vld [tilespmem:s3+$0x141];
	v16 =	vadd.f32 v16, v18;
	v17 =	vmul.f32 v20, v9;
	[tilespmem:s4+$0x8200] =	vst v19  }
0xb3: {  	v18 =	vld [tilespmem:s3+$0x1CC1]  }
0xb4: {  	v19 =	vld [tilespmem:s3+$0x27C];
	v8 =	vmul.f32 v12, v8;
	[tilespmem:s4+$0x3700] =	vst v16;
	v15 =	vadd.f32 v17, v15;
	v9 =	vmul.f32 v14, v9  }
0xb5: {  	v16 =	vld [tilespmem:s3+$0x1DFC]  }
0xb6: {  	v52 =	vld [tilespmem:s3+$0x4];
	[tilespmem:s4+$0x5000] =	vst v15;
	v8 =	vadd.f32 v9, v8  }
0xb7: {  	v53 =	vld [tilespmem:s3+$0x1B84]  }
0xb8: {  	v54 =	vld [tilespmem:s3+$0x13F];
	[tilespmem:s4+$0x6900] =	vst v8  }
0xb9: {  	v8 =	vld [tilespmem:s3+$0x1CBF];
	_ =	sdelay $0x1  }
0xba: {  	v13 =	vmul.f32 v13, v10;
	v55 =	vmul.f32 v18, v11  }
0xbb: {  	v56 =	vmul.f32 v19, v10;
	v16 =	vmul.f32 v16, v11  }
0xbc: {  	v13 =	vadd.f32 v55, v13;
	v12 =	vmul.f32 v52, v10;
	v9 =	vmul.f32 v53, v11  }
0xbd: {  	v57 =	vadd.f32 v16, v56;
	v58 =	vmul.f32 v54, v10;
	v8 =	vmul.f32 v8, v11  }
0xbe: {  	[tilespmem:s3+$0x8200] =	vst v13;
	v9 =	vadd.f32 v9, v12  }
0xbf: {  	[tilespmem:s3+$0x3700] =	vst v57;
	v8 =	vadd.f32 v8, v58  }
0xc0: {  	[tilespmem:s3+$0x5000] =	vst v9  }
0xc1: {  	[tilespmem:s3+$0x6900] =	vst v8  }
0xc2: {  	v8 =	vld.idx.msk [tilespmem:v1+s2+$0x0], $0xffff  }
0xc3: {  	v9 =	vld.idx.msk [tilespmem:v1+s26+$0x0], $0xffff  }
0xc4: {  	v59 =	vld.idx.msk [tilespmem:v2+s2+$0x0], $0xffff  }
0xc5: {  	v60 =	vld.idx.msk [tilespmem:v2+s26+$0x0], $0xffff;
	_ =	sdelay $0x4  }
0xc6: {  	v8 =	vmul.f32 v59, v8;
	v9 =	vmul.f32 v60, v9;
	_ =	sdelay $0x1  }
0xc7: {  	v8 =	vadd.f32 v9, v8;
	_ =	sdelay $0x1  }
0xc8: {  	[tilespmem:v0+s29+$0x0] =	vst.idx.msk $0xffff, v8  }
0xc9: {  	[tilespmem:v3+s30+$0x0] =	vst.idx.msk $0xffff, v8  }
0xca: {  	v8 =	vld.idx.msk [tilespmem:v4+s2+$0x0], $0xf  }
0xcb: {  	v61 =	vld.idx.msk [tilespmem:v4+s26+$0x0], $0xf  }
0xcc: {  	v62 =	vld.idx.msk [tilespmem:v5+s2+$0x0], $0xf  }
0xcd: {  	v63 =	vld.idx.msk [tilespmem:v5+s26+$0x0], $0xf;
	_ =	sdelay $0x4  }
0xce: {  	v8 =	vmul.f32 v62, v8;
	v9 =	vmul.f32 v63, v61;
	_ =	sdelay $0x1  }
0xcf: {  	v8 =	vadd.f32 v9, v8;
	_ =	sdelay $0x1  }
0xd0: {  	[tilespmem:v6+s29+$0x0] =	vst.idx.msk $0xf, v8  }
0xd1: {  	[tilespmem:v7+s30+$0x0] =	vst.idx.msk $0xf, v8  }
0xd2: {  	[hbm4b:s19+s2] =	stream.linear.scatter [tilespmem:s31], [sflag:$0x1], $0x18B0, $0x38;
	[tilespmem:$0x9B00] =	vst v63  }
0xd3: {  	_ =	swait.ge [sflag:s24], $0x18B0  }
0xd4: {  	[sflag:s24] =	ssyncset.done $0x0  }
0xd5: {  	[sflag:s24] =	ssyncadd.s32 $0xFFFFE750  }
0xd6: {  	[hbm4b:s20+s2] =	stream.linear.scatter [tilespmem:s1], [sflag:$0x1], $0x18B0, $0x38;
	[tilespmem:$0x9B00] =	vst v63  }
0xd7: {  	_ =	swait.ge [sflag:s24], $0x18B0  }
0xd8: {  	[sflag:s24] =	ssyncset.done $0x0  }
0xd9: {  	[sflag:s24] =	ssyncadd.s32 $0xFFFFE750  }
0xda: {  	[hbm4b:s21+s2] =	stream.linear.scatter [tilespmem:s29], [sflag:$0x1], $0x18B0, $0x38;
	[tilespmem:$0x9B00] =	vst v63  }
0xdb: {  	s0 =	sadd.s32 $0x1, s0;
	_ =	swait.ge [sflag:s24], $0x18B0  }
0xdc: {  	p1 =	sne.s32 s0, s23;
	[sflag:s24] =	ssyncset.done $0x0  }
.Ltmp2:
0xdd: {  	[sflag:s24] =	ssyncadd.s32 $0xFFFFE750;
	(pc) =	sbr.rel @p1 .LBB2_1-.Ltmp2, $4  }
0xde: {  	[hbm4b:s22+s2] =	stream.linear.scatter [tilespmem:s30], [sflag:$0x1], $0x18B0, $0x38;
	[tilespmem:$0x9B00] =	vst v63  }
0xdf: {  	_ =	swait.ge [sflag:s24], $0x18B0  }
0xe0: {  	[sflag:s24] =	ssyncset.done $0x0  }
0xe1: {  	[sflag:s24] =	ssyncadd.s32 $0xFFFFE750  }
0xe2: {  	_ =	sfence.sel $0x180000  }
0xe3: {  	[bflag:$0x0] =	sbarrier.arrive $0xFFFF  }
0xe4: {  	_ =	strace $0x90000047  }
0xe5: {  	s0 =	stileid.u32;
	[bflag:$0x2] =	sbarrier.arrive $0xFFFF  }
0xe6: {  	p0 =	sne.s32 s0, $0x0;
	s0 =	rddreg [dreg:$0x1]  }
0xe7: {  	s0 =	sadd.s32 @!p0 $0x100000, s0  }
0xe8: {  	[sflag:s0] =	ssyncadd.tile.s32 @!p0 $0x1;
	_ =	shalt  }
.Lfunc_end2:
_tile_overlayer_lowered:
.L_overlay_start_2:
0xe9: {  	(tag) =	ssettag $0x2  }
0xea: {  	s0 =	rddreg [dreg:$0x0];
	s2 =	stileid.u32  }
0xeb: {  	s1 =	rddreg [dreg:$0x1];
	p0 =	sne.s32 s2, $0x0  }
0xec: {  	s3 =	rddreg [dreg:$0x2];
	[bflag:$0x3] =	sbarrier.arrive $0xFFFF;
	s2 =	simm.s32 @!p0 $0x1C01  }
0xed: {  	[timem:s3], [sflag:s2] =	dma.local @!p0 [hbm:s0], s1  }
0xee: {  	s0 =	simm.s32 @!p0 $0x1  }
0xef: {  	_ =	swait.ge @!p0 [sflag:s0], s1  }
0xf0: {  	s1 =	ssub.s32 @!p0 $0x0, s1;
	[sflag:s0] =	ssyncset.done @!p0 $0x0  }
0xf1: {  	[sflag:s0] =	ssyncadd.s32 @!p0 s1  }
0xf2: {  	[bflag:$0x3] =	sbarrier.arrive $0xFFFF  }
0xf3: {  	_ =	shalt  }

</sc_bundles>
